<compile_context>
chip_gen: v7x
topology: tpu7x:2x2x1
jax: 0.10.2.dev20260603
libtpu: 0.0.44.dev20260713+nightly
codegen_flags: <defaults>
</compile_context>

<pallas_src>
import functools

import jax
import jax.numpy as jnp
from jax import lax
from jax.experimental import pallas as pl
from jax.experimental.pallas import tpu as pltpu
from jax.experimental.pallas import tpu_sc as plsc

N_NODES = 10000
N_EDGES = 320000
D = 128

NC = 2
NS = 16
NW = NC * NS
NP = 10240
RT = NP // NS
EW = N_EDGES // NW
CH = 80
NCHUNK = EW // CH
NB = 4
NG = (NCHUNK - 1) // NB

_MESH = dict(core_axis_name="c", subcore_axis_name="s")


def _sc_sum_body(src_h, dst_h, xh, zrow, sum_out,
                 srcv, dstv, rows, gsem, ssem, sum_sh):
    c = lax.axis_index("c")
    s = lax.axis_index("s")
    wid = c * NS + s
    r0 = s * RT
    pltpu.sync_copy(zrow, sum_sh.at[pl.ds(r0, RT)])
    plsc.subcore_barrier()

    base = wid * EW
    pltpu.sync_copy(src_h.at[pl.ds(base, CH)], srcv.at[0])
    pltpu.sync_copy(dst_h.at[pl.ds(base, CH)], dstv.at[0])
    pltpu.async_copy(xh.at[srcv.at[0]], rows.at[0], gsem.at[0]).wait()
    pltpu.async_copy(rows.at[0], sum_sh.at[dstv.at[0]], ssem.at[0],
                     add=True).wait()

    def body(g, carry):
        base0 = wid * EW + CH + g * (NB * CH)
        gd = []
        for b in range(NB):
            base = base0 + b * CH
            pltpu.sync_copy(src_h.at[pl.ds(base, CH)], srcv.at[b])
            pltpu.sync_copy(dst_h.at[pl.ds(base, CH)], dstv.at[b])
            gd.append(pltpu.async_copy(xh.at[srcv.at[b]], rows.at[b],
                                       gsem.at[b]))
        sd = []
        for b in range(NB):
            gd[b].wait()
            sd.append(pltpu.async_copy(rows.at[b], sum_sh.at[dstv.at[b]],
                                       ssem.at[b], add=True))
        for b in range(NB):
            sd[b].wait()
        return carry

    lax.fori_loop(0, NG, body, 0)
    plsc.subcore_barrier()
    pltpu.sync_copy(sum_sh.at[pl.ds(r0, RT)], sum_out.at[c, pl.ds(r0, RT)])


def _sc_deg_body(dst_h, ones_h, zrow, deg_out, dstv, rows, ssem, deg_sh):
    c = lax.axis_index("c")
    s = lax.axis_index("s")
    wid = c * NS + s
    r0 = s * RT
    pltpu.sync_copy(zrow, deg_sh.at[pl.ds(r0, RT)])
    pltpu.sync_copy(ones_h, rows)
    plsc.subcore_barrier()

    pltpu.sync_copy(dst_h.at[pl.ds(wid * EW, CH)], dstv.at[0])
    pltpu.async_copy(rows, deg_sh.at[dstv.at[0]], ssem.at[0], add=True).wait()

    def body(g, carry):
        base0 = wid * EW + CH + g * (NB * CH)
        for b in range(NB):
            pltpu.sync_copy(dst_h.at[pl.ds(base0 + b * CH, CH)], dstv.at[b])
        sd = [pltpu.async_copy(rows, deg_sh.at[dstv.at[b]], ssem.at[b],
                               add=True) for b in range(NB)]
        for b in range(NB):
            sd[b].wait()
        return carry

    lax.fori_loop(0, NG, body, 0)
    plsc.subcore_barrier()
    pltpu.sync_copy(deg_sh.at[pl.ds(r0, RT)], deg_out.at[c, pl.ds(r0, RT)])


def _make_sc_sum():
    return pl.kernel(
        _sc_sum_body,
        mesh=plsc.VectorSubcoreMesh(**_MESH),
        out_type=[jax.ShapeDtypeStruct((NC, NP, D), jnp.float32)],
        scratch_types=[
            pltpu.VMEM((NB, CH), jnp.int32),
            pltpu.VMEM((NB, CH), jnp.int32),
            pltpu.VMEM((NB, CH, D), jnp.float32),
            pltpu.SemaphoreType.DMA((NB,)),
            pltpu.SemaphoreType.DMA((NB,)),
            pltpu.VMEM_SHARED((NP, D), jnp.float32),
        ],
    )


def _make_sc_deg():
    return pl.kernel(
        _sc_deg_body,
        mesh=plsc.VectorSubcoreMesh(**_MESH),
        out_type=[jax.ShapeDtypeStruct((NC, NP, D), jnp.float32)],
        scratch_types=[
            pltpu.VMEM((NB, CH), jnp.int32),
            pltpu.VMEM((CH, D), jnp.float32),
            pltpu.SemaphoreType.DMA((NB,)),
            pltpu.VMEM_SHARED((NP, D), jnp.float32),
        ],
    )


def _tc_body0(x_ref, s0_ref, s1_ref, d0_ref, d1_ref, ws_ref, wn_ref, b_ref,
              o_ref, rdeg_ref):
    ssum = s0_ref[...] + s1_ref[...]
    deg = d0_ref[:, 0:1] + d1_ref[:, 0:1]
    rdeg = 1.0 / jnp.maximum(deg, 1.0)
    agg = ssum * rdeg
    acc = jnp.dot(x_ref[...], ws_ref[...], preferred_element_type=jnp.float32)
    acc = acc + jnp.dot(agg, wn_ref[...], preferred_element_type=jnp.float32)
    o_ref[...] = jnp.maximum(acc + b_ref[...], 0.0)
    rdeg_ref[...] = jnp.broadcast_to(rdeg, rdeg_ref.shape)


def _tc_body1(x_ref, s0_ref, s1_ref, rdeg_ref, ws_ref, wn_ref, b_ref, o_ref):
    agg = (s0_ref[...] + s1_ref[...]) * rdeg_ref[:, 0:1]
    acc = jnp.dot(x_ref[...], ws_ref[...], preferred_element_type=jnp.float32)
    acc = acc + jnp.dot(agg, wn_ref[...], preferred_element_type=jnp.float32)
    o_ref[...] = jnp.maximum(acc + b_ref[...], 0.0)


_BR = 2000


def _row_spec(w):
    return pl.BlockSpec((_BR, w), lambda i: (i, 0))


def _tc_layer0(x, s0, s1, d0, d1, ws, wn, b):
    w_spec = pl.BlockSpec((D, D), lambda i: (0, 0))
    return pl.pallas_call(
        _tc_body0,
        grid=(N_NODES // _BR,),
        in_specs=[_row_spec(D), _row_spec(D), _row_spec(D),
                  _row_spec(D), _row_spec(D),
                  w_spec, w_spec, pl.BlockSpec((1, D), lambda i: (0, 0))],
        out_specs=[_row_spec(D), _row_spec(16)],
        out_shape=[jax.ShapeDtypeStruct((N_NODES, D), jnp.float32),
                   jax.ShapeDtypeStruct((N_NODES, 16), jnp.float32)],
    )(x, s0, s1, d0, d1, ws, wn, b.reshape(1, D))


def _tc_layer1(h, s0, s1, rdeg, ws, wn, b):
    w_spec = pl.BlockSpec((D, D), lambda i: (0, 0))
    return pl.pallas_call(
        _tc_body1,
        grid=(N_NODES // _BR,),
        in_specs=[_row_spec(D), _row_spec(D), _row_spec(D), _row_spec(16),
                  w_spec, w_spec, pl.BlockSpec((1, D), lambda i: (0, 0))],
        out_specs=_row_spec(D),
        out_shape=jax.ShapeDtypeStruct((N_NODES, D), jnp.float32),
    )(h, s0, s1, rdeg, ws, wn, b.reshape(1, D))


def kernel(x, edge_index, W_self0, W_neigh0, b0, W_self1, W_neigh1, b1):
    ei = edge_index.astype(jnp.int32)
    src = ei[0]
    dst = ei[1]
    z = jnp.zeros((RT, D), jnp.float32)
    ones_rows = jnp.ones((CH, D), jnp.float32)

    sc_sum = _make_sc_sum()
    sc_deg = _make_sc_deg()

    (degs,) = sc_deg(dst, ones_rows, z)
    (sums0,) = sc_sum(src, dst, x, z)
    h1, rdeg = _tc_layer0(x, sums0[0, :N_NODES], sums0[1, :N_NODES],
                          degs[0, :N_NODES], degs[1, :N_NODES],
                          W_self0, W_neigh0, b0)
    (sums1,) = sc_sum(src, dst, h1, z)
    out = _tc_layer1(h1, sums1[0, :N_NODES], sums1[1, :N_NODES], rdeg,
                     W_self1, W_neigh1, b1)
    return out

# --- scband reference (transcript-rebuilt; emitter-appended) ---
"""Pipeline reference for scband-graph-sage-10204842295688 (READ-ONLY COPY).

The authoritative reference and input builder live on the scoring server;
editing this copy changes nothing except your own understanding.
"""

import jax, jax.numpy as jnp
import numpy as np

N_NODES = 10000
N_EDGES = 320000
D = 128


def setup_inputs(seed: int = 0) -> dict:
    key = jax.random.key(seed)
    ks = jax.random.split(key, 8)
    x = jax.random.normal(ks[0], (N_NODES, D), dtype=jnp.float32)
    edge_index = jax.random.randint(ks[1], (2, N_EDGES), 0, N_NODES, dtype=jnp.int64 if jax.config.jax_enable_x64 else jnp.int32)
    s = 1.0 / np.sqrt(D)
    W_self0 = jax.random.uniform(ks[2], (D, D), jnp.float32, -s, s)
    W_neigh0 = jax.random.uniform(ks[3], (D, D), jnp.float32, -s, s)
    b0 = jnp.zeros((D,), jnp.float32)
    W_self1 = jax.random.uniform(ks[4], (D, D), jnp.float32, -s, s)
    W_neigh1 = jax.random.uniform(ks[5], (D, D), jnp.float32, -s, s)
    b1 = jnp.zeros((D,), jnp.float32)
    return {"x": x, "edge_index": edge_index, "W_self0": W_self0, "W_neigh0": W_neigh0, "b0": b0, "W_self1": W_self1, "W_neigh1": W_neigh1, "b1": b1}


def _sage_layer(h, src, dst, W_self, W_neigh, b):
    # DGL SAGEConv('mean'): h_neigh = mean over in-neighbors; out = fc_self(h) + fc_neigh(h_neigh) + bias
    msgs = jnp.take(h, src, axis=0)
    summed = jax.ops.segment_sum(msgs, dst, num_segments=N_NODES)
    deg = jax.ops.segment_sum(jnp.ones((src.shape[0],), h.dtype), dst, num_segments=N_NODES)
    agg = summed / jnp.clip(deg, 1.0, None)[:, None]
    return h @ W_self + agg @ W_neigh + b


def reference(x, edge_index, W_self0, W_neigh0, b0, W_self1, W_neigh1, b1):
    src = edge_index[0]
    dst = edge_index[1]
    h = _sage_layer(x, src, dst, W_self0, W_neigh0, b0)
    h = jax.nn.relu(h)
    h = _sage_layer(h, src, dst, W_self1, W_neigh1, b1)
    h = jax.nn.relu(h)
    return h

if __name__ == "__main__":
    import jax
    _d = setup_inputs()
    print(jax.jit(kernel)(*tuple(_d.values())))

</pallas_src>

<mosaic_0001>
#map = affine_map<(d0, d1) -> (0)>
#map1 = affine_map<(d0, d1) -> (0, 0)>
#map2 = affine_map<(d0, d1) -> (0, 0, 0)>
module attributes {stable_mosaic.version = 14 : i64} {
  func.func @_sc_deg_body(%arg0: i32, %arg1: i32, %arg2: memref<320000xi32, #tpu.memory_space<hbm>>, %arg3: memref<80x128xf32, #tpu.memory_space<hbm>>, %arg4: memref<640x128xf32, #tpu.memory_space<hbm>>, %arg5: memref<2x10240x128xf32, #tpu.memory_space<hbm>>, %arg6: memref<4x80xi32, #tpu.memory_space<vmem>>, %arg7: memref<80x128xf32, #tpu.memory_space<vmem>>, %arg8: memref<4x!tpu.dma_semaphore, #tpu.memory_space<semaphore_mem>>, %arg9: memref<10240x128xf32, #tpu.memory_space<vmem_shared>>) attributes {dimension_semantics = [#tpu.dimension_semantics<core_parallel>, #tpu.dimension_semantics<subcore_parallel>], iteration_bounds = array<i64: 2, 16>, scalar_prefetch = 0 : i64, scratch_operands = 4 : i64, tpu.core_type = #tpu.core_type<sc_vector_subcore>, window_params = [{transform_indices = #map}, {transform_indices = #map1}, {transform_indices = #map1}, {transform_indices = #map2}]} {
    %mul3A = arith.constant 16 : i32
    %mul3A_0 = arith.muli %arg0, %mul3A : i32
    %add3A = arith.addi %mul3A_0, %arg1 : i32
    %mul3A_1 = arith.constant 640 : i32
    %mul3A_2 = arith.muli %arg1, %mul3A_1 : i32
    "tpu.region"() ({
      %run_scoped3A_29 = tpu.sem_alloc : memref<!tpu.dma_semaphore, #tpu.memory_space<semaphore_mem>>
      %dma_start3A_30 = arith.constant 0 : i32
      %dma_start3A_31 = tpu.memref_slice %arg9[%mul3A_2, %dma_start3A_30] : memref<10240x128xf32, #tpu.memory_space<vmem_shared>> -> memref<640x128xf32, #tpu.memory_space<vmem_shared>>
      tpu.enqueue_dma source(%arg4 : memref<640x128xf32, #tpu.memory_space<hbm>>) target(%dma_start3A_31 : memref<640x128xf32, #tpu.memory_space<vmem_shared>>) target_semaphore(%run_scoped3A_29 : memref<!tpu.dma_semaphore, #tpu.memory_space<semaphore_mem>>)
      %dma_wait3A_32 = arith.constant 0 : i32
      %dma_wait3A_33 = tpu.memref_slice %arg9[%mul3A_2, %dma_wait3A_32] : memref<10240x128xf32, #tpu.memory_space<vmem_shared>> -> memref<640x128xf32, #tpu.memory_space<vmem_shared>>
      tpu.wait_dma2 semaphore(%run_scoped3A_29 : memref<!tpu.dma_semaphore, #tpu.memory_space<semaphore_mem>>) src(%arg4 : memref<640x128xf32, #tpu.memory_space<hbm>>) dst(%dma_wait3A_33 : memref<640x128xf32, #tpu.memory_space<vmem_shared>>)
      tpu.yield
    }) : () -> ()
    "tpu.region"() ({
      %run_scoped3A_29 = tpu.sem_alloc : memref<!tpu.dma_semaphore, #tpu.memory_space<semaphore_mem>>
      tpu.enqueue_dma source(%arg3 : memref<80x128xf32, #tpu.memory_space<hbm>>) target(%arg7 : memref<80x128xf32, #tpu.memory_space<vmem>>) target_semaphore(%run_scoped3A_29 : memref<!tpu.dma_semaphore, #tpu.memory_space<semaphore_mem>>)
      tpu.wait_dma2 semaphore(%run_scoped3A_29 : memref<!tpu.dma_semaphore, #tpu.memory_space<semaphore_mem>>) src(%arg3 : memref<80x128xf32, #tpu.memory_space<hbm>>) dst(%arg7 : memref<80x128xf32, #tpu.memory_space<vmem>>)
      tpu.yield
    }) : () -> ()
    %barrier3A = arith.constant 0 : index
    tpu.barrier barrier_id(%barrier3A)
    %mul3A_3 = arith.constant 10000 : i32
    %mul3A_4 = arith.muli %add3A, %mul3A_3 : i32
    %run_scoped3A = arith.constant 0 : i32
    "tpu.region"() ({
      %run_scoped3A_29 = tpu.sem_alloc : memref<!tpu.dma_semaphore, #tpu.memory_space<semaphore_mem>>
      %dma_start3A_30 = arith.constant 0 : i32
      %dma_start3A_31 = tpu.memref_slice %arg6[%run_scoped3A, %dma_start3A_30] : memref<4x80xi32, #tpu.memory_space<vmem>> -> memref<1x80xi32, #tpu.memory_space<vmem>>
      %dma_start3A_32 = tpu.memref_squeeze %dma_start3A_31 : memref<1x80xi32, #tpu.memory_space<vmem>> -> memref<80xi32, #tpu.memory_space<vmem>>
      %dma_start3A_33 = tpu.memref_slice %arg2[%mul3A_4] : memref<320000xi32, #tpu.memory_space<hbm>> -> memref<80xi32, #tpu.memory_space<hbm>>
      %dma_start3A_34 = arith.constant 0 : i32
      %dma_start3A_35 = tpu.memref_slice %arg6[%run_scoped3A, %dma_start3A_34] : memref<4x80xi32, #tpu.memory_space<vmem>> -> memref<1x80xi32, #tpu.memory_space<vmem>>
      %dma_start3A_36 = tpu.memref_squeeze %dma_start3A_35 : memref<1x80xi32, #tpu.memory_space<vmem>> -> memref<80xi32, #tpu.memory_space<vmem>>
      %dma_start3A_37 = tpu.memref_slice %arg2[%mul3A_4] : memref<320000xi32, #tpu.memory_space<hbm>> -> memref<80xi32, #tpu.memory_space<hbm>>
      tpu.enqueue_dma source(%dma_start3A_37 : memref<80xi32, #tpu.memory_space<hbm>>) target(%dma_start3A_36 : memref<80xi32, #tpu.memory_space<vmem>>) target_semaphore(%run_scoped3A_29 : memref<!tpu.dma_semaphore, #tpu.memory_space<semaphore_mem>>)
      %dma_wait3A_38 = arith.constant 0 : i32
      %dma_wait3A_39 = tpu.memref_slice %arg6[%run_scoped3A, %dma_wait3A_38] : memref<4x80xi32, #tpu.memory_space<vmem>> -> memref<1x80xi32, #tpu.memory_space<vmem>>
      %dma_wait3A_40 = tpu.memref_squeeze %dma_wait3A_39 : memref<1x80xi32, #tpu.memory_space<vmem>> -> memref<80xi32, #tpu.memory_space<vmem>>
      %dma_wait3A_41 = tpu.memref_slice %arg2[%mul3A_4] : memref<320000xi32, #tpu.memory_space<hbm>> -> memref<80xi32, #tpu.memory_space<hbm>>
      %dma_wait3A_42 = arith.constant 0 : i32
      %dma_wait3A_43 = tpu.memref_slice %arg6[%run_scoped3A, %dma_wait3A_42] : memref<4x80xi32, #tpu.memory_space<vmem>> -> memref<1x80xi32, #tpu.memory_space<vmem>>
      %dma_wait3A_44 = tpu.memref_squeeze %dma_wait3A_43 : memref<1x80xi32, #tpu.memory_space<vmem>> -> memref<80xi32, #tpu.memory_space<vmem>>
      %dma_wait3A_45 = tpu.memref_slice %arg2[%mul3A_4] : memref<320000xi32, #tpu.memory_space<hbm>> -> memref<80xi32, #tpu.memory_space<hbm>>
      tpu.wait_dma2 semaphore(%run_scoped3A_29 : memref<!tpu.dma_semaphore, #tpu.memory_space<semaphore_mem>>) src(%dma_wait3A_45 : memref<80xi32, #tpu.memory_space<hbm>>) dst(%dma_wait3A_44 : memref<80xi32, #tpu.memory_space<vmem>>)
      tpu.yield
    }) : () -> ()
    %dma_start3A = arith.constant 0 : i32
    %dma_start3A_5 = arith.constant 0 : i32
    %dma_start3A_6 = arith.constant 0 : i32
    %dma_start3A_7 = tpu.memref_slice %arg6[%dma_start3A, %dma_start3A_6] : memref<4x80xi32, #tpu.memory_space<vmem>> -> memref<1x80xi32, #tpu.memory_space<vmem>>
    %dma_start3A_8 = tpu.memref_squeeze %dma_start3A_7 : memref<1x80xi32, #tpu.memory_space<vmem>> -> memref<80xi32, #tpu.memory_space<vmem>>
    %dma_start3A_9 = arith.constant 0 : i32
    %dma_start3A_10 = arith.constant 0 : i32
    %dma_start3A_11 = tpu.memref_slice %arg9[%dma_start3A_9, %dma_start3A_10] : memref<10240x128xf32, #tpu.memory_space<vmem_shared>> -> memref<10240x128xf32, #tpu.memory_space<vmem_shared>>
    %dma_start3A_12 = tpu.memref_slice %arg8[%dma_start3A_5] : memref<4x!tpu.dma_semaphore, #tpu.memory_space<semaphore_mem>> -> memref<1x!tpu.dma_semaphore, #tpu.memory_space<semaphore_mem>>
    %dma_start3A_13 = tpu.memref_squeeze %dma_start3A_12 : memref<1x!tpu.dma_semaphore, #tpu.memory_space<semaphore_mem>> -> memref<!tpu.dma_semaphore, #tpu.memory_space<semaphore_mem>>
    tpu.enqueue_indirect_dma source(%arg7 : memref<80x128xf32, #tpu.memory_space<vmem>>) target(%dma_start3A_11 : memref<10240x128xf32, #tpu.memory_space<vmem_shared>>) offsets(%dma_start3A_8 : memref<80xi32, #tpu.memory_space<vmem>>) semaphore(%dma_start3A_13 : memref<!tpu.dma_semaphore, #tpu.memory_space<semaphore_mem>>) {add = true}
    %dma_wait3A = arith.constant 0 : i32
    %dma_wait3A_14 = arith.constant 0 : i32
    %dma_wait3A_15 = arith.constant 0 : i32
    %dma_wait3A_16 = tpu.memref_slice %arg6[%dma_wait3A, %dma_wait3A_15] : memref<4x80xi32, #tpu.memory_space<vmem>> -> memref<1x80xi32, #tpu.memory_space<vmem>>
    %dma_wait3A_17 = tpu.memref_squeeze %dma_wait3A_16 : memref<1x80xi32, #tpu.memory_space<vmem>> -> memref<80xi32, #tpu.memory_space<vmem>>
    %dma_wait3A_18 = arith.constant 0 : i32
    %dma_wait3A_19 = arith.constant 0 : i32
    %dma_wait3A_20 = tpu.memref_slice %arg9[%dma_wait3A_18, %dma_wait3A_19] : memref<10240x128xf32, #tpu.memory_space<vmem_shared>> -> memref<10240x128xf32, #tpu.memory_space<vmem_shared>>
    %dma_wait3A_21 = tpu.memref_slice %arg8[%dma_wait3A_14] : memref<4x!tpu.dma_semaphore, #tpu.memory_space<semaphore_mem>> -> memref<1x!tpu.dma_semaphore, #tpu.memory_space<semaphore_mem>>
    %dma_wait3A_22 = tpu.memref_squeeze %dma_wait3A_21 : memref<1x!tpu.dma_semaphore, #tpu.memory_space<semaphore_mem>> -> memref<!tpu.dma_semaphore, #tpu.memory_space<semaphore_mem>>
    tpu.wait_indirect_dma semaphore(%dma_wait3A_22 : memref<!tpu.dma_semaphore, #tpu.memory_space<semaphore_mem>>) src(%arg7 : memref<80x128xf32, #tpu.memory_space<vmem>>) dst(%dma_wait3A_20 : memref<10240x128xf32, #tpu.memory_space<vmem_shared>>)
    %scan3A = arith.constant 0 : i32
    %scan3A_23 = arith.constant 0 : i32
    %scan3A_24 = arith.constant 31 : i32
    %scan3A_25 = arith.addi %scan3A_23, %scan3A_24 : i32
    %scan3A_26 = arith.constant 1 : i32
    scf.for %scan3A_29 = %scan3A_23 to %scan3A_25 step %scan3A_26  : i32 {
      %mul3A_30 = arith.constant 10000 : i32
      %mul3A_31 = arith.muli %add3A, %mul3A_30 : i32
      %add3A_32 = arith.constant 80 : i32
      %add3A_33 = arith.addi %mul3A_31, %add3A_32 : i32
      %mul3A_34 = arith.constant 320 : i32
      %mul3A_35 = arith.muli %scan3A_29, %mul3A_34 : i32
      %add3A_36 = arith.addi %add3A_33, %mul3A_35 : i32
      %add3A_37 = arith.constant 0 : i32
      %add3A_38 = arith.addi %add3A_36, %add3A_37 : i32
      %run_scoped3A_39 = arith.constant 0 : i32
      "tpu.region"() ({
        %run_scoped3A_129 = tpu.sem_alloc : memref<!tpu.dma_semaphore, #tpu.memory_space<semaphore_mem>>
        %dma_start3A_130 = arith.constant 0 : i32
        %dma_start3A_131 = tpu.memref_slice %arg6[%run_scoped3A_39, %dma_start3A_130] : memref<4x80xi32, #tpu.memory_space<vmem>> -> memref<1x80xi32, #tpu.memory_space<vmem>>
        %dma_start3A_132 = tpu.memref_squeeze %dma_start3A_131 : memref<1x80xi32, #tpu.memory_space<vmem>> -> memref<80xi32, #tpu.memory_space<vmem>>
        %dma_start3A_133 = tpu.memref_slice %arg2[%add3A_38] : memref<320000xi32, #tpu.memory_space<hbm>> -> memref<80xi32, #tpu.memory_space<hbm>>
        %dma_start3A_134 = arith.constant 0 : i32
        %dma_start3A_135 = tpu.memref_slice %arg6[%run_scoped3A_39, %dma_start3A_134] : memref<4x80xi32, #tpu.memory_space<vmem>> -> memref<1x80xi32, #tpu.memory_space<vmem>>
        %dma_start3A_136 = tpu.memref_squeeze %dma_start3A_135 : memref<1x80xi32, #tpu.memory_space<vmem>> -> memref<80xi32, #tpu.memory_space<vmem>>
        %dma_start3A_137 = tpu.memref_slice %arg2[%add3A_38] : memref<320000xi32, #tpu.memory_space<hbm>> -> memref<80xi32, #tpu.memory_space<hbm>>
        tpu.enqueue_dma source(%dma_start3A_137 : memref<80xi32, #tpu.memory_space<hbm>>) target(%dma_start3A_136 : memref<80xi32, #tpu.memory_space<vmem>>) target_semaphore(%run_scoped3A_129 : memref<!tpu.dma_semaphore, #tpu.memory_space<semaphore_mem>>)
        %dma_wait3A_138 = arith.constant 0 : i32
        %dma_wait3A_139 = tpu.memref_slice %arg6[%run_scoped3A_39, %dma_wait3A_138] : memref<4x80xi32, #tpu.memory_space<vmem>> -> memref<1x80xi32, #tpu.memory_space<vmem>>
        %dma_wait3A_140 = tpu.memref_squeeze %dma_wait3A_139 : memref<1x80xi32, #tpu.memory_space<vmem>> -> memref<80xi32, #tpu.memory_space<vmem>>
        %dma_wait3A_141 = tpu.memref_slice %arg2[%add3A_38] : memref<320000xi32, #tpu.memory_space<hbm>> -> memref<80xi32, #tpu.memory_space<hbm>>
        %dma_wait3A_142 = arith.constant 0 : i32
        %dma_wait3A_143 = tpu.memref_slice %arg6[%run_scoped3A_39, %dma_wait3A_142] : memref<4x80xi32, #tpu.memory_space<vmem>> -> memref<1x80xi32, #tpu.memory_space<vmem>>
        %dma_wait3A_144 = tpu.memref_squeeze %dma_wait3A_143 : memref<1x80xi32, #tpu.memory_space<vmem>> -> memref<80xi32, #tpu.memory_space<vmem>>
        %dma_wait3A_145 = tpu.memref_slice %arg2[%add3A_38] : memref<320000xi32, #tpu.memory_space<hbm>> -> memref<80xi32, #tpu.memory_space<hbm>>
        tpu.wait_dma2 semaphore(%run_scoped3A_129 : memref<!tpu.dma_semaphore, #tpu.memory_space<semaphore_mem>>) src(%dma_wait3A_145 : memref<80xi32, #tpu.memory_space<hbm>>) dst(%dma_wait3A_144 : memref<80xi32, #tpu.memory_space<vmem>>)
        tpu.yield
      }) : () -> ()
      %add3A_40 = arith.constant 80 : i32
      %add3A_41 = arith.addi %add3A_36, %add3A_40 : i32
      %run_scoped3A_42 = arith.constant 1 : i32
      "tpu.region"() ({
        %run_scoped3A_129 = tpu.sem_alloc : memref<!tpu.dma_semaphore, #tpu.memory_space<semaphore_mem>>
        %dma_start3A_130 = arith.constant 0 : i32
        %dma_start3A_131 = tpu.memref_slice %arg6[%run_scoped3A_42, %dma_start3A_130] : memref<4x80xi32, #tpu.memory_space<vmem>> -> memref<1x80xi32, #tpu.memory_space<vmem>>
        %dma_start3A_132 = tpu.memref_squeeze %dma_start3A_131 : memref<1x80xi32, #tpu.memory_space<vmem>> -> memref<80xi32, #tpu.memory_space<vmem>>
        %dma_start3A_133 = tpu.memref_slice %arg2[%add3A_41] : memref<320000xi32, #tpu.memory_space<hbm>> -> memref<80xi32, #tpu.memory_space<hbm>>
        %dma_start3A_134 = arith.constant 0 : i32
        %dma_start3A_135 = tpu.memref_slice %arg6[%run_scoped3A_42, %dma_start3A_134] : memref<4x80xi32, #tpu.memory_space<vmem>> -> memref<1x80xi32, #tpu.memory_space<vmem>>
        %dma_start3A_136 = tpu.memref_squeeze %dma_start3A_135 : memref<1x80xi32, #tpu.memory_space<vmem>> -> memref<80xi32, #tpu.memory_space<vmem>>
        %dma_start3A_137 = tpu.memref_slice %arg2[%add3A_41] : memref<320000xi32, #tpu.memory_space<hbm>> -> memref<80xi32, #tpu.memory_space<hbm>>
        tpu.enqueue_dma source(%dma_start3A_137 : memref<80xi32, #tpu.memory_space<hbm>>) target(%dma_start3A_136 : memref<80xi32, #tpu.memory_space<vmem>>) target_semaphore(%run_scoped3A_129 : memref<!tpu.dma_semaphore, #tpu.memory_space<semaphore_mem>>)
        %dma_wait3A_138 = arith.constant 0 : i32
        %dma_wait3A_139 = tpu.memref_slice %arg6[%run_scoped3A_42, %dma_wait3A_138] : memref<4x80xi32, #tpu.memory_space<vmem>> -> memref<1x80xi32, #tpu.memory_space<vmem>>
        %dma_wait3A_140 = tpu.memref_squeeze %dma_wait3A_139 : memref<1x80xi32, #tpu.memory_space<vmem>> -> memref<80xi32, #tpu.memory_space<vmem>>
        %dma_wait3A_141 = tpu.memref_slice %arg2[%add3A_41] : memref<320000xi32, #tpu.memory_space<hbm>> -> memref<80xi32, #tpu.memory_space<hbm>>
        %dma_wait3A_142 = arith.constant 0 : i32
        %dma_wait3A_143 = tpu.memref_slice %arg6[%run_scoped3A_42, %dma_wait3A_142] : memref<4x80xi32, #tpu.memory_space<vmem>> -> memref<1x80xi32, #tpu.memory_space<vmem>>
        %dma_wait3A_144 = tpu.memref_squeeze %dma_wait3A_143 : memref<1x80xi32, #tpu.memory_space<vmem>> -> memref<80xi32, #tpu.memory_space<vmem>>
        %dma_wait3A_145 = tpu.memref_slice %arg2[%add3A_41] : memref<320000xi32, #tpu.memory_space<hbm>> -> memref<80xi32, #tpu.memory_space<hbm>>
        tpu.wait_dma2 semaphore(%run_scoped3A_129 : memref<!tpu.dma_semaphore, #tpu.memory_space<semaphore_mem>>) src(%dma_wait3A_145 : memref<80xi32, #tpu.memory_space<hbm>>) dst(%dma_wait3A_144 : memref<80xi32, #tpu.memory_space<vmem>>)
        tpu.yield
      }) : () -> ()
      %add3A_43 = arith.constant 160 : i32
      %add3A_44 = arith.addi %add3A_36, %add3A_43 : i32
      %run_scoped3A_45 = arith.constant 2 : i32
      "tpu.region"() ({
        %run_scoped3A_129 = tpu.sem_alloc : memref<!tpu.dma_semaphore, #tpu.memory_space<semaphore_mem>>
        %dma_start3A_130 = arith.constant 0 : i32
        %dma_start3A_131 = tpu.memref_slice %arg6[%run_scoped3A_45, %dma_start3A_130] : memref<4x80xi32, #tpu.memory_space<vmem>> -> memref<1x80xi32, #tpu.memory_space<vmem>>
        %dma_start3A_132 = tpu.memref_squeeze %dma_start3A_131 : memref<1x80xi32, #tpu.memory_space<vmem>> -> memref<80xi32, #tpu.memory_space<vmem>>
        %dma_start3A_133 = tpu.memref_slice %arg2[%add3A_44] : memref<320000xi32, #tpu.memory_space<hbm>> -> memref<80xi32, #tpu.memory_space<hbm>>
        %dma_start3A_134 = arith.constant 0 : i32
        %dma_start3A_135 = tpu.memref_slice %arg6[%run_scoped3A_45, %dma_start3A_134] : memref<4x80xi32, #tpu.memory_space<vmem>> -> memref<1x80xi32, #tpu.memory_space<vmem>>
        %dma_start3A_136 = tpu.memref_squeeze %dma_start3A_135 : memref<1x80xi32, #tpu.memory_space<vmem>> -> memref<80xi32, #tpu.memory_space<vmem>>
        %dma_start3A_137 = tpu.memref_slice %arg2[%add3A_44] : memref<320000xi32, #tpu.memory_space<hbm>> -> memref<80xi32, #tpu.memory_space<hbm>>
        tpu.enqueue_dma source(%dma_start3A_137 : memref<80xi32, #tpu.memory_space<hbm>>) target(%dma_start3A_136 : memref<80xi32, #tpu.memory_space<vmem>>) target_semaphore(%run_scoped3A_129 : memref<!tpu.dma_semaphore, #tpu.memory_space<semaphore_mem>>)
        %dma_wait3A_138 = arith.constant 0 : i32
        %dma_wait3A_139 = tpu.memref_slice %arg6[%run_scoped3A_45, %dma_wait3A_138] : memref<4x80xi32, #tpu.memory_space<vmem>> -> memref<1x80xi32, #tpu.memory_space<vmem>>
        %dma_wait3A_140 = tpu.memref_squeeze %dma_wait3A_139 : memref<1x80xi32, #tpu.memory_space<vmem>> -> memref<80xi32, #tpu.memory_space<vmem>>
        %dma_wait3A_141 = tpu.memref_slice %arg2[%add3A_44] : memref<320000xi32, #tpu.memory_space<hbm>> -> memref<80xi32, #tpu.memory_space<hbm>>
        %dma_wait3A_142 = arith.constant 0 : i32
        %dma_wait3A_143 = tpu.memref_slice %arg6[%run_scoped3A_45, %dma_wait3A_142] : memref<4x80xi32, #tpu.memory_space<vmem>> -> memref<1x80xi32, #tpu.memory_space<vmem>>
        %dma_wait3A_144 = tpu.memref_squeeze %dma_wait3A_143 : memref<1x80xi32, #tpu.memory_space<vmem>> -> memref<80xi32, #tpu.memory_space<vmem>>
        %dma_wait3A_145 = tpu.memref_slice %arg2[%add3A_44] : memref<320000xi32, #tpu.memory_space<hbm>> -> memref<80xi32, #tpu.memory_space<hbm>>
        tpu.wait_dma2 semaphore(%run_scoped3A_129 : memref<!tpu.dma_semaphore, #tpu.memory_space<semaphore_mem>>) src(%dma_wait3A_145 : memref<80xi32, #tpu.memory_space<hbm>>) dst(%dma_wait3A_144 : memref<80xi32, #tpu.memory_space<vmem>>)
        tpu.yield
      }) : () -> ()
      %add3A_46 = arith.constant 240 : i32
      %add3A_47 = arith.addi %add3A_36, %add3A_46 : i32
      %run_scoped3A_48 = arith.constant 3 : i32
      "tpu.region"() ({
        %run_scoped3A_129 = tpu.sem_alloc : memref<!tpu.dma_semaphore, #tpu.memory_space<semaphore_mem>>
        %dma_start3A_130 = arith.constant 0 : i32
        %dma_start3A_131 = tpu.memref_slice %arg6[%run_scoped3A_48, %dma_start3A_130] : memref<4x80xi32, #tpu.memory_space<vmem>> -> memref<1x80xi32, #tpu.memory_space<vmem>>
        %dma_start3A_132 = tpu.memref_squeeze %dma_start3A_131 : memref<1x80xi32, #tpu.memory_space<vmem>> -> memref<80xi32, #tpu.memory_space<vmem>>
        %dma_start3A_133 = tpu.memref_slice %arg2[%add3A_47] : memref<320000xi32, #tpu.memory_space<hbm>> -> memref<80xi32, #tpu.memory_space<hbm>>
        %dma_start3A_134 = arith.constant 0 : i32
        %dma_start3A_135 = tpu.memref_slice %arg6[%run_scoped3A_48, %dma_start3A_134] : memref<4x80xi32, #tpu.memory_space<vmem>> -> memref<1x80xi32, #tpu.memory_space<vmem>>
        %dma_start3A_136 = tpu.memref_squeeze %dma_start3A_135 : memref<1x80xi32, #tpu.memory_space<vmem>> -> memref<80xi32, #tpu.memory_space<vmem>>
        %dma_start3A_137 = tpu.memref_slice %arg2[%add3A_47] : memref<320000xi32, #tpu.memory_space<hbm>> -> memref<80xi32, #tpu.memory_space<hbm>>
        tpu.enqueue_dma source(%dma_start3A_137 : memref<80xi32, #tpu.memory_space<hbm>>) target(%dma_start3A_136 : memref<80xi32, #tpu.memory_space<vmem>>) target_semaphore(%run_scoped3A_129 : memref<!tpu.dma_semaphore, #tpu.memory_space<semaphore_mem>>)
        %dma_wait3A_138 = arith.constant 0 : i32
        %dma_wait3A_139 = tpu.memref_slice %arg6[%run_scoped3A_48, %dma_wait3A_138] : memref<4x80xi32, #tpu.memory_space<vmem>> -> memref<1x80xi32, #tpu.memory_space<vmem>>
        %dma_wait3A_140 = tpu.memref_squeeze %dma_wait3A_139 : memref<1x80xi32, #tpu.memory_space<vmem>> -> memref<80xi32, #tpu.memory_space<vmem>>
        %dma_wait3A_141 = tpu.memref_slice %arg2[%add3A_47] : memref<320000xi32, #tpu.memory_space<hbm>> -> memref<80xi32, #tpu.memory_space<hbm>>
        %dma_wait3A_142 = arith.constant 0 : i32
        %dma_wait3A_143 = tpu.memref_slice %arg6[%run_scoped3A_48, %dma_wait3A_142] : memref<4x80xi32, #tpu.memory_space<vmem>> -> memref<1x80xi32, #tpu.memory_space<vmem>>
        %dma_wait3A_144 = tpu.memref_squeeze %dma_wait3A_143 : memref<1x80xi32, #tpu.memory_space<vmem>> -> memref<80xi32, #tpu.memory_space<vmem>>
        %dma_wait3A_145 = tpu.memref_slice %arg2[%add3A_47] : memref<320000xi32, #tpu.memory_space<hbm>> -> memref<80xi32, #tpu.memory_space<hbm>>
        tpu.wait_dma2 semaphore(%run_scoped3A_129 : memref<!tpu.dma_semaphore, #tpu.memory_space<semaphore_mem>>) src(%dma_wait3A_145 : memref<80xi32, #tpu.memory_space<hbm>>) dst(%dma_wait3A_144 : memref<80xi32, #tpu.memory_space<vmem>>)
        tpu.yield
      }) : () -> ()
      %dma_start3A_49 = arith.constant 0 : i32
      %dma_start3A_50 = arith.constant 0 : i32
      %dma_start3A_51 = arith.constant 0 : i32
      %dma_start3A_52 = tpu.memref_slice %arg6[%dma_start3A_49, %dma_start3A_51] : memref<4x80xi32, #tpu.memory_space<vmem>> -> memref<1x80xi32, #tpu.memory_space<vmem>>
      %dma_start3A_53 = tpu.memref_squeeze %dma_start3A_52 : memref<1x80xi32, #tpu.memory_space<vmem>> -> memref<80xi32, #tpu.memory_space<vmem>>
      %dma_start3A_54 = arith.constant 0 : i32
      %dma_start3A_55 = arith.constant 0 : i32
      %dma_start3A_56 = tpu.memref_slice %arg9[%dma_start3A_54, %dma_start3A_55] : memref<10240x128xf32, #tpu.memory_space<vmem_shared>> -> memref<10240x128xf32, #tpu.memory_space<vmem_shared>>
      %dma_start3A_57 = tpu.memref_slice %arg8[%dma_start3A_50] : memref<4x!tpu.dma_semaphore, #tpu.memory_space<semaphore_mem>> -> memref<1x!tpu.dma_semaphore, #tpu.memory_space<semaphore_mem>>
      %dma_start3A_58 = tpu.memref_squeeze %dma_start3A_57 : memref<1x!tpu.dma_semaphore, #tpu.memory_space<semaphore_mem>> -> memref<!tpu.dma_semaphore, #tpu.memory_space<semaphore_mem>>
      tpu.enqueue_indirect_dma source(%arg7 : memref<80x128xf32, #tpu.memory_space<vmem>>) target(%dma_start3A_56 : memref<10240x128xf32, #tpu.memory_space<vmem_shared>>) offsets(%dma_start3A_53 : memref<80xi32, #tpu.memory_space<vmem>>) semaphore(%dma_start3A_58 : memref<!tpu.dma_semaphore, #tpu.memory_space<semaphore_mem>>) {add = true}
      %dma_start3A_59 = arith.constant 1 : i32
      %dma_start3A_60 = arith.constant 1 : i32
      %dma_start3A_61 = arith.constant 0 : i32
      %dma_start3A_62 = tpu.memref_slice %arg6[%dma_start3A_59, %dma_start3A_61] : memref<4x80xi32, #tpu.memory_space<vmem>> -> memref<1x80xi32, #tpu.memory_space<vmem>>
      %dma_start3A_63 = tpu.memref_squeeze %dma_start3A_62 : memref<1x80xi32, #tpu.memory_space<vmem>> -> memref<80xi32, #tpu.memory_space<vmem>>
      %dma_start3A_64 = arith.constant 0 : i32
      %dma_start3A_65 = arith.constant 0 : i32
      %dma_start3A_66 = tpu.memref_slice %arg9[%dma_start3A_64, %dma_start3A_65] : memref<10240x128xf32, #tpu.memory_space<vmem_shared>> -> memref<10240x128xf32, #tpu.memory_space<vmem_shared>>
      %dma_start3A_67 = tpu.memref_slice %arg8[%dma_start3A_60] : memref<4x!tpu.dma_semaphore, #tpu.memory_space<semaphore_mem>> -> memref<1x!tpu.dma_semaphore, #tpu.memory_space<semaphore_mem>>
      %dma_start3A_68 = tpu.memref_squeeze %dma_start3A_67 : memref<1x!tpu.dma_semaphore, #tpu.memory_space<semaphore_mem>> -> memref<!tpu.dma_semaphore, #tpu.memory_space<semaphore_mem>>
      tpu.enqueue_indirect_dma source(%arg7 : memref<80x128xf32, #tpu.memory_space<vmem>>) target(%dma_start3A_66 : memref<10240x128xf32, #tpu.memory_space<vmem_shared>>) offsets(%dma_start3A_63 : memref<80xi32, #tpu.memory_space<vmem>>) semaphore(%dma_start3A_68 : memref<!tpu.dma_semaphore, #tpu.memory_space<semaphore_mem>>) {add = true}
      %dma_start3A_69 = arith.constant 2 : i32
      %dma_start3A_70 = arith.constant 2 : i32
      %dma_start3A_71 = arith.constant 0 : i32
      %dma_start3A_72 = tpu.memref_slice %arg6[%dma_start3A_69, %dma_start3A_71] : memref<4x80xi32, #tpu.memory_space<vmem>> -> memref<1x80xi32, #tpu.memory_space<vmem>>
      %dma_start3A_73 = tpu.memref_squeeze %dma_start3A_72 : memref<1x80xi32, #tpu.memory_space<vmem>> -> memref<80xi32, #tpu.memory_space<vmem>>
      %dma_start3A_74 = arith.constant 0 : i32
      %dma_start3A_75 = arith.constant 0 : i32
      %dma_start3A_76 = tpu.memref_slice %arg9[%dma_start3A_74, %dma_start3A_75] : memref<10240x128xf32, #tpu.memory_space<vmem_shared>> -> memref<10240x128xf32, #tpu.memory_space<vmem_shared>>
      %dma_start3A_77 = tpu.memref_slice %arg8[%dma_start3A_70] : memref<4x!tpu.dma_semaphore, #tpu.memory_space<semaphore_mem>> -> memref<1x!tpu.dma_semaphore, #tpu.memory_space<semaphore_mem>>
      %dma_start3A_78 = tpu.memref_squeeze %dma_start3A_77 : memref<1x!tpu.dma_semaphore, #tpu.memory_space<semaphore_mem>> -> memref<!tpu.dma_semaphore, #tpu.memory_space<semaphore_mem>>
      tpu.enqueue_indirect_dma source(%arg7 : memref<80x128xf32, #tpu.memory_space<vmem>>) target(%dma_start3A_76 : memref<10240x128xf32, #tpu.memory_space<vmem_shared>>) offsets(%dma_start3A_73 : memref<80xi32, #tpu.memory_space<vmem>>) semaphore(%dma_start3A_78 : memref<!tpu.dma_semaphore, #tpu.memory_space<semaphore_mem>>) {add = true}
      %dma_start3A_79 = arith.constant 3 : i32
      %dma_start3A_80 = arith.constant 3 : i32
      %dma_start3A_81 = arith.constant 0 : i32
      %dma_start3A_82 = tpu.memref_slice %arg6[%dma_start3A_79, %dma_start3A_81] : memref<4x80xi32, #tpu.memory_space<vmem>> -> memref<1x80xi32, #tpu.memory_space<vmem>>
      %dma_start3A_83 = tpu.memref_squeeze %dma_start3A_82 : memref<1x80xi32, #tpu.memory_space<vmem>> -> memref<80xi32, #tpu.memory_space<vmem>>
      %dma_start3A_84 = arith.constant 0 : i32
      %dma_start3A_85 = arith.constant 0 : i32
      %dma_start3A_86 = tpu.memref_slice %arg9[%dma_start3A_84, %dma_start3A_85] : memref<10240x128xf32, #tpu.memory_space<vmem_shared>> -> memref<10240x128xf32, #tpu.memory_space<vmem_shared>>
      %dma_start3A_87 = tpu.memref_slice %arg8[%dma_start3A_80] : memref<4x!tpu.dma_semaphore, #tpu.memory_space<semaphore_mem>> -> memref<1x!tpu.dma_semaphore, #tpu.memory_space<semaphore_mem>>
      %dma_start3A_88 = tpu.memref_squeeze %dma_start3A_87 : memref<1x!tpu.dma_semaphore, #tpu.memory_space<semaphore_mem>> -> memref<!tpu.dma_semaphore, #tpu.memory_space<semaphore_mem>>
      tpu.enqueue_indirect_dma source(%arg7 : memref<80x128xf32, #tpu.memory_space<vmem>>) target(%dma_start3A_86 : memref<10240x128xf32, #tpu.memory_space<vmem_shared>>) offsets(%dma_start3A_83 : memref<80xi32, #tpu.memory_space<vmem>>) semaphore(%dma_start3A_88 : memref<!tpu.dma_semaphore, #tpu.memory_space<semaphore_mem>>) {add = true}
      %dma_wait3A_89 = arith.constant 0 : i32
      %dma_wait3A_90 = arith.constant 0 : i32
      %dma_wait3A_91 = arith.constant 0 : i32
      %dma_wait3A_92 = tpu.memref_slice %arg6[%dma_wait3A_89, %dma_wait3A_91] : memref<4x80xi32, #tpu.memory_space<vmem>> -> memref<1x80xi32, #tpu.memory_space<vmem>>
      %dma_wait3A_93 = tpu.memref_squeeze %dma_wait3A_92 : memref<1x80xi32, #tpu.memory_space<vmem>> -> memref<80xi32, #tpu.memory_space<vmem>>
      %dma_wait3A_94 = arith.constant 0 : i32
      %dma_wait3A_95 = arith.constant 0 : i32
      %dma_wait3A_96 = tpu.memref_slice %arg9[%dma_wait3A_94, %dma_wait3A_95] : memref<10240x128xf32, #tpu.memory_space<vmem_shared>> -> memref<10240x128xf32, #tpu.memory_space<vmem_shared>>
      %dma_wait3A_97 = tpu.memref_slice %arg8[%dma_wait3A_90] : memref<4x!tpu.dma_semaphore, #tpu.memory_space<semaphore_mem>> -> memref<1x!tpu.dma_semaphore, #tpu.memory_space<semaphore_mem>>
      %dma_wait3A_98 = tpu.memref_squeeze %dma_wait3A_97 : memref<1x!tpu.dma_semaphore, #tpu.memory_space<semaphore_mem>> -> memref<!tpu.dma_semaphore, #tpu.memory_space<semaphore_mem>>
      tpu.wait_indirect_dma semaphore(%dma_wait3A_98 : memref<!tpu.dma_semaphore, #tpu.memory_space<semaphore_mem>>) src(%arg7 : memref<80x128xf32, #tpu.memory_space<vmem>>) dst(%dma_wait3A_96 : memref<10240x128xf32, #tpu.memory_space<vmem_shared>>)
      %dma_wait3A_99 = arith.constant 1 : i32
      %dma_wait3A_100 = arith.constant 1 : i32
      %dma_wait3A_101 = arith.constant 0 : i32
      %dma_wait3A_102 = tpu.memref_slice %arg6[%dma_wait3A_99, %dma_wait3A_101] : memref<4x80xi32, #tpu.memory_space<vmem>> -> memref<1x80xi32, #tpu.memory_space<vmem>>
      %dma_wait3A_103 = tpu.memref_squeeze %dma_wait3A_102 : memref<1x80xi32, #tpu.memory_space<vmem>> -> memref<80xi32, #tpu.memory_space<vmem>>
      %dma_wait3A_104 = arith.constant 0 : i32
      %dma_wait3A_105 = arith.constant 0 : i32
      %dma_wait3A_106 = tpu.memref_slice %arg9[%dma_wait3A_104, %dma_wait3A_105] : memref<10240x128xf32, #tpu.memory_space<vmem_shared>> -> memref<10240x128xf32, #tpu.memory_space<vmem_shared>>
      %dma_wait3A_107 = tpu.memref_slice %arg8[%dma_wait3A_100] : memref<4x!tpu.dma_semaphore, #tpu.memory_space<semaphore_mem>> -> memref<1x!tpu.dma_semaphore, #tpu.memory_space<semaphore_mem>>
      %dma_wait3A_108 = tpu.memref_squeeze %dma_wait3A_107 : memref<1x!tpu.dma_semaphore, #tpu.memory_space<semaphore_mem>> -> memref<!tpu.dma_semaphore, #tpu.memory_space<semaphore_mem>>
      tpu.wait_indirect_dma semaphore(%dma_wait3A_108 : memref<!tpu.dma_semaphore, #tpu.memory_space<semaphore_mem>>) src(%arg7 : memref<80x128xf32, #tpu.memory_space<vmem>>) dst(%dma_wait3A_106 : memref<10240x128xf32, #tpu.memory_space<vmem_shared>>)
      %dma_wait3A_109 = arith.constant 2 : i32
      %dma_wait3A_110 = arith.constant 2 : i32
      %dma_wait3A_111 = arith.constant 0 : i32
      %dma_wait3A_112 = tpu.memref_slice %arg6[%dma_wait3A_109, %dma_wait3A_111] : memref<4x80xi32, #tpu.memory_space<vmem>> -> memref<1x80xi32, #tpu.memory_space<vmem>>
      %dma_wait3A_113 = tpu.memref_squeeze %dma_wait3A_112 : memref<1x80xi32, #tpu.memory_space<vmem>> -> memref<80xi32, #tpu.memory_space<vmem>>
      %dma_wait3A_114 = arith.constant 0 : i32
      %dma_wait3A_115 = arith.constant 0 : i32
      %dma_wait3A_116 = tpu.memref_slice %arg9[%dma_wait3A_114, %dma_wait3A_115] : memref<10240x128xf32, #tpu.memory_space<vmem_shared>> -> memref<10240x128xf32, #tpu.memory_space<vmem_shared>>
      %dma_wait3A_117 = tpu.memref_slice %arg8[%dma_wait3A_110] : memref<4x!tpu.dma_semaphore, #tpu.memory_space<semaphore_mem>> -> memref<1x!tpu.dma_semaphore, #tpu.memory_space<semaphore_mem>>
      %dma_wait3A_118 = tpu.memref_squeeze %dma_wait3A_117 : memref<1x!tpu.dma_semaphore, #tpu.memory_space<semaphore_mem>> -> memref<!tpu.dma_semaphore, #tpu.memory_space<semaphore_mem>>
      tpu.wait_indirect_dma semaphore(%dma_wait3A_118 : memref<!tpu.dma_semaphore, #tpu.memory_space<semaphore_mem>>) src(%arg7 : memref<80x128xf32, #tpu.memory_space<vmem>>) dst(%dma_wait3A_116 : memref<10240x128xf32, #tpu.memory_space<vmem_shared>>)
      %dma_wait3A_119 = arith.constant 3 : i32
      %dma_wait3A_120 = arith.constant 3 : i32
      %dma_wait3A_121 = arith.constant 0 : i32
      %dma_wait3A_122 = tpu.memref_slice %arg6[%dma_wait3A_119, %dma_wait3A_121] : memref<4x80xi32, #tpu.memory_space<vmem>> -> memref<1x80xi32, #tpu.memory_space<vmem>>
      %dma_wait3A_123 = tpu.memref_squeeze %dma_wait3A_122 : memref<1x80xi32, #tpu.memory_space<vmem>> -> memref<80xi32, #tpu.memory_space<vmem>>
      %dma_wait3A_124 = arith.constant 0 : i32
      %dma_wait3A_125 = arith.constant 0 : i32
      %dma_wait3A_126 = tpu.memref_slice %arg9[%dma_wait3A_124, %dma_wait3A_125] : memref<10240x128xf32, #tpu.memory_space<vmem_shared>> -> memref<10240x128xf32, #tpu.memory_space<vmem_shared>>
      %dma_wait3A_127 = tpu.memref_slice %arg8[%dma_wait3A_120] : memref<4x!tpu.dma_semaphore, #tpu.memory_space<semaphore_mem>> -> memref<1x!tpu.dma_semaphore, #tpu.memory_space<semaphore_mem>>
      %dma_wait3A_128 = tpu.memref_squeeze %dma_wait3A_127 : memref<1x!tpu.dma_semaphore, #tpu.memory_space<semaphore_mem>> -> memref<!tpu.dma_semaphore, #tpu.memory_space<semaphore_mem>>
      tpu.wait_indirect_dma semaphore(%dma_wait3A_128 : memref<!tpu.dma_semaphore, #tpu.memory_space<semaphore_mem>>) src(%arg7 : memref<80x128xf32, #tpu.memory_space<vmem>>) dst(%dma_wait3A_126 : memref<10240x128xf32, #tpu.memory_space<vmem_shared>>)
    }
    %scan3A_27 = arith.constant 31 : i32
    %barrier3A_28 = arith.constant 0 : index
    tpu.barrier barrier_id(%barrier3A_28)
    "tpu.region"() ({
      %run_scoped3A_29 = tpu.sem_alloc : memref<!tpu.dma_semaphore, #tpu.memory_space<semaphore_mem>>
      %dma_start3A_30 = arith.constant 0 : i32
      %dma_start3A_31 = tpu.memref_slice %arg5[%arg0, %mul3A_2, %dma_start3A_30] : memref<2x10240x128xf32, #tpu.memory_space<hbm>> -> memref<1x640x128xf32, #tpu.memory_space<hbm>>
      %dma_start3A_32 = tpu.memref_squeeze %dma_start3A_31 : memref<1x640x128xf32, #tpu.memory_space<hbm>> -> memref<640x128xf32, #tpu.memory_space<hbm>>
      %dma_start3A_33 = arith.constant 0 : i32
      %dma_start3A_34 = tpu.memref_slice %arg9[%mul3A_2, %dma_start3A_33] : memref<10240x128xf32, #tpu.memory_space<vmem_shared>> -> memref<640x128xf32, #tpu.memory_space<vmem_shared>>
      tpu.enqueue_dma source(%dma_start3A_34 : memref<640x128xf32, #tpu.memory_space<vmem_shared>>) target(%dma_start3A_32 : memref<640x128xf32, #tpu.memory_space<hbm>>) target_semaphore(%run_scoped3A_29 : memref<!tpu.dma_semaphore, #tpu.memory_space<semaphore_mem>>)
      %dma_wait3A_35 = arith.constant 0 : i32
      %dma_wait3A_36 = tpu.memref_slice %arg5[%arg0, %mul3A_2, %dma_wait3A_35] : memref<2x10240x128xf32, #tpu.memory_space<hbm>> -> memref<1x640x128xf32, #tpu.memory_space<hbm>>
      %dma_wait3A_37 = tpu.memref_squeeze %dma_wait3A_36 : memref<1x640x128xf32, #tpu.memory_space<hbm>> -> memref<640x128xf32, #tpu.memory_space<hbm>>
      %dma_wait3A_38 = arith.constant 0 : i32
      %dma_wait3A_39 = tpu.memref_slice %arg9[%mul3A_2, %dma_wait3A_38] : memref<10240x128xf32, #tpu.memory_space<vmem_shared>> -> memref<640x128xf32, #tpu.memory_space<vmem_shared>>
      tpu.wait_dma2 semaphore(%run_scoped3A_29 : memref<!tpu.dma_semaphore, #tpu.memory_space<semaphore_mem>>) src(%dma_wait3A_39 : memref<640x128xf32, #tpu.memory_space<vmem_shared>>) dst(%dma_wait3A_37 : memref<640x128xf32, #tpu.memory_space<hbm>>)
      tpu.yield
    }) : () -> ()
    return
  }
}

#map = affine_map<(d0, d1) -> (0)>
#map1 = affine_map<(d0, d1) -> (0, 0)>
#map2 = affine_map<(d0, d1) -> (0, 0, 0)>
module attributes {stable_mosaic.version = 14 : i64} {
  func.func @_sc_sum_body(%arg0: i32, %arg1: i32, %arg2: memref<320000xi32, #tpu.memory_space<hbm>>, %arg3: memref<320000xi32, #tpu.memory_space<hbm>>, %arg4: memref<10000x128xf32, #tpu.memory_space<hbm>>, %arg5: memref<640x128xf32, #tpu.memory_space<hbm>>, %arg6: memref<2x10240x128xf32, #tpu.memory_space<hbm>>, %arg7: memref<4x80xi32, #tpu.memory_space<vmem>>, %arg8: memref<4x80xi32, #tpu.memory_space<vmem>>, %arg9: memref<4x80x128xf32, #tpu.memory_space<vmem>>, %arg10: memref<4x!tpu.dma_semaphore, #tpu.memory_space<semaphore_mem>>, %arg11: memref<4x!tpu.dma_semaphore, #tpu.memory_space<semaphore_mem>>, %arg12: memref<10240x128xf32, #tpu.memory_space<vmem_shared>>) attributes {dimension_semantics = [#tpu.dimension_semantics<core_parallel>, #tpu.dimension_semantics<subcore_parallel>], iteration_bounds = array<i64: 2, 16>, scalar_prefetch = 0 : i64, scratch_operands = 6 : i64, tpu.core_type = #tpu.core_type<sc_vector_subcore>, window_params = [{transform_indices = #map}, {transform_indices = #map}, {transform_indices = #map1}, {transform_indices = #map1}, {transform_indices = #map2}]} {
    %mul3A = arith.constant 16 : i32
    %mul3A_0 = arith.muli %arg0, %mul3A : i32
    %add3A = arith.addi %mul3A_0, %arg1 : i32
    %mul3A_1 = arith.constant 640 : i32
    %mul3A_2 = arith.muli %arg1, %mul3A_1 : i32
    "tpu.region"() ({
      %run_scoped3A_70 = tpu.sem_alloc : memref<!tpu.dma_semaphore, #tpu.memory_space<semaphore_mem>>
      %dma_start3A_71 = arith.constant 0 : i32
      %dma_start3A_72 = tpu.memref_slice %arg12[%mul3A_2, %dma_start3A_71] : memref<10240x128xf32, #tpu.memory_space<vmem_shared>> -> memref<640x128xf32, #tpu.memory_space<vmem_shared>>
      tpu.enqueue_dma source(%arg5 : memref<640x128xf32, #tpu.memory_space<hbm>>) target(%dma_start3A_72 : memref<640x128xf32, #tpu.memory_space<vmem_shared>>) target_semaphore(%run_scoped3A_70 : memref<!tpu.dma_semaphore, #tpu.memory_space<semaphore_mem>>)
      %dma_wait3A_73 = arith.constant 0 : i32
      %dma_wait3A_74 = tpu.memref_slice %arg12[%mul3A_2, %dma_wait3A_73] : memref<10240x128xf32, #tpu.memory_space<vmem_shared>> -> memref<640x128xf32, #tpu.memory_space<vmem_shared>>
      tpu.wait_dma2 semaphore(%run_scoped3A_70 : memref<!tpu.dma_semaphore, #tpu.memory_space<semaphore_mem>>) src(%arg5 : memref<640x128xf32, #tpu.memory_space<hbm>>) dst(%dma_wait3A_74 : memref<640x128xf32, #tpu.memory_space<vmem_shared>>)
      tpu.yield
    }) : () -> ()
    %barrier3A = arith.constant 0 : index
    tpu.barrier barrier_id(%barrier3A)
    %mul3A_3 = arith.constant 10000 : i32
    %mul3A_4 = arith.muli %add3A, %mul3A_3 : i32
    %run_scoped3A = arith.constant 0 : i32
    "tpu.region"() ({
      %run_scoped3A_70 = tpu.sem_alloc : memref<!tpu.dma_semaphore, #tpu.memory_space<semaphore_mem>>
      %dma_start3A_71 = arith.constant 0 : i32
      %dma_start3A_72 = tpu.memref_slice %arg7[%run_scoped3A, %dma_start3A_71] : memref<4x80xi32, #tpu.memory_space<vmem>> -> memref<1x80xi32, #tpu.memory_space<vmem>>
      %dma_start3A_73 = tpu.memref_squeeze %dma_start3A_72 : memref<1x80xi32, #tpu.memory_space<vmem>> -> memref<80xi32, #tpu.memory_space<vmem>>
      %dma_start3A_74 = tpu.memref_slice %arg2[%mul3A_4] : memref<320000xi32, #tpu.memory_space<hbm>> -> memref<80xi32, #tpu.memory_space<hbm>>
      %dma_start3A_75 = arith.constant 0 : i32
      %dma_start3A_76 = tpu.memref_slice %arg7[%run_scoped3A, %dma_start3A_75] : memref<4x80xi32, #tpu.memory_space<vmem>> -> memref<1x80xi32, #tpu.memory_space<vmem>>
      %dma_start3A_77 = tpu.memref_squeeze %dma_start3A_76 : memref<1x80xi32, #tpu.memory_space<vmem>> -> memref<80xi32, #tpu.memory_space<vmem>>
      %dma_start3A_78 = tpu.memref_slice %arg2[%mul3A_4] : memref<320000xi32, #tpu.memory_space<hbm>> -> memref<80xi32, #tpu.memory_space<hbm>>
      tpu.enqueue_dma source(%dma_start3A_78 : memref<80xi32, #tpu.memory_space<hbm>>) target(%dma_start3A_77 : memref<80xi32, #tpu.memory_space<vmem>>) target_semaphore(%run_scoped3A_70 : memref<!tpu.dma_semaphore, #tpu.memory_space<semaphore_mem>>)
      %dma_wait3A_79 = arith.constant 0 : i32
      %dma_wait3A_80 = tpu.memref_slice %arg7[%run_scoped3A, %dma_wait3A_79] : memref<4x80xi32, #tpu.memory_space<vmem>> -> memref<1x80xi32, #tpu.memory_space<vmem>>
      %dma_wait3A_81 = tpu.memref_squeeze %dma_wait3A_80 : memref<1x80xi32, #tpu.memory_space<vmem>> -> memref<80xi32, #tpu.memory_space<vmem>>
      %dma_wait3A_82 = tpu.memref_slice %arg2[%mul3A_4] : memref<320000xi32, #tpu.memory_space<hbm>> -> memref<80xi32, #tpu.memory_space<hbm>>
      %dma_wait3A_83 = arith.constant 0 : i32
      %dma_wait3A_84 = tpu.memref_slice %arg7[%run_scoped3A, %dma_wait3A_83] : memref<4x80xi32, #tpu.memory_space<vmem>> -> memref<1x80xi32, #tpu.memory_space<vmem>>
      %dma_wait3A_85 = tpu.memref_squeeze %dma_wait3A_84 : memref<1x80xi32, #tpu.memory_space<vmem>> -> memref<80xi32, #tpu.memory_space<vmem>>
      %dma_wait3A_86 = tpu.memref_slice %arg2[%mul3A_4] : memref<320000xi32, #tpu.memory_space<hbm>> -> memref<80xi32, #tpu.memory_space<hbm>>
      tpu.wait_dma2 semaphore(%run_scoped3A_70 : memref<!tpu.dma_semaphore, #tpu.memory_space<semaphore_mem>>) src(%dma_wait3A_86 : memref<80xi32, #tpu.memory_space<hbm>>) dst(%dma_wait3A_85 : memref<80xi32, #tpu.memory_space<vmem>>)
      tpu.yield
    }) : () -> ()
    %run_scoped3A_5 = arith.constant 0 : i32
    "tpu.region"() ({
      %run_scoped3A_70 = tpu.sem_alloc : memref<!tpu.dma_semaphore, #tpu.memory_space<semaphore_mem>>
      %dma_start3A_71 = arith.constant 0 : i32
      %dma_start3A_72 = tpu.memref_slice %arg8[%run_scoped3A_5, %dma_start3A_71] : memref<4x80xi32, #tpu.memory_space<vmem>> -> memref<1x80xi32, #tpu.memory_space<vmem>>
      %dma_start3A_73 = tpu.memref_squeeze %dma_start3A_72 : memref<1x80xi32, #tpu.memory_space<vmem>> -> memref<80xi32, #tpu.memory_space<vmem>>
      %dma_start3A_74 = tpu.memref_slice %arg3[%mul3A_4] : memref<320000xi32, #tpu.memory_space<hbm>> -> memref<80xi32, #tpu.memory_space<hbm>>
      %dma_start3A_75 = arith.constant 0 : i32
      %dma_start3A_76 = tpu.memref_slice %arg8[%run_scoped3A_5, %dma_start3A_75] : memref<4x80xi32, #tpu.memory_space<vmem>> -> memref<1x80xi32, #tpu.memory_space<vmem>>
      %dma_start3A_77 = tpu.memref_squeeze %dma_start3A_76 : memref<1x80xi32, #tpu.memory_space<vmem>> -> memref<80xi32, #tpu.memory_space<vmem>>
      %dma_start3A_78 = tpu.memref_slice %arg3[%mul3A_4] : memref<320000xi32, #tpu.memory_space<hbm>> -> memref<80xi32, #tpu.memory_space<hbm>>
      tpu.enqueue_dma source(%dma_start3A_78 : memref<80xi32, #tpu.memory_space<hbm>>) target(%dma_start3A_77 : memref<80xi32, #tpu.memory_space<vmem>>) target_semaphore(%run_scoped3A_70 : memref<!tpu.dma_semaphore, #tpu.memory_space<semaphore_mem>>)
      %dma_wait3A_79 = arith.constant 0 : i32
      %dma_wait3A_80 = tpu.memref_slice %arg8[%run_scoped3A_5, %dma_wait3A_79] : memref<4x80xi32, #tpu.memory_space<vmem>> -> memref<1x80xi32, #tpu.memory_space<vmem>>
      %dma_wait3A_81 = tpu.memref_squeeze %dma_wait3A_80 : memref<1x80xi32, #tpu.memory_space<vmem>> -> memref<80xi32, #tpu.memory_space<vmem>>
      %dma_wait3A_82 = tpu.memref_slice %arg3[%mul3A_4] : memref<320000xi32, #tpu.memory_space<hbm>> -> memref<80xi32, #tpu.memory_space<hbm>>
      %dma_wait3A_83 = arith.constant 0 : i32
      %dma_wait3A_84 = tpu.memref_slice %arg8[%run_scoped3A_5, %dma_wait3A_83] : memref<4x80xi32, #tpu.memory_space<vmem>> -> memref<1x80xi32, #tpu.memory_space<vmem>>
      %dma_wait3A_85 = tpu.memref_squeeze %dma_wait3A_84 : memref<1x80xi32, #tpu.memory_space<vmem>> -> memref<80xi32, #tpu.memory_space<vmem>>
      %dma_wait3A_86 = tpu.memref_slice %arg3[%mul3A_4] : memref<320000xi32, #tpu.memory_space<hbm>> -> memref<80xi32, #tpu.memory_space<hbm>>
      tpu.wait_dma2 semaphore(%run_scoped3A_70 : memref<!tpu.dma_semaphore, #tpu.memory_space<semaphore_mem>>) src(%dma_wait3A_86 : memref<80xi32, #tpu.memory_space<hbm>>) dst(%dma_wait3A_85 : memref<80xi32, #tpu.memory_space<vmem>>)
      tpu.yield
    }) : () -> ()
    %dma_start3A = arith.constant 0 : i32
    %dma_start3A_6 = arith.constant 0 : i32
    %dma_start3A_7 = arith.constant 0 : i32
    %dma_start3A_8 = arith.constant 0 : i32
    %dma_start3A_9 = arith.constant 0 : i32
    %dma_start3A_10 = tpu.memref_slice %arg9[%dma_start3A_6, %dma_start3A_8, %dma_start3A_9] : memref<4x80x128xf32, #tpu.memory_space<vmem>> -> memref<1x80x128xf32, #tpu.memory_space<vmem>>
    %dma_start3A_11 = tpu.memref_squeeze %dma_start3A_10 : memref<1x80x128xf32, #tpu.memory_space<vmem>> -> memref<80x128xf32, #tpu.memory_space<vmem>>
    %dma_start3A_12 = arith.constant 0 : i32
    %dma_start3A_13 = tpu.memref_slice %arg7[%dma_start3A, %dma_start3A_12] : memref<4x80xi32, #tpu.memory_space<vmem>> -> memref<1x80xi32, #tpu.memory_space<vmem>>
    %dma_start3A_14 = tpu.memref_squeeze %dma_start3A_13 : memref<1x80xi32, #tpu.memory_space<vmem>> -> memref<80xi32, #tpu.memory_space<vmem>>
    %dma_start3A_15 = arith.constant 0 : i32
    %dma_start3A_16 = arith.constant 0 : i32
    %dma_start3A_17 = tpu.memref_slice %arg4[%dma_start3A_15, %dma_start3A_16] : memref<10000x128xf32, #tpu.memory_space<hbm>> -> memref<10000x128xf32, #tpu.memory_space<hbm>>
    %dma_start3A_18 = tpu.memref_slice %arg10[%dma_start3A_7] : memref<4x!tpu.dma_semaphore, #tpu.memory_space<semaphore_mem>> -> memref<1x!tpu.dma_semaphore, #tpu.memory_space<semaphore_mem>>
    %dma_start3A_19 = tpu.memref_squeeze %dma_start3A_18 : memref<1x!tpu.dma_semaphore, #tpu.memory_space<semaphore_mem>> -> memref<!tpu.dma_semaphore, #tpu.memory_space<semaphore_mem>>
    tpu.enqueue_indirect_dma source(%dma_start3A_17 : memref<10000x128xf32, #tpu.memory_space<hbm>>) target(%dma_start3A_11 : memref<80x128xf32, #tpu.memory_space<vmem>>) offsets(%dma_start3A_14 : memref<80xi32, #tpu.memory_space<vmem>>) semaphore(%dma_start3A_19 : memref<!tpu.dma_semaphore, #tpu.memory_space<semaphore_mem>>)
    %dma_wait3A = arith.constant 0 : i32
    %dma_wait3A_20 = arith.constant 0 : i32
    %dma_wait3A_21 = arith.constant 0 : i32
    %dma_wait3A_22 = arith.constant 0 : i32
    %dma_wait3A_23 = arith.constant 0 : i32
    %dma_wait3A_24 = tpu.memref_slice %arg9[%dma_wait3A_20, %dma_wait3A_22, %dma_wait3A_23] : memref<4x80x128xf32, #tpu.memory_space<vmem>> -> memref<1x80x128xf32, #tpu.memory_space<vmem>>
    %dma_wait3A_25 = tpu.memref_squeeze %dma_wait3A_24 : memref<1x80x128xf32, #tpu.memory_space<vmem>> -> memref<80x128xf32, #tpu.memory_space<vmem>>
    %dma_wait3A_26 = arith.constant 0 : i32
    %dma_wait3A_27 = tpu.memref_slice %arg7[%dma_wait3A, %dma_wait3A_26] : memref<4x80xi32, #tpu.memory_space<vmem>> -> memref<1x80xi32, #tpu.memory_space<vmem>>
    %dma_wait3A_28 = tpu.memref_squeeze %dma_wait3A_27 : memref<1x80xi32, #tpu.memory_space<vmem>> -> memref<80xi32, #tpu.memory_space<vmem>>
    %dma_wait3A_29 = arith.constant 0 : i32
    %dma_wait3A_30 = arith.constant 0 : i32
    %dma_wait3A_31 = tpu.memref_slice %arg4[%dma_wait3A_29, %dma_wait3A_30] : memref<10000x128xf32, #tpu.memory_space<hbm>> -> memref<10000x128xf32, #tpu.memory_space<hbm>>
    %dma_wait3A_32 = tpu.memref_slice %arg10[%dma_wait3A_21] : memref<4x!tpu.dma_semaphore, #tpu.memory_space<semaphore_mem>> -> memref<1x!tpu.dma_semaphore, #tpu.memory_space<semaphore_mem>>
    %dma_wait3A_33 = tpu.memref_squeeze %dma_wait3A_32 : memref<1x!tpu.dma_semaphore, #tpu.memory_space<semaphore_mem>> -> memref<!tpu.dma_semaphore, #tpu.memory_space<semaphore_mem>>
    tpu.wait_indirect_dma semaphore(%dma_wait3A_33 : memref<!tpu.dma_semaphore, #tpu.memory_space<semaphore_mem>>) src(%dma_wait3A_31 : memref<10000x128xf32, #tpu.memory_space<hbm>>) dst(%dma_wait3A_25 : memref<80x128xf32, #tpu.memory_space<vmem>>)
    %dma_start3A_34 = arith.constant 0 : i32
    %dma_start3A_35 = arith.constant 0 : i32
    %dma_start3A_36 = arith.constant 0 : i32
    %dma_start3A_37 = arith.constant 0 : i32
    %dma_start3A_38 = arith.constant 0 : i32
    %dma_start3A_39 = tpu.memref_slice %arg9[%dma_start3A_34, %dma_start3A_37, %dma_start3A_38] : memref<4x80x128xf32, #tpu.memory_space<vmem>> -> memref<1x80x128xf32, #tpu.memory_space<vmem>>
    %dma_start3A_40 = tpu.memref_squeeze %dma_start3A_39 : memref<1x80x128xf32, #tpu.memory_space<vmem>> -> memref<80x128xf32, #tpu.memory_space<vmem>>
    %dma_start3A_41 = arith.constant 0 : i32
    %dma_start3A_42 = tpu.memref_slice %arg8[%dma_start3A_35, %dma_start3A_41] : memref<4x80xi32, #tpu.memory_space<vmem>> -> memref<1x80xi32, #tpu.memory_space<vmem>>
    %dma_start3A_43 = tpu.memref_squeeze %dma_start3A_42 : memref<1x80xi32, #tpu.memory_space<vmem>> -> memref<80xi32, #tpu.memory_space<vmem>>
    %dma_start3A_44 = arith.constant 0 : i32
    %dma_start3A_45 = arith.constant 0 : i32
    %dma_start3A_46 = tpu.memref_slice %arg12[%dma_start3A_44, %dma_start3A_45] : memref<10240x128xf32, #tpu.memory_space<vmem_shared>> -> memref<10240x128xf32, #tpu.memory_space<vmem_shared>>
    %dma_start3A_47 = tpu.memref_slice %arg11[%dma_start3A_36] : memref<4x!tpu.dma_semaphore, #tpu.memory_space<semaphore_mem>> -> memref<1x!tpu.dma_semaphore, #tpu.memory_space<semaphore_mem>>
    %dma_start3A_48 = tpu.memref_squeeze %dma_start3A_47 : memref<1x!tpu.dma_semaphore, #tpu.memory_space<semaphore_mem>> -> memref<!tpu.dma_semaphore, #tpu.memory_space<semaphore_mem>>
    tpu.enqueue_indirect_dma source(%dma_start3A_40 : memref<80x128xf32, #tpu.memory_space<vmem>>) target(%dma_start3A_46 : memref<10240x128xf32, #tpu.memory_space<vmem_shared>>) offsets(%dma_start3A_43 : memref<80xi32, #tpu.memory_space<vmem>>) semaphore(%dma_start3A_48 : memref<!tpu.dma_semaphore, #tpu.memory_space<semaphore_mem>>) {add = true}
    %dma_wait3A_49 = arith.constant 0 : i32
    %dma_wait3A_50 = arith.constant 0 : i32
    %dma_wait3A_51 = arith.constant 0 : i32
    %dma_wait3A_52 = arith.constant 0 : i32
    %dma_wait3A_53 = arith.constant 0 : i32
    %dma_wait3A_54 = tpu.memref_slice %arg9[%dma_wait3A_49, %dma_wait3A_52, %dma_wait3A_53] : memref<4x80x128xf32, #tpu.memory_space<vmem>> -> memref<1x80x128xf32, #tpu.memory_space<vmem>>
    %dma_wait3A_55 = tpu.memref_squeeze %dma_wait3A_54 : memref<1x80x128xf32, #tpu.memory_space<vmem>> -> memref<80x128xf32, #tpu.memory_space<vmem>>
    %dma_wait3A_56 = arith.constant 0 : i32
    %dma_wait3A_57 = tpu.memref_slice %arg8[%dma_wait3A_50, %dma_wait3A_56] : memref<4x80xi32, #tpu.memory_space<vmem>> -> memref<1x80xi32, #tpu.memory_space<vmem>>
    %dma_wait3A_58 = tpu.memref_squeeze %dma_wait3A_57 : memref<1x80xi32, #tpu.memory_space<vmem>> -> memref<80xi32, #tpu.memory_space<vmem>>
    %dma_wait3A_59 = arith.constant 0 : i32
    %dma_wait3A_60 = arith.constant 0 : i32
    %dma_wait3A_61 = tpu.memref_slice %arg12[%dma_wait3A_59, %dma_wait3A_60] : memref<10240x128xf32, #tpu.memory_space<vmem_shared>> -> memref<10240x128xf32, #tpu.memory_space<vmem_shared>>
    %dma_wait3A_62 = tpu.memref_slice %arg11[%dma_wait3A_51] : memref<4x!tpu.dma_semaphore, #tpu.memory_space<semaphore_mem>> -> memref<1x!tpu.dma_semaphore, #tpu.memory_space<semaphore_mem>>
    %dma_wait3A_63 = tpu.memref_squeeze %dma_wait3A_62 : memref<1x!tpu.dma_semaphore, #tpu.memory_space<semaphore_mem>> -> memref<!tpu.dma_semaphore, #tpu.memory_space<semaphore_mem>>
    tpu.wait_indirect_dma semaphore(%dma_wait3A_63 : memref<!tpu.dma_semaphore, #tpu.memory_space<semaphore_mem>>) src(%dma_wait3A_55 : memref<80x128xf32, #tpu.memory_space<vmem>>) dst(%dma_wait3A_61 : memref<10240x128xf32, #tpu.memory_space<vmem_shared>>)
    %scan3A = arith.constant 0 : i32
    %scan3A_64 = arith.constant 0 : i32
    %scan3A_65 = arith.constant 31 : i32
    %scan3A_66 = arith.addi %scan3A_64, %scan3A_65 : i32
    %scan3A_67 = arith.constant 1 : i32
    scf.for %scan3A_70 = %scan3A_64 to %scan3A_66 step %scan3A_67  : i32 {
      %mul3A_71 = arith.constant 10000 : i32
      %mul3A_72 = arith.muli %add3A, %mul3A_71 : i32
      %add3A_73 = arith.constant 80 : i32
      %add3A_74 = arith.addi %mul3A_72, %add3A_73 : i32
      %mul3A_75 = arith.constant 320 : i32
      %mul3A_76 = arith.muli %scan3A_70, %mul3A_75 : i32
      %add3A_77 = arith.addi %add3A_74, %mul3A_76 : i32
      %add3A_78 = arith.constant 0 : i32
      %add3A_79 = arith.addi %add3A_77, %add3A_78 : i32
      %run_scoped3A_80 = arith.constant 0 : i32
      "tpu.region"() ({
        %run_scoped3A_334 = tpu.sem_alloc : memref<!tpu.dma_semaphore, #tpu.memory_space<semaphore_mem>>
        %dma_start3A_335 = arith.constant 0 : i32
        %dma_start3A_336 = tpu.memref_slice %arg7[%run_scoped3A_80, %dma_start3A_335] : memref<4x80xi32, #tpu.memory_space<vmem>> -> memref<1x80xi32, #tpu.memory_space<vmem>>
        %dma_start3A_337 = tpu.memref_squeeze %dma_start3A_336 : memref<1x80xi32, #tpu.memory_space<vmem>> -> memref<80xi32, #tpu.memory_space<vmem>>
        %dma_start3A_338 = tpu.memref_slice %arg2[%add3A_79] : memref<320000xi32, #tpu.memory_space<hbm>> -> memref<80xi32, #tpu.memory_space<hbm>>
        %dma_start3A_339 = arith.constant 0 : i32
        %dma_start3A_340 = tpu.memref_slice %arg7[%run_scoped3A_80, %dma_start3A_339] : memref<4x80xi32, #tpu.memory_space<vmem>> -> memref<1x80xi32, #tpu.memory_space<vmem>>
        %dma_start3A_341 = tpu.memref_squeeze %dma_start3A_340 : memref<1x80xi32, #tpu.memory_space<vmem>> -> memref<80xi32, #tpu.memory_space<vmem>>
        %dma_start3A_342 = tpu.memref_slice %arg2[%add3A_79] : memref<320000xi32, #tpu.memory_space<hbm>> -> memref<80xi32, #tpu.memory_space<hbm>>
        tpu.enqueue_dma source(%dma_start3A_342 : memref<80xi32, #tpu.memory_space<hbm>>) target(%dma_start3A_341 : memref<80xi32, #tpu.memory_space<vmem>>) target_semaphore(%run_scoped3A_334 : memref<!tpu.dma_semaphore, #tpu.memory_space<semaphore_mem>>)
        %dma_wait3A_343 = arith.constant 0 : i32
        %dma_wait3A_344 = tpu.memref_slice %arg7[%run_scoped3A_80, %dma_wait3A_343] : memref<4x80xi32, #tpu.memory_space<vmem>> -> memref<1x80xi32, #tpu.memory_space<vmem>>
        %dma_wait3A_345 = tpu.memref_squeeze %dma_wait3A_344 : memref<1x80xi32, #tpu.memory_space<vmem>> -> memref<80xi32, #tpu.memory_space<vmem>>
        %dma_wait3A_346 = tpu.memref_slice %arg2[%add3A_79] : memref<320000xi32, #tpu.memory_space<hbm>> -> memref<80xi32, #tpu.memory_space<hbm>>
        %dma_wait3A_347 = arith.constant 0 : i32
        %dma_wait3A_348 = tpu.memref_slice %arg7[%run_scoped3A_80, %dma_wait3A_347] : memref<4x80xi32, #tpu.memory_space<vmem>> -> memref<1x80xi32, #tpu.memory_space<vmem>>
        %dma_wait3A_349 = tpu.memref_squeeze %dma_wait3A_348 : memref<1x80xi32, #tpu.memory_space<vmem>> -> memref<80xi32, #tpu.memory_space<vmem>>
        %dma_wait3A_350 = tpu.memref_slice %arg2[%add3A_79] : memref<320000xi32, #tpu.memory_space<hbm>> -> memref<80xi32, #tpu.memory_space<hbm>>
        tpu.wait_dma2 semaphore(%run_scoped3A_334 : memref<!tpu.dma_semaphore, #tpu.memory_space<semaphore_mem>>) src(%dma_wait3A_350 : memref<80xi32, #tpu.memory_space<hbm>>) dst(%dma_wait3A_349 : memref<80xi32, #tpu.memory_space<vmem>>)
        tpu.yield
      }) : () -> ()
      %run_scoped3A_81 = arith.constant 0 : i32
      "tpu.region"() ({
        %run_scoped3A_334 = tpu.sem_alloc : memref<!tpu.dma_semaphore, #tpu.memory_space<semaphore_mem>>
        %dma_start3A_335 = arith.constant 0 : i32
        %dma_start3A_336 = tpu.memref_slice %arg8[%run_scoped3A_81, %dma_start3A_335] : memref<4x80xi32, #tpu.memory_space<vmem>> -> memref<1x80xi32, #tpu.memory_space<vmem>>
        %dma_start3A_337 = tpu.memref_squeeze %dma_start3A_336 : memref<1x80xi32, #tpu.memory_space<vmem>> -> memref<80xi32, #tpu.memory_space<vmem>>
        %dma_start3A_338 = tpu.memref_slice %arg3[%add3A_79] : memref<320000xi32, #tpu.memory_space<hbm>> -> memref<80xi32, #tpu.memory_space<hbm>>
        %dma_start3A_339 = arith.constant 0 : i32
        %dma_start3A_340 = tpu.memref_slice %arg8[%run_scoped3A_81, %dma_start3A_339] : memref<4x80xi32, #tpu.memory_space<vmem>> -> memref<1x80xi32, #tpu.memory_space<vmem>>
        %dma_start3A_341 = tpu.memref_squeeze %dma_start3A_340 : memref<1x80xi32, #tpu.memory_space<vmem>> -> memref<80xi32, #tpu.memory_space<vmem>>
        %dma_start3A_342 = tpu.memref_slice %arg3[%add3A_79] : memref<320000xi32, #tpu.memory_space<hbm>> -> memref<80xi32, #tpu.memory_space<hbm>>
        tpu.enqueue_dma source(%dma_start3A_342 : memref<80xi32, #tpu.memory_space<hbm>>) target(%dma_start3A_341 : memref<80xi32, #tpu.memory_space<vmem>>) target_semaphore(%run_scoped3A_334 : memref<!tpu.dma_semaphore, #tpu.memory_space<semaphore_mem>>)
        %dma_wait3A_343 = arith.constant 0 : i32
        %dma_wait3A_344 = tpu.memref_slice %arg8[%run_scoped3A_81, %dma_wait3A_343] : memref<4x80xi32, #tpu.memory_space<vmem>> -> memref<1x80xi32, #tpu.memory_space<vmem>>
        %dma_wait3A_345 = tpu.memref_squeeze %dma_wait3A_344 : memref<1x80xi32, #tpu.memory_space<vmem>> -> memref<80xi32, #tpu.memory_space<vmem>>
        %dma_wait3A_346 = tpu.memref_slice %arg3[%add3A_79] : memref<320000xi32, #tpu.memory_space<hbm>> -> memref<80xi32, #tpu.memory_space<hbm>>
        %dma_wait3A_347 = arith.constant 0 : i32
        %dma_wait3A_348 = tpu.memref_slice %arg8[%run_scoped3A_81, %dma_wait3A_347] : memref<4x80xi32, #tpu.memory_space<vmem>> -> memref<1x80xi32, #tpu.memory_space<vmem>>
        %dma_wait3A_349 = tpu.memref_squeeze %dma_wait3A_348 : memref<1x80xi32, #tpu.memory_space<vmem>> -> memref<80xi32, #tpu.memory_space<vmem>>
        %dma_wait3A_350 = tpu.memref_slice %arg3[%add3A_79] : memref<320000xi32, #tpu.memory_space<hbm>> -> memref<80xi32, #tpu.memory_space<hbm>>
        tpu.wait_dma2 semaphore(%run_scoped3A_334 : memref<!tpu.dma_semaphore, #tpu.memory_space<semaphore_mem>>) src(%dma_wait3A_350 : memref<80xi32, #tpu.memory_space<hbm>>) dst(%dma_wait3A_349 : memref<80xi32, #tpu.memory_space<vmem>>)
        tpu.yield
      }) : () -> ()
      %dma_start3A_82 = arith.constant 0 : i32
      %dma_start3A_83 = arith.constant 0 : i32
      %dma_start3A_84 = arith.constant 0 : i32
      %dma_start3A_85 = arith.constant 0 : i32
      %dma_start3A_86 = arith.constant 0 : i32
      %dma_start3A_87 = tpu.memref_slice %arg9[%dma_start3A_83, %dma_start3A_85, %dma_start3A_86] : memref<4x80x128xf32, #tpu.memory_space<vmem>> -> memref<1x80x128xf32, #tpu.memory_space<vmem>>
      %dma_start3A_88 = tpu.memref_squeeze %dma_start3A_87 : memref<1x80x128xf32, #tpu.memory_space<vmem>> -> memref<80x128xf32, #tpu.memory_space<vmem>>
      %dma_start3A_89 = arith.constant 0 : i32
      %dma_start3A_90 = tpu.memref_slice %arg7[%dma_start3A_82, %dma_start3A_89] : memref<4x80xi32, #tpu.memory_space<vmem>> -> memref<1x80xi32, #tpu.memory_space<vmem>>
      %dma_start3A_91 = tpu.memref_squeeze %dma_start3A_90 : memref<1x80xi32, #tpu.memory_space<vmem>> -> memref<80xi32, #tpu.memory_space<vmem>>
      %dma_start3A_92 = arith.constant 0 : i32
      %dma_start3A_93 = arith.constant 0 : i32
      %dma_start3A_94 = tpu.memref_slice %arg4[%dma_start3A_92, %dma_start3A_93] : memref<10000x128xf32, #tpu.memory_space<hbm>> -> memref<10000x128xf32, #tpu.memory_space<hbm>>
      %dma_start3A_95 = tpu.memref_slice %arg10[%dma_start3A_84] : memref<4x!tpu.dma_semaphore, #tpu.memory_space<semaphore_mem>> -> memref<1x!tpu.dma_semaphore, #tpu.memory_space<semaphore_mem>>
      %dma_start3A_96 = tpu.memref_squeeze %dma_start3A_95 : memref<1x!tpu.dma_semaphore, #tpu.memory_space<semaphore_mem>> -> memref<!tpu.dma_semaphore, #tpu.memory_space<semaphore_mem>>
      tpu.enqueue_indirect_dma source(%dma_start3A_94 : memref<10000x128xf32, #tpu.memory_space<hbm>>) target(%dma_start3A_88 : memref<80x128xf32, #tpu.memory_space<vmem>>) offsets(%dma_start3A_91 : memref<80xi32, #tpu.memory_space<vmem>>) semaphore(%dma_start3A_96 : memref<!tpu.dma_semaphore, #tpu.memory_space<semaphore_mem>>)
      %add3A_97 = arith.constant 80 : i32
      %add3A_98 = arith.addi %add3A_77, %add3A_97 : i32
      %run_scoped3A_99 = arith.constant 1 : i32
      "tpu.region"() ({
        %run_scoped3A_334 = tpu.sem_alloc : memref<!tpu.dma_semaphore, #tpu.memory_space<semaphore_mem>>
        %dma_start3A_335 = arith.constant 0 : i32
        %dma_start3A_336 = tpu.memref_slice %arg7[%run_scoped3A_99, %dma_start3A_335] : memref<4x80xi32, #tpu.memory_space<vmem>> -> memref<1x80xi32, #tpu.memory_space<vmem>>
        %dma_start3A_337 = tpu.memref_squeeze %dma_start3A_336 : memref<1x80xi32, #tpu.memory_space<vmem>> -> memref<80xi32, #tpu.memory_space<vmem>>
        %dma_start3A_338 = tpu.memref_slice %arg2[%add3A_98] : memref<320000xi32, #tpu.memory_space<hbm>> -> memref<80xi32, #tpu.memory_space<hbm>>
        %dma_start3A_339 = arith.constant 0 : i32
        %dma_start3A_340 = tpu.memref_slice %arg7[%run_scoped3A_99, %dma_start3A_339] : memref<4x80xi32, #tpu.memory_space<vmem>> -> memref<1x80xi32, #tpu.memory_space<vmem>>
        %dma_start3A_341 = tpu.memref_squeeze %dma_start3A_340 : memref<1x80xi32, #tpu.memory_space<vmem>> -> memref<80xi32, #tpu.memory_space<vmem>>
        %dma_start3A_342 = tpu.memref_slice %arg2[%add3A_98] : memref<320000xi32, #tpu.memory_space<hbm>> -> memref<80xi32, #tpu.memory_space<hbm>>
        tpu.enqueue_dma source(%dma_start3A_342 : memref<80xi32, #tpu.memory_space<hbm>>) target(%dma_start3A_341 : memref<80xi32, #tpu.memory_space<vmem>>) target_semaphore(%run_scoped3A_334 : memref<!tpu.dma_semaphore, #tpu.memory_space<semaphore_mem>>)
        %dma_wait3A_343 = arith.constant 0 : i32
        %dma_wait3A_344 = tpu.memref_slice %arg7[%run_scoped3A_99, %dma_wait3A_343] : memref<4x80xi32, #tpu.memory_space<vmem>> -> memref<1x80xi32, #tpu.memory_space<vmem>>
        %dma_wait3A_345 = tpu.memref_squeeze %dma_wait3A_344 : memref<1x80xi32, #tpu.memory_space<vmem>> -> memref<80xi32, #tpu.memory_space<vmem>>
        %dma_wait3A_346 = tpu.memref_slice %arg2[%add3A_98] : memref<320000xi32, #tpu.memory_space<hbm>> -> memref<80xi32, #tpu.memory_space<hbm>>
        %dma_wait3A_347 = arith.constant 0 : i32
        %dma_wait3A_348 = tpu.memref_slice %arg7[%run_scoped3A_99, %dma_wait3A_347] : memref<4x80xi32, #tpu.memory_space<vmem>> -> memref<1x80xi32, #tpu.memory_space<vmem>>
        %dma_wait3A_349 = tpu.memref_squeeze %dma_wait3A_348 : memref<1x80xi32, #tpu.memory_space<vmem>> -> memref<80xi32, #tpu.memory_space<vmem>>
        %dma_wait3A_350 = tpu.memref_slice %arg2[%add3A_98] : memref<320000xi32, #tpu.memory_space<hbm>> -> memref<80xi32, #tpu.memory_space<hbm>>
        tpu.wait_dma2 semaphore(%run_scoped3A_334 : memref<!tpu.dma_semaphore, #tpu.memory_space<semaphore_mem>>) src(%dma_wait3A_350 : memref<80xi32, #tpu.memory_space<hbm>>) dst(%dma_wait3A_349 : memref<80xi32, #tpu.memory_space<vmem>>)
        tpu.yield
      }) : () -> ()
      %run_scoped3A_100 = arith.constant 1 : i32
      "tpu.region"() ({
        %run_scoped3A_334 = tpu.sem_alloc : memref<!tpu.dma_semaphore, #tpu.memory_space<semaphore_mem>>
        %dma_start3A_335 = arith.constant 0 : i32
        %dma_start3A_336 = tpu.memref_slice %arg8[%run_scoped3A_100, %dma_start3A_335] : memref<4x80xi32, #tpu.memory_space<vmem>> -> memref<1x80xi32, #tpu.memory_space<vmem>>
        %dma_start3A_337 = tpu.memref_squeeze %dma_start3A_336 : memref<1x80xi32, #tpu.memory_space<vmem>> -> memref<80xi32, #tpu.memory_space<vmem>>
        %dma_start3A_338 = tpu.memref_slice %arg3[%add3A_98] : memref<320000xi32, #tpu.memory_space<hbm>> -> memref<80xi32, #tpu.memory_space<hbm>>
        %dma_start3A_339 = arith.constant 0 : i32
        %dma_start3A_340 = tpu.memref_slice %arg8[%run_scoped3A_100, %dma_start3A_339] : memref<4x80xi32, #tpu.memory_space<vmem>> -> memref<1x80xi32, #tpu.memory_space<vmem>>
        %dma_start3A_341 = tpu.memref_squeeze %dma_start3A_340 : memref<1x80xi32, #tpu.memory_space<vmem>> -> memref<80xi32, #tpu.memory_space<vmem>>
        %dma_start3A_342 = tpu.memref_slice %arg3[%add3A_98] : memref<320000xi32, #tpu.memory_space<hbm>> -> memref<80xi32, #tpu.memory_space<hbm>>
        tpu.enqueue_dma source(%dma_start3A_342 : memref<80xi32, #tpu.memory_space<hbm>>) target(%dma_start3A_341 : memref<80xi32, #tpu.memory_space<vmem>>) target_semaphore(%run_scoped3A_334 : memref<!tpu.dma_semaphore, #tpu.memory_space<semaphore_mem>>)
        %dma_wait3A_343 = arith.constant 0 : i32
        %dma_wait3A_344 = tpu.memref_slice %arg8[%run_scoped3A_100, %dma_wait3A_343] : memref<4x80xi32, #tpu.memory_space<vmem>> -> memref<1x80xi32, #tpu.memory_space<vmem>>
        %dma_wait3A_345 = tpu.memref_squeeze %dma_wait3A_344 : memref<1x80xi32, #tpu.memory_space<vmem>> -> memref<80xi32, #tpu.memory_space<vmem>>
        %dma_wait3A_346 = tpu.memref_slice %arg3[%add3A_98] : memref<320000xi32, #tpu.memory_space<hbm>> -> memref<80xi32, #tpu.memory_space<hbm>>
        %dma_wait3A_347 = arith.constant 0 : i32
        %dma_wait3A_348 = tpu.memref_slice %arg8[%run_scoped3A_100, %dma_wait3A_347] : memref<4x80xi32, #tpu.memory_space<vmem>> -> memref<1x80xi32, #tpu.memory_space<vmem>>
        %dma_wait3A_349 = tpu.memref_squeeze %dma_wait3A_348 : memref<1x80xi32, #tpu.memory_space<vmem>> -> memref<80xi32, #tpu.memory_space<vmem>>
        %dma_wait3A_350 = tpu.memref_slice %arg3[%add3A_98] : memref<320000xi32, #tpu.memory_space<hbm>> -> memref<80xi32, #tpu.memory_space<hbm>>
        tpu.wait_dma2 semaphore(%run_scoped3A_334 : memref<!tpu.dma_semaphore, #tpu.memory_space<semaphore_mem>>) src(%dma_wait3A_350 : memref<80xi32, #tpu.memory_space<hbm>>) dst(%dma_wait3A_349 : memref<80xi32, #tpu.memory_space<vmem>>)
        tpu.yield
      }) : () -> ()
      %dma_start3A_101 = arith.constant 1 : i32
      %dma_start3A_102 = arith.constant 1 : i32
      %dma_start3A_103 = arith.constant 1 : i32
      %dma_start3A_104 = arith.constant 0 : i32
      %dma_start3A_105 = arith.constant 0 : i32
      %dma_start3A_106 = tpu.memref_slice %arg9[%dma_start3A_102, %dma_start3A_104, %dma_start3A_105] : memref<4x80x128xf32, #tpu.memory_space<vmem>> -> memref<1x80x128xf32, #tpu.memory_space<vmem>>
      %dma_start3A_107 = tpu.memref_squeeze %dma_start3A_106 : memref<1x80x128xf32, #tpu.memory_space<vmem>> -> memref<80x128xf32, #tpu.memory_space<vmem>>
      %dma_start3A_108 = arith.constant 0 : i32
      %dma_start3A_109 = tpu.memref_slice %arg7[%dma_start3A_101, %dma_start3A_108] : memref<4x80xi32, #tpu.memory_space<vmem>> -> memref<1x80xi32, #tpu.memory_space<vmem>>
      %dma_start3A_110 = tpu.memref_squeeze %dma_start3A_109 : memref<1x80xi32, #tpu.memory_space<vmem>> -> memref<80xi32, #tpu.memory_space<vmem>>
      %dma_start3A_111 = arith.constant 0 : i32
      %dma_start3A_112 = arith.constant 0 : i32
      %dma_start3A_113 = tpu.memref_slice %arg4[%dma_start3A_111, %dma_start3A_112] : memref<10000x128xf32, #tpu.memory_space<hbm>> -> memref<10000x128xf32, #tpu.memory_space<hbm>>
      %dma_start3A_114 = tpu.memref_slice %arg10[%dma_start3A_103] : memref<4x!tpu.dma_semaphore, #tpu.memory_space<semaphore_mem>> -> memref<1x!tpu.dma_semaphore, #tpu.memory_space<semaphore_mem>>
      %dma_start3A_115 = tpu.memref_squeeze %dma_start3A_114 : memref<1x!tpu.dma_semaphore, #tpu.memory_space<semaphore_mem>> -> memref<!tpu.dma_semaphore, #tpu.memory_space<semaphore_mem>>
      tpu.enqueue_indirect_dma source(%dma_start3A_113 : memref<10000x128xf32, #tpu.memory_space<hbm>>) target(%dma_start3A_107 : memref<80x128xf32, #tpu.memory_space<vmem>>) offsets(%dma_start3A_110 : memref<80xi32, #tpu.memory_space<vmem>>) semaphore(%dma_start3A_115 : memref<!tpu.dma_semaphore, #tpu.memory_space<semaphore_mem>>)
      %add3A_116 = arith.constant 160 : i32
      %add3A_117 = arith.addi %add3A_77, %add3A_116 : i32
      %run_scoped3A_118 = arith.constant 2 : i32
      "tpu.region"() ({
        %run_scoped3A_334 = tpu.sem_alloc : memref<!tpu.dma_semaphore, #tpu.memory_space<semaphore_mem>>
        %dma_start3A_335 = arith.constant 0 : i32
        %dma_start3A_336 = tpu.memref_slice %arg7[%run_scoped3A_118, %dma_start3A_335] : memref<4x80xi32, #tpu.memory_space<vmem>> -> memref<1x80xi32, #tpu.memory_space<vmem>>
        %dma_start3A_337 = tpu.memref_squeeze %dma_start3A_336 : memref<1x80xi32, #tpu.memory_space<vmem>> -> memref<80xi32, #tpu.memory_space<vmem>>
        %dma_start3A_338 = tpu.memref_slice %arg2[%add3A_117] : memref<320000xi32, #tpu.memory_space<hbm>> -> memref<80xi32, #tpu.memory_space<hbm>>
        %dma_start3A_339 = arith.constant 0 : i32
        %dma_start3A_340 = tpu.memref_slice %arg7[%run_scoped3A_118, %dma_start3A_339] : memref<4x80xi32, #tpu.memory_space<vmem>> -> memref<1x80xi32, #tpu.memory_space<vmem>>
        %dma_start3A_341 = tpu.memref_squeeze %dma_start3A_340 : memref<1x80xi32, #tpu.memory_space<vmem>> -> memref<80xi32, #tpu.memory_space<vmem>>
        %dma_start3A_342 = tpu.memref_slice %arg2[%add3A_117] : memref<320000xi32, #tpu.memory_space<hbm>> -> memref<80xi32, #tpu.memory_space<hbm>>
        tpu.enqueue_dma source(%dma_start3A_342 : memref<80xi32, #tpu.memory_space<hbm>>) target(%dma_start3A_341 : memref<80xi32, #tpu.memory_space<vmem>>) target_semaphore(%run_scoped3A_334 : memref<!tpu.dma_semaphore, #tpu.memory_space<semaphore_mem>>)
        %dma_wait3A_343 = arith.constant 0 : i32
        %dma_wait3A_344 = tpu.memref_slice %arg7[%run_scoped3A_118, %dma_wait3A_343] : memref<4x80xi32, #tpu.memory_space<vmem>> -> memref<1x80xi32, #tpu.memory_space<vmem>>
        %dma_wait3A_345 = tpu.memref_squeeze %dma_wait3A_344 : memref<1x80xi32, #tpu.memory_space<vmem>> -> memref<80xi32, #tpu.memory_space<vmem>>
        %dma_wait3A_346 = tpu.memref_slice %arg2[%add3A_117] : memref<320000xi32, #tpu.memory_space<hbm>> -> memref<80xi32, #tpu.memory_space<hbm>>
        %dma_wait3A_347 = arith.constant 0 : i32
        %dma_wait3A_348 = tpu.memref_slice %arg7[%run_scoped3A_118, %dma_wait3A_347] : memref<4x80xi32, #tpu.memory_space<vmem>> -> memref<1x80xi32, #tpu.memory_space<vmem>>
        %dma_wait3A_349 = tpu.memref_squeeze %dma_wait3A_348 : memref<1x80xi32, #tpu.memory_space<vmem>> -> memref<80xi32, #tpu.memory_space<vmem>>
        %dma_wait3A_350 = tpu.memref_slice %arg2[%add3A_117] : memref<320000xi32, #tpu.memory_space<hbm>> -> memref<80xi32, #tpu.memory_space<hbm>>
        tpu.wait_dma2 semaphore(%run_scoped3A_334 : memref<!tpu.dma_semaphore, #tpu.memory_space<semaphore_mem>>) src(%dma_wait3A_350 : memref<80xi32, #tpu.memory_space<hbm>>) dst(%dma_wait3A_349 : memref<80xi32, #tpu.memory_space<vmem>>)
        tpu.yield
      }) : () -> ()
      %run_scoped3A_119 = arith.constant 2 : i32
      "tpu.region"() ({
        %run_scoped3A_334 = tpu.sem_alloc : memref<!tpu.dma_semaphore, #tpu.memory_space<semaphore_mem>>
        %dma_start3A_335 = arith.constant 0 : i32
        %dma_start3A_336 = tpu.memref_slice %arg8[%run_scoped3A_119, %dma_start3A_335] : memref<4x80xi32, #tpu.memory_space<vmem>> -> memref<1x80xi32, #tpu.memory_space<vmem>>
        %dma_start3A_337 = tpu.memref_squeeze %dma_start3A_336 : memref<1x80xi32, #tpu.memory_space<vmem>> -> memref<80xi32, #tpu.memory_space<vmem>>
        %dma_start3A_338 = tpu.memref_slice %arg3[%add3A_117] : memref<320000xi32, #tpu.memory_space<hbm>> -> memref<80xi32, #tpu.memory_space<hbm>>
        %dma_start3A_339 = arith.constant 0 : i32
        %dma_start3A_340 = tpu.memref_slice %arg8[%run_scoped3A_119, %dma_start3A_339] : memref<4x80xi32, #tpu.memory_space<vmem>> -> memref<1x80xi32, #tpu.memory_space<vmem>>
        %dma_start3A_341 = tpu.memref_squeeze %dma_start3A_340 : memref<1x80xi32, #tpu.memory_space<vmem>> -> memref<80xi32, #tpu.memory_space<vmem>>
        %dma_start3A_342 = tpu.memref_slice %arg3[%add3A_117] : memref<320000xi32, #tpu.memory_space<hbm>> -> memref<80xi32, #tpu.memory_space<hbm>>
        tpu.enqueue_dma source(%dma_start3A_342 : memref<80xi32, #tpu.memory_space<hbm>>) target(%dma_start3A_341 : memref<80xi32, #tpu.memory_space<vmem>>) target_semaphore(%run_scoped3A_334 : memref<!tpu.dma_semaphore, #tpu.memory_space<semaphore_mem>>)
        %dma_wait3A_343 = arith.constant 0 : i32
        %dma_wait3A_344 = tpu.memref_slice %arg8[%run_scoped3A_119, %dma_wait3A_343] : memref<4x80xi32, #tpu.memory_space<vmem>> -> memref<1x80xi32, #tpu.memory_space<vmem>>
        %dma_wait3A_345 = tpu.memref_squeeze %dma_wait3A_344 : memref<1x80xi32, #tpu.memory_space<vmem>> -> memref<80xi32, #tpu.memory_space<vmem>>
        %dma_wait3A_346 = tpu.memref_slice %arg3[%add3A_117] : memref<320000xi32, #tpu.memory_space<hbm>> -> memref<80xi32, #tpu.memory_space<hbm>>
        %dma_wait3A_347 = arith.constant 0 : i32
        %dma_wait3A_348 = tpu.memref_slice %arg8[%run_scoped3A_119, %dma_wait3A_347] : memref<4x80xi32, #tpu.memory_space<vmem>> -> memref<1x80xi32, #tpu.memory_space<vmem>>
        %dma_wait3A_349 = tpu.memref_squeeze %dma_wait3A_348 : memref<1x80xi32, #tpu.memory_space<vmem>> -> memref<80xi32, #tpu.memory_space<vmem>>
        %dma_wait3A_350 = tpu.memref_slice %arg3[%add3A_117] : memref<320000xi32, #tpu.memory_space<hbm>> -> memref<80xi32, #tpu.memory_space<hbm>>
        tpu.wait_dma2 semaphore(%run_scoped3A_334 : memref<!tpu.dma_semaphore, #tpu.memory_space<semaphore_mem>>) src(%dma_wait3A_350 : memref<80xi32, #tpu.memory_space<hbm>>) dst(%dma_wait3A_349 : memref<80xi32, #tpu.memory_space<vmem>>)
        tpu.yield
      }) : () -> ()
      %dma_start3A_120 = arith.constant 2 : i32
      %dma_start3A_121 = arith.constant 2 : i32
      %dma_start3A_122 = arith.constant 2 : i32
      %dma_start3A_123 = arith.constant 0 : i32
      %dma_start3A_124 = arith.constant 0 : i32
      %dma_start3A_125 = tpu.memref_slice %arg9[%dma_start3A_121, %dma_start3A_123, %dma_start3A_124] : memref<4x80x128xf32, #tpu.memory_space<vmem>> -> memref<1x80x128xf32, #tpu.memory_space<vmem>>
      %dma_start3A_126 = tpu.memref_squeeze %dma_start3A_125 : memref<1x80x128xf32, #tpu.memory_space<vmem>> -> memref<80x128xf32, #tpu.memory_space<vmem>>
      %dma_start3A_127 = arith.constant 0 : i32
      %dma_start3A_128 = tpu.memref_slice %arg7[%dma_start3A_120, %dma_start3A_127] : memref<4x80xi32, #tpu.memory_space<vmem>> -> memref<1x80xi32, #tpu.memory_space<vmem>>
      %dma_start3A_129 = tpu.memref_squeeze %dma_start3A_128 : memref<1x80xi32, #tpu.memory_space<vmem>> -> memref<80xi32, #tpu.memory_space<vmem>>
      %dma_start3A_130 = arith.constant 0 : i32
      %dma_start3A_131 = arith.constant 0 : i32
      %dma_start3A_132 = tpu.memref_slice %arg4[%dma_start3A_130, %dma_start3A_131] : memref<10000x128xf32, #tpu.memory_space<hbm>> -> memref<10000x128xf32, #tpu.memory_space<hbm>>
      %dma_start3A_133 = tpu.memref_slice %arg10[%dma_start3A_122] : memref<4x!tpu.dma_semaphore, #tpu.memory_space<semaphore_mem>> -> memref<1x!tpu.dma_semaphore, #tpu.memory_space<semaphore_mem>>
      %dma_start3A_134 = tpu.memref_squeeze %dma_start3A_133 : memref<1x!tpu.dma_semaphore, #tpu.memory_space<semaphore_mem>> -> memref<!tpu.dma_semaphore, #tpu.memory_space<semaphore_mem>>
      tpu.enqueue_indirect_dma source(%dma_start3A_132 : memref<10000x128xf32, #tpu.memory_space<hbm>>) target(%dma_start3A_126 : memref<80x128xf32, #tpu.memory_space<vmem>>) offsets(%dma_start3A_129 : memref<80xi32, #tpu.memory_space<vmem>>) semaphore(%dma_start3A_134 : memref<!tpu.dma_semaphore, #tpu.memory_space<semaphore_mem>>)
      %add3A_135 = arith.constant 240 : i32
      %add3A_136 = arith.addi %add3A_77, %add3A_135 : i32
      %run_scoped3A_137 = arith.constant 3 : i32
      "tpu.region"() ({
        %run_scoped3A_334 = tpu.sem_alloc : memref<!tpu.dma_semaphore, #tpu.memory_space<semaphore_mem>>
        %dma_start3A_335 = arith.constant 0 : i32
        %dma_start3A_336 = tpu.memref_slice %arg7[%run_scoped3A_137, %dma_start3A_335] : memref<4x80xi32, #tpu.memory_space<vmem>> -> memref<1x80xi32, #tpu.memory_space<vmem>>
        %dma_start3A_337 = tpu.memref_squeeze %dma_start3A_336 : memref<1x80xi32, #tpu.memory_space<vmem>> -> memref<80xi32, #tpu.memory_space<vmem>>
        %dma_start3A_338 = tpu.memref_slice %arg2[%add3A_136] : memref<320000xi32, #tpu.memory_space<hbm>> -> memref<80xi32, #tpu.memory_space<hbm>>
        %dma_start3A_339 = arith.constant 0 : i32
        %dma_start3A_340 = tpu.memref_slice %arg7[%run_scoped3A_137, %dma_start3A_339] : memref<4x80xi32, #tpu.memory_space<vmem>> -> memref<1x80xi32, #tpu.memory_space<vmem>>
        %dma_start3A_341 = tpu.memref_squeeze %dma_start3A_340 : memref<1x80xi32, #tpu.memory_space<vmem>> -> memref<80xi32, #tpu.memory_space<vmem>>
        %dma_start3A_342 = tpu.memref_slice %arg2[%add3A_136] : memref<320000xi32, #tpu.memory_space<hbm>> -> memref<80xi32, #tpu.memory_space<hbm>>
        tpu.enqueue_dma source(%dma_start3A_342 : memref<80xi32, #tpu.memory_space<hbm>>) target(%dma_start3A_341 : memref<80xi32, #tpu.memory_space<vmem>>) target_semaphore(%run_scoped3A_334 : memref<!tpu.dma_semaphore, #tpu.memory_space<semaphore_mem>>)
        %dma_wait3A_343 = arith.constant 0 : i32
        %dma_wait3A_344 = tpu.memref_slice %arg7[%run_scoped3A_137, %dma_wait3A_343] : memref<4x80xi32, #tpu.memory_space<vmem>> -> memref<1x80xi32, #tpu.memory_space<vmem>>
        %dma_wait3A_345 = tpu.memref_squeeze %dma_wait3A_344 : memref<1x80xi32, #tpu.memory_space<vmem>> -> memref<80xi32, #tpu.memory_space<vmem>>
        %dma_wait3A_346 = tpu.memref_slice %arg2[%add3A_136] : memref<320000xi32, #tpu.memory_space<hbm>> -> memref<80xi32, #tpu.memory_space<hbm>>
        %dma_wait3A_347 = arith.constant 0 : i32
        %dma_wait3A_348 = tpu.memref_slice %arg7[%run_scoped3A_137, %dma_wait3A_347] : memref<4x80xi32, #tpu.memory_space<vmem>> -> memref<1x80xi32, #tpu.memory_space<vmem>>
        %dma_wait3A_349 = tpu.memref_squeeze %dma_wait3A_348 : memref<1x80xi32, #tpu.memory_space<vmem>> -> memref<80xi32, #tpu.memory_space<vmem>>
        %dma_wait3A_350 = tpu.memref_slice %arg2[%add3A_136] : memref<320000xi32, #tpu.memory_space<hbm>> -> memref<80xi32, #tpu.memory_space<hbm>>
        tpu.wait_dma2 semaphore(%run_scoped3A_334 : memref<!tpu.dma_semaphore, #tpu.memory_space<semaphore_mem>>) src(%dma_wait3A_350 : memref<80xi32, #tpu.memory_space<hbm>>) dst(%dma_wait3A_349 : memref<80xi32, #tpu.memory_space<vmem>>)
        tpu.yield
      }) : () -> ()
      %run_scoped3A_138 = arith.constant 3 : i32
      "tpu.region"() ({
        %run_scoped3A_334 = tpu.sem_alloc : memref<!tpu.dma_semaphore, #tpu.memory_space<semaphore_mem>>
        %dma_start3A_335 = arith.constant 0 : i32
        %dma_start3A_336 = tpu.memref_slice %arg8[%run_scoped3A_138, %dma_start3A_335] : memref<4x80xi32, #tpu.memory_space<vmem>> -> memref<1x80xi32, #tpu.memory_space<vmem>>
        %dma_start3A_337 = tpu.memref_squeeze %dma_start3A_336 : memref<1x80xi32, #tpu.memory_space<vmem>> -> memref<80xi32, #tpu.memory_space<vmem>>
        %dma_start3A_338 = tpu.memref_slice %arg3[%add3A_136] : memref<320000xi32, #tpu.memory_space<hbm>> -> memref<80xi32, #tpu.memory_space<hbm>>
        %dma_start3A_339 = arith.constant 0 : i32
        %dma_start3A_340 = tpu.memref_slice %arg8[%run_scoped3A_138, %dma_start3A_339] : memref<4x80xi32, #tpu.memory_space<vmem>> -> memref<1x80xi32, #tpu.memory_space<vmem>>
        %dma_start3A_341 = tpu.memref_squeeze %dma_start3A_340 : memref<1x80xi32, #tpu.memory_space<vmem>> -> memref<80xi32, #tpu.memory_space<vmem>>
        %dma_start3A_342 = tpu.memref_slice %arg3[%add3A_136] : memref<320000xi32, #tpu.memory_space<hbm>> -> memref<80xi32, #tpu.memory_space<hbm>>
        tpu.enqueue_dma source(%dma_start3A_342 : memref<80xi32, #tpu.memory_space<hbm>>) target(%dma_start3A_341 : memref<80xi32, #tpu.memory_space<vmem>>) target_semaphore(%run_scoped3A_334 : memref<!tpu.dma_semaphore, #tpu.memory_space<semaphore_mem>>)
        %dma_wait3A_343 = arith.constant 0 : i32
        %dma_wait3A_344 = tpu.memref_slice %arg8[%run_scoped3A_138, %dma_wait3A_343] : memref<4x80xi32, #tpu.memory_space<vmem>> -> memref<1x80xi32, #tpu.memory_space<vmem>>
        %dma_wait3A_345 = tpu.memref_squeeze %dma_wait3A_344 : memref<1x80xi32, #tpu.memory_space<vmem>> -> memref<80xi32, #tpu.memory_space<vmem>>
        %dma_wait3A_346 = tpu.memref_slice %arg3[%add3A_136] : memref<320000xi32, #tpu.memory_space<hbm>> -> memref<80xi32, #tpu.memory_space<hbm>>
        %dma_wait3A_347 = arith.constant 0 : i32
        %dma_wait3A_348 = tpu.memref_slice %arg8[%run_scoped3A_138, %dma_wait3A_347] : memref<4x80xi32, #tpu.memory_space<vmem>> -> memref<1x80xi32, #tpu.memory_space<vmem>>
        %dma_wait3A_349 = tpu.memref_squeeze %dma_wait3A_348 : memref<1x80xi32, #tpu.memory_space<vmem>> -> memref<80xi32, #tpu.memory_space<vmem>>
        %dma_wait3A_350 = tpu.memref_slice %arg3[%add3A_136] : memref<320000xi32, #tpu.memory_space<hbm>> -> memref<80xi32, #tpu.memory_space<hbm>>
        tpu.wait_dma2 semaphore(%run_scoped3A_334 : memref<!tpu.dma_semaphore, #tpu.memory_space<semaphore_mem>>) src(%dma_wait3A_350 : memref<80xi32, #tpu.memory_space<hbm>>) dst(%dma_wait3A_349 : memref<80xi32, #tpu.memory_space<vmem>>)
        tpu.yield
      }) : () -> ()
      %dma_start3A_139 = arith.constant 3 : i32
      %dma_start3A_140 = arith.constant 3 : i32
      %dma_start3A_141 = arith.constant 3 : i32
      %dma_start3A_142 = arith.constant 0 : i32
      %dma_start3A_143 = arith.constant 0 : i32
      %dma_start3A_144 = tpu.memref_slice %arg9[%dma_start3A_140, %dma_start3A_142, %dma_start3A_143] : memref<4x80x128xf32, #tpu.memory_space<vmem>> -> memref<1x80x128xf32, #tpu.memory_space<vmem>>
      %dma_start3A_145 = tpu.memref_squeeze %dma_start3A_144 : memref<1x80x128xf32, #tpu.memory_space<vmem>> -> memref<80x128xf32, #tpu.memory_space<vmem>>
      %dma_start3A_146 = arith.constant 0 : i32
      %dma_start3A_147 = tpu.memref_slice %arg7[%dma_start3A_139, %dma_start3A_146] : memref<4x80xi32, #tpu.memory_space<vmem>> -> memref<1x80xi32, #tpu.memory_space<vmem>>
      %dma_start3A_148 = tpu.memref_squeeze %dma_start3A_147 : memref<1x80xi32, #tpu.memory_space<vmem>> -> memref<80xi32, #tpu.memory_space<vmem>>
      %dma_start3A_149 = arith.constant 0 : i32
      %dma_start3A_150 = arith.constant 0 : i32
      %dma_start3A_151 = tpu.memref_slice %arg4[%dma_start3A_149, %dma_start3A_150] : memref<10000x128xf32, #tpu.memory_space<hbm>> -> memref<10000x128xf32, #tpu.memory_space<hbm>>
      %dma_start3A_152 = tpu.memref_slice %arg10[%dma_start3A_141] : memref<4x!tpu.dma_semaphore, #tpu.memory_space<semaphore_mem>> -> memref<1x!tpu.dma_semaphore, #tpu.memory_space<semaphore_mem>>
      %dma_start3A_153 = tpu.memref_squeeze %dma_start3A_152 : memref<1x!tpu.dma_semaphore, #tpu.memory_space<semaphore_mem>> -> memref<!tpu.dma_semaphore, #tpu.memory_space<semaphore_mem>>
      tpu.enqueue_indirect_dma source(%dma_start3A_151 : memref<10000x128xf32, #tpu.memory_space<hbm>>) target(%dma_start3A_145 : memref<80x128xf32, #tpu.memory_space<vmem>>) offsets(%dma_start3A_148 : memref<80xi32, #tpu.memory_space<vmem>>) semaphore(%dma_start3A_153 : memref<!tpu.dma_semaphore, #tpu.memory_space<semaphore_mem>>)
      %dma_wait3A_154 = arith.constant 0 : i32
      %dma_wait3A_155 = arith.constant 0 : i32
      %dma_wait3A_156 = arith.constant 0 : i32
      %dma_wait3A_157 = arith.constant 0 : i32
      %dma_wait3A_158 = arith.constant 0 : i32
      %dma_wait3A_159 = tpu.memref_slice %arg9[%dma_wait3A_155, %dma_wait3A_157, %dma_wait3A_158] : memref<4x80x128xf32, #tpu.memory_space<vmem>> -> memref<1x80x128xf32, #tpu.memory_space<vmem>>
      %dma_wait3A_160 = tpu.memref_squeeze %dma_wait3A_159 : memref<1x80x128xf32, #tpu.memory_space<vmem>> -> memref<80x128xf32, #tpu.memory_space<vmem>>
      %dma_wait3A_161 = arith.constant 0 : i32
      %dma_wait3A_162 = tpu.memref_slice %arg7[%dma_wait3A_154, %dma_wait3A_161] : memref<4x80xi32, #tpu.memory_space<vmem>> -> memref<1x80xi32, #tpu.memory_space<vmem>>
      %dma_wait3A_163 = tpu.memref_squeeze %dma_wait3A_162 : memref<1x80xi32, #tpu.memory_space<vmem>> -> memref<80xi32, #tpu.memory_space<vmem>>
      %dma_wait3A_164 = arith.constant 0 : i32
      %dma_wait3A_165 = arith.constant 0 : i32
      %dma_wait3A_166 = tpu.memref_slice %arg4[%dma_wait3A_164, %dma_wait3A_165] : memref<10000x128xf32, #tpu.memory_space<hbm>> -> memref<10000x128xf32, #tpu.memory_space<hbm>>
      %dma_wait3A_167 = tpu.memref_slice %arg10[%dma_wait3A_156] : memref<4x!tpu.dma_semaphore, #tpu.memory_space<semaphore_mem>> -> memref<1x!tpu.dma_semaphore, #tpu.memory_space<semaphore_mem>>
      %dma_wait3A_168 = tpu.memref_squeeze %dma_wait3A_167 : memref<1x!tpu.dma_semaphore, #tpu.memory_space<semaphore_mem>> -> memref<!tpu.dma_semaphore, #tpu.memory_space<semaphore_mem>>
      tpu.wait_indirect_dma semaphore(%dma_wait3A_168 : memref<!tpu.dma_semaphore, #tpu.memory_space<semaphore_mem>>) src(%dma_wait3A_166 : memref<10000x128xf32, #tpu.memory_space<hbm>>) dst(%dma_wait3A_160 : memref<80x128xf32, #tpu.memory_space<vmem>>)
      %dma_start3A_169 = arith.constant 0 : i32
      %dma_start3A_170 = arith.constant 0 : i32
      %dma_start3A_171 = arith.constant 0 : i32
      %dma_start3A_172 = arith.constant 0 : i32
      %dma_start3A_173 = arith.constant 0 : i32
      %dma_start3A_174 = tpu.memref_slice %arg9[%dma_start3A_169, %dma_start3A_172, %dma_start3A_173] : memref<4x80x128xf32, #tpu.memory_space<vmem>> -> memref<1x80x128xf32, #tpu.memory_space<vmem>>
      %dma_start3A_175 = tpu.memref_squeeze %dma_start3A_174 : memref<1x80x128xf32, #tpu.memory_space<vmem>> -> memref<80x128xf32, #tpu.memory_space<vmem>>
      %dma_start3A_176 = arith.constant 0 : i32
      %dma_start3A_177 = tpu.memref_slice %arg8[%dma_start3A_170, %dma_start3A_176] : memref<4x80xi32, #tpu.memory_space<vmem>> -> memref<1x80xi32, #tpu.memory_space<vmem>>
      %dma_start3A_178 = tpu.memref_squeeze %dma_start3A_177 : memref<1x80xi32, #tpu.memory_space<vmem>> -> memref<80xi32, #tpu.memory_space<vmem>>
      %dma_start3A_179 = arith.constant 0 : i32
      %dma_start3A_180 = arith.constant 0 : i32
      %dma_start3A_181 = tpu.memref_slice %arg12[%dma_start3A_179, %dma_start3A_180] : memref<10240x128xf32, #tpu.memory_space<vmem_shared>> -> memref<10240x128xf32, #tpu.memory_space<vmem_shared>>
      %dma_start3A_182 = tpu.memref_slice %arg11[%dma_start3A_171] : memref<4x!tpu.dma_semaphore, #tpu.memory_space<semaphore_mem>> -> memref<1x!tpu.dma_semaphore, #tpu.memory_space<semaphore_mem>>
      %dma_start3A_183 = tpu.memref_squeeze %dma_start3A_182 : memref<1x!tpu.dma_semaphore, #tpu.memory_space<semaphore_mem>> -> memref<!tpu.dma_semaphore, #tpu.memory_space<semaphore_mem>>
      tpu.enqueue_indirect_dma source(%dma_start3A_175 : memref<80x128xf32, #tpu.memory_space<vmem>>) target(%dma_start3A_181 : memref<10240x128xf32, #tpu.memory_space<vmem_shared>>) offsets(%dma_start3A_178 : memref<80xi32, #tpu.memory_space<vmem>>) semaphore(%dma_start3A_183 : memref<!tpu.dma_semaphore, #tpu.memory_space<semaphore_mem>>) {add = true}
      %dma_wait3A_184 = arith.constant 1 : i32
      %dma_wait3A_185 = arith.constant 1 : i32
      %dma_wait3A_186 = arith.constant 1 : i32
      %dma_wait3A_187 = arith.constant 0 : i32
      %dma_wait3A_188 = arith.constant 0 : i32
      %dma_wait3A_189 = tpu.memref_slice %arg9[%dma_wait3A_185, %dma_wait3A_187, %dma_wait3A_188] : memref<4x80x128xf32, #tpu.memory_space<vmem>> -> memref<1x80x128xf32, #tpu.memory_space<vmem>>
      %dma_wait3A_190 = tpu.memref_squeeze %dma_wait3A_189 : memref<1x80x128xf32, #tpu.memory_space<vmem>> -> memref<80x128xf32, #tpu.memory_space<vmem>>
      %dma_wait3A_191 = arith.constant 0 : i32
      %dma_wait3A_192 = tpu.memref_slice %arg7[%dma_wait3A_184, %dma_wait3A_191] : memref<4x80xi32, #tpu.memory_space<vmem>> -> memref<1x80xi32, #tpu.memory_space<vmem>>
      %dma_wait3A_193 = tpu.memref_squeeze %dma_wait3A_192 : memref<1x80xi32, #tpu.memory_space<vmem>> -> memref<80xi32, #tpu.memory_space<vmem>>
      %dma_wait3A_194 = arith.constant 0 : i32
      %dma_wait3A_195 = arith.constant 0 : i32
      %dma_wait3A_196 = tpu.memref_slice %arg4[%dma_wait3A_194, %dma_wait3A_195] : memref<10000x128xf32, #tpu.memory_space<hbm>> -> memref<10000x128xf32, #tpu.memory_space<hbm>>
      %dma_wait3A_197 = tpu.memref_slice %arg10[%dma_wait3A_186] : memref<4x!tpu.dma_semaphore, #tpu.memory_space<semaphore_mem>> -> memref<1x!tpu.dma_semaphore, #tpu.memory_space<semaphore_mem>>
      %dma_wait3A_198 = tpu.memref_squeeze %dma_wait3A_197 : memref<1x!tpu.dma_semaphore, #tpu.memory_space<semaphore_mem>> -> memref<!tpu.dma_semaphore, #tpu.memory_space<semaphore_mem>>
      tpu.wait_indirect_dma semaphore(%dma_wait3A_198 : memref<!tpu.dma_semaphore, #tpu.memory_space<semaphore_mem>>) src(%dma_wait3A_196 : memref<10000x128xf32, #tpu.memory_space<hbm>>) dst(%dma_wait3A_190 : memref<80x128xf32, #tpu.memory_space<vmem>>)
      %dma_start3A_199 = arith.constant 1 : i32
      %dma_start3A_200 = arith.constant 1 : i32
      %dma_start3A_201 = arith.constant 1 : i32
      %dma_start3A_202 = arith.constant 0 : i32
      %dma_start3A_203 = arith.constant 0 : i32
      %dma_start3A_204 = tpu.memref_slice %arg9[%dma_start3A_199, %dma_start3A_202, %dma_start3A_203] : memref<4x80x128xf32, #tpu.memory_space<vmem>> -> memref<1x80x128xf32, #tpu.memory_space<vmem>>
      %dma_start3A_205 = tpu.memref_squeeze %dma_start3A_204 : memref<1x80x128xf32, #tpu.memory_space<vmem>> -> memref<80x128xf32, #tpu.memory_space<vmem>>
      %dma_start3A_206 = arith.constant 0 : i32
      %dma_start3A_207 = tpu.memref_slice %arg8[%dma_start3A_200, %dma_start3A_206] : memref<4x80xi32, #tpu.memory_space<vmem>> -> memref<1x80xi32, #tpu.memory_space<vmem>>
      %dma_start3A_208 = tpu.memref_squeeze %dma_start3A_207 : memref<1x80xi32, #tpu.memory_space<vmem>> -> memref<80xi32, #tpu.memory_space<vmem>>
      %dma_start3A_209 = arith.constant 0 : i32
      %dma_start3A_210 = arith.constant 0 : i32
      %dma_start3A_211 = tpu.memref_slice %arg12[%dma_start3A_209, %dma_start3A_210] : memref<10240x128xf32, #tpu.memory_space<vmem_shared>> -> memref<10240x128xf32, #tpu.memory_space<vmem_shared>>
      %dma_start3A_212 = tpu.memref_slice %arg11[%dma_start3A_201] : memref<4x!tpu.dma_semaphore, #tpu.memory_space<semaphore_mem>> -> memref<1x!tpu.dma_semaphore, #tpu.memory_space<semaphore_mem>>
      %dma_start3A_213 = tpu.memref_squeeze %dma_start3A_212 : memref<1x!tpu.dma_semaphore, #tpu.memory_space<semaphore_mem>> -> memref<!tpu.dma_semaphore, #tpu.memory_space<semaphore_mem>>
      tpu.enqueue_indirect_dma source(%dma_start3A_205 : memref<80x128xf32, #tpu.memory_space<vmem>>) target(%dma_start3A_211 : memref<10240x128xf32, #tpu.memory_space<vmem_shared>>) offsets(%dma_start3A_208 : memref<80xi32, #tpu.memory_space<vmem>>) semaphore(%dma_start3A_213 : memref<!tpu.dma_semaphore, #tpu.memory_space<semaphore_mem>>) {add = true}
      %dma_wait3A_214 = arith.constant 2 : i32
      %dma_wait3A_215 = arith.constant 2 : i32
      %dma_wait3A_216 = arith.constant 2 : i32
      %dma_wait3A_217 = arith.constant 0 : i32
      %dma_wait3A_218 = arith.constant 0 : i32
      %dma_wait3A_219 = tpu.memref_slice %arg9[%dma_wait3A_215, %dma_wait3A_217, %dma_wait3A_218] : memref<4x80x128xf32, #tpu.memory_space<vmem>> -> memref<1x80x128xf32, #tpu.memory_space<vmem>>
      %dma_wait3A_220 = tpu.memref_squeeze %dma_wait3A_219 : memref<1x80x128xf32, #tpu.memory_space<vmem>> -> memref<80x128xf32, #tpu.memory_space<vmem>>
      %dma_wait3A_221 = arith.constant 0 : i32
      %dma_wait3A_222 = tpu.memref_slice %arg7[%dma_wait3A_214, %dma_wait3A_221] : memref<4x80xi32, #tpu.memory_space<vmem>> -> memref<1x80xi32, #tpu.memory_space<vmem>>
      %dma_wait3A_223 = tpu.memref_squeeze %dma_wait3A_222 : memref<1x80xi32, #tpu.memory_space<vmem>> -> memref<80xi32, #tpu.memory_space<vmem>>
      %dma_wait3A_224 = arith.constant 0 : i32
      %dma_wait3A_225 = arith.constant 0 : i32
      %dma_wait3A_226 = tpu.memref_slice %arg4[%dma_wait3A_224, %dma_wait3A_225] : memref<10000x128xf32, #tpu.memory_space<hbm>> -> memref<10000x128xf32, #tpu.memory_space<hbm>>
      %dma_wait3A_227 = tpu.memref_slice %arg10[%dma_wait3A_216] : memref<4x!tpu.dma_semaphore, #tpu.memory_space<semaphore_mem>> -> memref<1x!tpu.dma_semaphore, #tpu.memory_space<semaphore_mem>>
      %dma_wait3A_228 = tpu.memref_squeeze %dma_wait3A_227 : memref<1x!tpu.dma_semaphore, #tpu.memory_space<semaphore_mem>> -> memref<!tpu.dma_semaphore, #tpu.memory_space<semaphore_mem>>
      tpu.wait_indirect_dma semaphore(%dma_wait3A_228 : memref<!tpu.dma_semaphore, #tpu.memory_space<semaphore_mem>>) src(%dma_wait3A_226 : memref<10000x128xf32, #tpu.memory_space<hbm>>) dst(%dma_wait3A_220 : memref<80x128xf32, #tpu.memory_space<vmem>>)
      %dma_start3A_229 = arith.constant 2 : i32
      %dma_start3A_230 = arith.constant 2 : i32
      %dma_start3A_231 = arith.constant 2 : i32
      %dma_start3A_232 = arith.constant 0 : i32
      %dma_start3A_233 = arith.constant 0 : i32
      %dma_start3A_234 = tpu.memref_slice %arg9[%dma_start3A_229, %dma_start3A_232, %dma_start3A_233] : memref<4x80x128xf32, #tpu.memory_space<vmem>> -> memref<1x80x128xf32, #tpu.memory_space<vmem>>
      %dma_start3A_235 = tpu.memref_squeeze %dma_start3A_234 : memref<1x80x128xf32, #tpu.memory_space<vmem>> -> memref<80x128xf32, #tpu.memory_space<vmem>>
      %dma_start3A_236 = arith.constant 0 : i32
      %dma_start3A_237 = tpu.memref_slice %arg8[%dma_start3A_230, %dma_start3A_236] : memref<4x80xi32, #tpu.memory_space<vmem>> -> memref<1x80xi32, #tpu.memory_space<vmem>>
      %dma_start3A_238 = tpu.memref_squeeze %dma_start3A_237 : memref<1x80xi32, #tpu.memory_space<vmem>> -> memref<80xi32, #tpu.memory_space<vmem>>
      %dma_start3A_239 = arith.constant 0 : i32
      %dma_start3A_240 = arith.constant 0 : i32
      %dma_start3A_241 = tpu.memref_slice %arg12[%dma_start3A_239, %dma_start3A_240] : memref<10240x128xf32, #tpu.memory_space<vmem_shared>> -> memref<10240x128xf32, #tpu.memory_space<vmem_shared>>
      %dma_start3A_242 = tpu.memref_slice %arg11[%dma_start3A_231] : memref<4x!tpu.dma_semaphore, #tpu.memory_space<semaphore_mem>> -> memref<1x!tpu.dma_semaphore, #tpu.memory_space<semaphore_mem>>
      %dma_start3A_243 = tpu.memref_squeeze %dma_start3A_242 : memref<1x!tpu.dma_semaphore, #tpu.memory_space<semaphore_mem>> -> memref<!tpu.dma_semaphore, #tpu.memory_space<semaphore_mem>>
      tpu.enqueue_indirect_dma source(%dma_start3A_235 : memref<80x128xf32, #tpu.memory_space<vmem>>) target(%dma_start3A_241 : memref<10240x128xf32, #tpu.memory_space<vmem_shared>>) offsets(%dma_start3A_238 : memref<80xi32, #tpu.memory_space<vmem>>) semaphore(%dma_start3A_243 : memref<!tpu.dma_semaphore, #tpu.memory_space<semaphore_mem>>) {add = true}
      %dma_wait3A_244 = arith.constant 3 : i32
      %dma_wait3A_245 = arith.constant 3 : i32
      %dma_wait3A_246 = arith.constant 3 : i32
      %dma_wait3A_247 = arith.constant 0 : i32
      %dma_wait3A_248 = arith.constant 0 : i32
      %dma_wait3A_249 = tpu.memref_slice %arg9[%dma_wait3A_245, %dma_wait3A_247, %dma_wait3A_248] : memref<4x80x128xf32, #tpu.memory_space<vmem>> -> memref<1x80x128xf32, #tpu.memory_space<vmem>>
      %dma_wait3A_250 = tpu.memref_squeeze %dma_wait3A_249 : memref<1x80x128xf32, #tpu.memory_space<vmem>> -> memref<80x128xf32, #tpu.memory_space<vmem>>
      %dma_wait3A_251 = arith.constant 0 : i32
      %dma_wait3A_252 = tpu.memref_slice %arg7[%dma_wait3A_244, %dma_wait3A_251] : memref<4x80xi32, #tpu.memory_space<vmem>> -> memref<1x80xi32, #tpu.memory_space<vmem>>
      %dma_wait3A_253 = tpu.memref_squeeze %dma_wait3A_252 : memref<1x80xi32, #tpu.memory_space<vmem>> -> memref<80xi32, #tpu.memory_space<vmem>>
      %dma_wait3A_254 = arith.constant 0 : i32
      %dma_wait3A_255 = arith.constant 0 : i32
      %dma_wait3A_256 = tpu.memref_slice %arg4[%dma_wait3A_254, %dma_wait3A_255] : memref<10000x128xf32, #tpu.memory_space<hbm>> -> memref<10000x128xf32, #tpu.memory_space<hbm>>
      %dma_wait3A_257 = tpu.memref_slice %arg10[%dma_wait3A_246] : memref<4x!tpu.dma_semaphore, #tpu.memory_space<semaphore_mem>> -> memref<1x!tpu.dma_semaphore, #tpu.memory_space<semaphore_mem>>
      %dma_wait3A_258 = tpu.memref_squeeze %dma_wait3A_257 : memref<1x!tpu.dma_semaphore, #tpu.memory_space<semaphore_mem>> -> memref<!tpu.dma_semaphore, #tpu.memory_space<semaphore_mem>>
      tpu.wait_indirect_dma semaphore(%dma_wait3A_258 : memref<!tpu.dma_semaphore, #tpu.memory_space<semaphore_mem>>) src(%dma_wait3A_256 : memref<10000x128xf32, #tpu.memory_space<hbm>>) dst(%dma_wait3A_250 : memref<80x128xf32, #tpu.memory_space<vmem>>)
      %dma_start3A_259 = arith.constant 3 : i32
      %dma_start3A_260 = arith.constant 3 : i32
      %dma_start3A_261 = arith.constant 3 : i32
      %dma_start3A_262 = arith.constant 0 : i32
      %dma_start3A_263 = arith.constant 0 : i32
      %dma_start3A_264 = tpu.memref_slice %arg9[%dma_start3A_259, %dma_start3A_262, %dma_start3A_263] : memref<4x80x128xf32, #tpu.memory_space<vmem>> -> memref<1x80x128xf32, #tpu.memory_space<vmem>>
      %dma_start3A_265 = tpu.memref_squeeze %dma_start3A_264 : memref<1x80x128xf32, #tpu.memory_space<vmem>> -> memref<80x128xf32, #tpu.memory_space<vmem>>
      %dma_start3A_266 = arith.constant 0 : i32
      %dma_start3A_267 = tpu.memref_slice %arg8[%dma_start3A_260, %dma_start3A_266] : memref<4x80xi32, #tpu.memory_space<vmem>> -> memref<1x80xi32, #tpu.memory_space<vmem>>
      %dma_start3A_268 = tpu.memref_squeeze %dma_start3A_267 : memref<1x80xi32, #tpu.memory_space<vmem>> -> memref<80xi32, #tpu.memory_space<vmem>>
      %dma_start3A_269 = arith.constant 0 : i32
      %dma_start3A_270 = arith.constant 0 : i32
      %dma_start3A_271 = tpu.memref_slice %arg12[%dma_start3A_269, %dma_start3A_270] : memref<10240x128xf32, #tpu.memory_space<vmem_shared>> -> memref<10240x128xf32, #tpu.memory_space<vmem_shared>>
      %dma_start3A_272 = tpu.memref_slice %arg11[%dma_start3A_261] : memref<4x!tpu.dma_semaphore, #tpu.memory_space<semaphore_mem>> -> memref<1x!tpu.dma_semaphore, #tpu.memory_space<semaphore_mem>>
      %dma_start3A_273 = tpu.memref_squeeze %dma_start3A_272 : memref<1x!tpu.dma_semaphore, #tpu.memory_space<semaphore_mem>> -> memref<!tpu.dma_semaphore, #tpu.memory_space<semaphore_mem>>
      tpu.enqueue_indirect_dma source(%dma_start3A_265 : memref<80x128xf32, #tpu.memory_space<vmem>>) target(%dma_start3A_271 : memref<10240x128xf32, #tpu.memory_space<vmem_shared>>) offsets(%dma_start3A_268 : memref<80xi32, #tpu.memory_space<vmem>>) semaphore(%dma_start3A_273 : memref<!tpu.dma_semaphore, #tpu.memory_space<semaphore_mem>>) {add = true}
      %dma_wait3A_274 = arith.constant 0 : i32
      %dma_wait3A_275 = arith.constant 0 : i32
      %dma_wait3A_276 = arith.constant 0 : i32
      %dma_wait3A_277 = arith.constant 0 : i32
      %dma_wait3A_278 = arith.constant 0 : i32
      %dma_wait3A_279 = tpu.memref_slice %arg9[%dma_wait3A_274, %dma_wait3A_277, %dma_wait3A_278] : memref<4x80x128xf32, #tpu.memory_space<vmem>> -> memref<1x80x128xf32, #tpu.memory_space<vmem>>
      %dma_wait3A_280 = tpu.memref_squeeze %dma_wait3A_279 : memref<1x80x128xf32, #tpu.memory_space<vmem>> -> memref<80x128xf32, #tpu.memory_space<vmem>>
      %dma_wait3A_281 = arith.constant 0 : i32
      %dma_wait3A_282 = tpu.memref_slice %arg8[%dma_wait3A_275, %dma_wait3A_281] : memref<4x80xi32, #tpu.memory_space<vmem>> -> memref<1x80xi32, #tpu.memory_space<vmem>>
      %dma_wait3A_283 = tpu.memref_squeeze %dma_wait3A_282 : memref<1x80xi32, #tpu.memory_space<vmem>> -> memref<80xi32, #tpu.memory_space<vmem>>
      %dma_wait3A_284 = arith.constant 0 : i32
      %dma_wait3A_285 = arith.constant 0 : i32
      %dma_wait3A_286 = tpu.memref_slice %arg12[%dma_wait3A_284, %dma_wait3A_285] : memref<10240x128xf32, #tpu.memory_space<vmem_shared>> -> memref<10240x128xf32, #tpu.memory_space<vmem_shared>>
      %dma_wait3A_287 = tpu.memref_slice %arg11[%dma_wait3A_276] : memref<4x!tpu.dma_semaphore, #tpu.memory_space<semaphore_mem>> -> memref<1x!tpu.dma_semaphore, #tpu.memory_space<semaphore_mem>>
      %dma_wait3A_288 = tpu.memref_squeeze %dma_wait3A_287 : memref<1x!tpu.dma_semaphore, #tpu.memory_space<semaphore_mem>> -> memref<!tpu.dma_semaphore, #tpu.memory_space<semaphore_mem>>
      tpu.wait_indirect_dma semaphore(%dma_wait3A_288 : memref<!tpu.dma_semaphore, #tpu.memory_space<semaphore_mem>>) src(%dma_wait3A_280 : memref<80x128xf32, #tpu.memory_space<vmem>>) dst(%dma_wait3A_286 : memref<10240x128xf32, #tpu.memory_space<vmem_shared>>)
      %dma_wait3A_289 = arith.constant 1 : i32
      %dma_wait3A_290 = arith.constant 1 : i32
      %dma_wait3A_291 = arith.constant 1 : i32
      %dma_wait3A_292 = arith.constant 0 : i32
      %dma_wait3A_293 = arith.constant 0 : i32
      %dma_wait3A_294 = tpu.memref_slice %arg9[%dma_wait3A_289, %dma_wait3A_292, %dma_wait3A_293] : memref<4x80x128xf32, #tpu.memory_space<vmem>> -> memref<1x80x128xf32, #tpu.memory_space<vmem>>
      %dma_wait3A_295 = tpu.memref_squeeze %dma_wait3A_294 : memref<1x80x128xf32, #tpu.memory_space<vmem>> -> memref<80x128xf32, #tpu.memory_space<vmem>>
      %dma_wait3A_296 = arith.constant 0 : i32
      %dma_wait3A_297 = tpu.memref_slice %arg8[%dma_wait3A_290, %dma_wait3A_296] : memref<4x80xi32, #tpu.memory_space<vmem>> -> memref<1x80xi32, #tpu.memory_space<vmem>>
      %dma_wait3A_298 = tpu.memref_squeeze %dma_wait3A_297 : memref<1x80xi32, #tpu.memory_space<vmem>> -> memref<80xi32, #tpu.memory_space<vmem>>
      %dma_wait3A_299 = arith.constant 0 : i32
      %dma_wait3A_300 = arith.constant 0 : i32
      %dma_wait3A_301 = tpu.memref_slice %arg12[%dma_wait3A_299, %dma_wait3A_300] : memref<10240x128xf32, #tpu.memory_space<vmem_shared>> -> memref<10240x128xf32, #tpu.memory_space<vmem_shared>>
      %dma_wait3A_302 = tpu.memref_slice %arg11[%dma_wait3A_291] : memref<4x!tpu.dma_semaphore, #tpu.memory_space<semaphore_mem>> -> memref<1x!tpu.dma_semaphore, #tpu.memory_space<semaphore_mem>>
      %dma_wait3A_303 = tpu.memref_squeeze %dma_wait3A_302 : memref<1x!tpu.dma_semaphore, #tpu.memory_space<semaphore_mem>> -> memref<!tpu.dma_semaphore, #tpu.memory_space<semaphore_mem>>
      tpu.wait_indirect_dma semaphore(%dma_wait3A_303 : memref<!tpu.dma_semaphore, #tpu.memory_space<semaphore_mem>>) src(%dma_wait3A_295 : memref<80x128xf32, #tpu.memory_space<vmem>>) dst(%dma_wait3A_301 : memref<10240x128xf32, #tpu.memory_space<vmem_shared>>)
      %dma_wait3A_304 = arith.constant 2 : i32
      %dma_wait3A_305 = arith.constant 2 : i32
      %dma_wait3A_306 = arith.constant 2 : i32
      %dma_wait3A_307 = arith.constant 0 : i32
      %dma_wait3A_308 = arith.constant 0 : i32
      %dma_wait3A_309 = tpu.memref_slice %arg9[%dma_wait3A_304, %dma_wait3A_307, %dma_wait3A_308] : memref<4x80x128xf32, #tpu.memory_space<vmem>> -> memref<1x80x128xf32, #tpu.memory_space<vmem>>
      %dma_wait3A_310 = tpu.memref_squeeze %dma_wait3A_309 : memref<1x80x128xf32, #tpu.memory_space<vmem>> -> memref<80x128xf32, #tpu.memory_space<vmem>>
      %dma_wait3A_311 = arith.constant 0 : i32
      %dma_wait3A_312 = tpu.memref_slice %arg8[%dma_wait3A_305, %dma_wait3A_311] : memref<4x80xi32, #tpu.memory_space<vmem>> -> memref<1x80xi32, #tpu.memory_space<vmem>>
      %dma_wait3A_313 = tpu.memref_squeeze %dma_wait3A_312 : memref<1x80xi32, #tpu.memory_space<vmem>> -> memref<80xi32, #tpu.memory_space<vmem>>
      %dma_wait3A_314 = arith.constant 0 : i32
      %dma_wait3A_315 = arith.constant 0 : i32
      %dma_wait3A_316 = tpu.memref_slice %arg12[%dma_wait3A_314, %dma_wait3A_315] : memref<10240x128xf32, #tpu.memory_space<vmem_shared>> -> memref<10240x128xf32, #tpu.memory_space<vmem_shared>>
      %dma_wait3A_317 = tpu.memref_slice %arg11[%dma_wait3A_306] : memref<4x!tpu.dma_semaphore, #tpu.memory_space<semaphore_mem>> -> memref<1x!tpu.dma_semaphore, #tpu.memory_space<semaphore_mem>>
      %dma_wait3A_318 = tpu.memref_squeeze %dma_wait3A_317 : memref<1x!tpu.dma_semaphore, #tpu.memory_space<semaphore_mem>> -> memref<!tpu.dma_semaphore, #tpu.memory_space<semaphore_mem>>
      tpu.wait_indirect_dma semaphore(%dma_wait3A_318 : memref<!tpu.dma_semaphore, #tpu.memory_space<semaphore_mem>>) src(%dma_wait3A_310 : memref<80x128xf32, #tpu.memory_space<vmem>>) dst(%dma_wait3A_316 : memref<10240x128xf32, #tpu.memory_space<vmem_shared>>)
      %dma_wait3A_319 = arith.constant 3 : i32
      %dma_wait3A_320 = arith.constant 3 : i32
      %dma_wait3A_321 = arith.constant 3 : i32
      %dma_wait3A_322 = arith.constant 0 : i32
      %dma_wait3A_323 = arith.constant 0 : i32
      %dma_wait3A_324 = tpu.memref_slice %arg9[%dma_wait3A_319, %dma_wait3A_322, %dma_wait3A_323] : memref<4x80x128xf32, #tpu.memory_space<vmem>> -> memref<1x80x128xf32, #tpu.memory_space<vmem>>
      %dma_wait3A_325 = tpu.memref_squeeze %dma_wait3A_324 : memref<1x80x128xf32, #tpu.memory_space<vmem>> -> memref<80x128xf32, #tpu.memory_space<vmem>>
      %dma_wait3A_326 = arith.constant 0 : i32
      %dma_wait3A_327 = tpu.memref_slice %arg8[%dma_wait3A_320, %dma_wait3A_326] : memref<4x80xi32, #tpu.memory_space<vmem>> -> memref<1x80xi32, #tpu.memory_space<vmem>>
      %dma_wait3A_328 = tpu.memref_squeeze %dma_wait3A_327 : memref<1x80xi32, #tpu.memory_space<vmem>> -> memref<80xi32, #tpu.memory_space<vmem>>
      %dma_wait3A_329 = arith.constant 0 : i32
      %dma_wait3A_330 = arith.constant 0 : i32
      %dma_wait3A_331 = tpu.memref_slice %arg12[%dma_wait3A_329, %dma_wait3A_330] : memref<10240x128xf32, #tpu.memory_space<vmem_shared>> -> memref<10240x128xf32, #tpu.memory_space<vmem_shared>>
      %dma_wait3A_332 = tpu.memref_slice %arg11[%dma_wait3A_321] : memref<4x!tpu.dma_semaphore, #tpu.memory_space<semaphore_mem>> -> memref<1x!tpu.dma_semaphore, #tpu.memory_space<semaphore_mem>>
      %dma_wait3A_333 = tpu.memref_squeeze %dma_wait3A_332 : memref<1x!tpu.dma_semaphore, #tpu.memory_space<semaphore_mem>> -> memref<!tpu.dma_semaphore, #tpu.memory_space<semaphore_mem>>
      tpu.wait_indirect_dma semaphore(%dma_wait3A_333 : memref<!tpu.dma_semaphore, #tpu.memory_space<semaphore_mem>>) src(%dma_wait3A_325 : memref<80x128xf32, #tpu.memory_space<vmem>>) dst(%dma_wait3A_331 : memref<10240x128xf32, #tpu.memory_space<vmem_shared>>)
    }
    %scan3A_68 = arith.constant 31 : i32
    %barrier3A_69 = arith.constant 0 : index
    tpu.barrier barrier_id(%barrier3A_69)
    "tpu.region"() ({
      %run_scoped3A_70 = tpu.sem_alloc : memref<!tpu.dma_semaphore, #tpu.memory_space<semaphore_mem>>
      %dma_start3A_71 = arith.constant 0 : i32
      %dma_start3A_72 = tpu.memref_slice %arg6[%arg0, %mul3A_2, %dma_start3A_71] : memref<2x10240x128xf32, #tpu.memory_space<hbm>> -> memref<1x640x128xf32, #tpu.memory_space<hbm>>
      %dma_start3A_73 = tpu.memref_squeeze %dma_start3A_72 : memref<1x640x128xf32, #tpu.memory_space<hbm>> -> memref<640x128xf32, #tpu.memory_space<hbm>>
      %dma_start3A_74 = arith.constant 0 : i32
      %dma_start3A_75 = tpu.memref_slice %arg12[%mul3A_2, %dma_start3A_74] : memref<10240x128xf32, #tpu.memory_space<vmem_shared>> -> memref<640x128xf32, #tpu.memory_space<vmem_shared>>
      tpu.enqueue_dma source(%dma_start3A_75 : memref<640x128xf32, #tpu.memory_space<vmem_shared>>) target(%dma_start3A_73 : memref<640x128xf32, #tpu.memory_space<hbm>>) target_semaphore(%run_scoped3A_70 : memref<!tpu.dma_semaphore, #tpu.memory_space<semaphore_mem>>)
      %dma_wait3A_76 = arith.constant 0 : i32
      %dma_wait3A_77 = tpu.memref_slice %arg6[%arg0, %mul3A_2, %dma_wait3A_76] : memref<2x10240x128xf32, #tpu.memory_space<hbm>> -> memref<1x640x128xf32, #tpu.memory_space<hbm>>
      %dma_wait3A_78 = tpu.memref_squeeze %dma_wait3A_77 : memref<1x640x128xf32, #tpu.memory_space<hbm>> -> memref<640x128xf32, #tpu.memory_space<hbm>>
      %dma_wait3A_79 = arith.constant 0 : i32
      %dma_wait3A_80 = tpu.memref_slice %arg12[%mul3A_2, %dma_wait3A_79] : memref<10240x128xf32, #tpu.memory_space<vmem_shared>> -> memref<640x128xf32, #tpu.memory_space<vmem_shared>>
      tpu.wait_dma2 semaphore(%run_scoped3A_70 : memref<!tpu.dma_semaphore, #tpu.memory_space<semaphore_mem>>) src(%dma_wait3A_80 : memref<640x128xf32, #tpu.memory_space<vmem_shared>>) dst(%dma_wait3A_78 : memref<640x128xf32, #tpu.memory_space<hbm>>)
      tpu.yield
    }) : () -> ()
    return
  }
}

#map = affine_map<(d0, d1) -> (0)>
#map1 = affine_map<(d0, d1) -> (0, 0)>
#map2 = affine_map<(d0, d1) -> (0, 0, 0)>
module attributes {stable_mosaic.version = 14 : i64} {
  func.func @_sc_sum_body(%arg0: i32, %arg1: i32, %arg2: memref<320000xi32, #tpu.memory_space<hbm>>, %arg3: memref<320000xi32, #tpu.memory_space<hbm>>, %arg4: memref<10000x128xf32, #tpu.memory_space<hbm>>, %arg5: memref<640x128xf32, #tpu.memory_space<hbm>>, %arg6: memref<2x10240x128xf32, #tpu.memory_space<hbm>>, %arg7: memref<4x80xi32, #tpu.memory_space<vmem>>, %arg8: memref<4x80xi32, #tpu.memory_space<vmem>>, %arg9: memref<4x80x128xf32, #tpu.memory_space<vmem>>, %arg10: memref<4x!tpu.dma_semaphore, #tpu.memory_space<semaphore_mem>>, %arg11: memref<4x!tpu.dma_semaphore, #tpu.memory_space<semaphore_mem>>, %arg12: memref<10240x128xf32, #tpu.memory_space<vmem_shared>>) attributes {dimension_semantics = [#tpu.dimension_semantics<core_parallel>, #tpu.dimension_semantics<subcore_parallel>], iteration_bounds = array<i64: 2, 16>, scalar_prefetch = 0 : i64, scratch_operands = 6 : i64, tpu.core_type = #tpu.core_type<sc_vector_subcore>, window_params = [{transform_indices = #map}, {transform_indices = #map}, {transform_indices = #map1}, {transform_indices = #map1}, {transform_indices = #map2}]} {
    %mul3A = arith.constant 16 : i32
    %mul3A_0 = arith.muli %arg0, %mul3A : i32
    %add3A = arith.addi %mul3A_0, %arg1 : i32
    %mul3A_1 = arith.constant 640 : i32
    %mul3A_2 = arith.muli %arg1, %mul3A_1 : i32
    "tpu.region"() ({
      %run_scoped3A_70 = tpu.sem_alloc : memref<!tpu.dma_semaphore, #tpu.memory_space<semaphore_mem>>
      %dma_start3A_71 = arith.constant 0 : i32
      %dma_start3A_72 = tpu.memref_slice %arg12[%mul3A_2, %dma_start3A_71] : memref<10240x128xf32, #tpu.memory_space<vmem_shared>> -> memref<640x128xf32, #tpu.memory_space<vmem_shared>>
      tpu.enqueue_dma source(%arg5 : memref<640x128xf32, #tpu.memory_space<hbm>>) target(%dma_start3A_72 : memref<640x128xf32, #tpu.memory_space<vmem_shared>>) target_semaphore(%run_scoped3A_70 : memref<!tpu.dma_semaphore, #tpu.memory_space<semaphore_mem>>)
      %dma_wait3A_73 = arith.constant 0 : i32
      %dma_wait3A_74 = tpu.memref_slice %arg12[%mul3A_2, %dma_wait3A_73] : memref<10240x128xf32, #tpu.memory_space<vmem_shared>> -> memref<640x128xf32, #tpu.memory_space<vmem_shared>>
      tpu.wait_dma2 semaphore(%run_scoped3A_70 : memref<!tpu.dma_semaphore, #tpu.memory_space<semaphore_mem>>) src(%arg5 : memref<640x128xf32, #tpu.memory_space<hbm>>) dst(%dma_wait3A_74 : memref<640x128xf32, #tpu.memory_space<vmem_shared>>)
      tpu.yield
    }) : () -> ()
    %barrier3A = arith.constant 0 : index
    tpu.barrier barrier_id(%barrier3A)
    %mul3A_3 = arith.constant 10000 : i32
    %mul3A_4 = arith.muli %add3A, %mul3A_3 : i32
    %run_scoped3A = arith.constant 0 : i32
    "tpu.region"() ({
      %run_scoped3A_70 = tpu.sem_alloc : memref<!tpu.dma_semaphore, #tpu.memory_space<semaphore_mem>>
      %dma_start3A_71 = arith.constant 0 : i32
      %dma_start3A_72 = tpu.memref_slice %arg7[%run_scoped3A, %dma_start3A_71] : memref<4x80xi32, #tpu.memory_space<vmem>> -> memref<1x80xi32, #tpu.memory_space<vmem>>
      %dma_start3A_73 = tpu.memref_squeeze %dma_start3A_72 : memref<1x80xi32, #tpu.memory_space<vmem>> -> memref<80xi32, #tpu.memory_space<vmem>>
      %dma_start3A_74 = tpu.memref_slice %arg2[%mul3A_4] : memref<320000xi32, #tpu.memory_space<hbm>> -> memref<80xi32, #tpu.memory_space<hbm>>
      %dma_start3A_75 = arith.constant 0 : i32
      %dma_start3A_76 = tpu.memref_slice %arg7[%run_scoped3A, %dma_start3A_75] : memref<4x80xi32, #tpu.memory_space<vmem>> -> memref<1x80xi32, #tpu.memory_space<vmem>>
      %dma_start3A_77 = tpu.memref_squeeze %dma_start3A_76 : memref<1x80xi32, #tpu.memory_space<vmem>> -> memref<80xi32, #tpu.memory_space<vmem>>
      %dma_start3A_78 = tpu.memref_slice %arg2[%mul3A_4] : memref<320000xi32, #tpu.memory_space<hbm>> -> memref<80xi32, #tpu.memory_space<hbm>>
      tpu.enqueue_dma source(%dma_start3A_78 : memref<80xi32, #tpu.memory_space<hbm>>) target(%dma_start3A_77 : memref<80xi32, #tpu.memory_space<vmem>>) target_semaphore(%run_scoped3A_70 : memref<!tpu.dma_semaphore, #tpu.memory_space<semaphore_mem>>)
      %dma_wait3A_79 = arith.constant 0 : i32
      %dma_wait3A_80 = tpu.memref_slice %arg7[%run_scoped3A, %dma_wait3A_79] : memref<4x80xi32, #tpu.memory_space<vmem>> -> memref<1x80xi32, #tpu.memory_space<vmem>>
      %dma_wait3A_81 = tpu.memref_squeeze %dma_wait3A_80 : memref<1x80xi32, #tpu.memory_space<vmem>> -> memref<80xi32, #tpu.memory_space<vmem>>
      %dma_wait3A_82 = tpu.memref_slice %arg2[%mul3A_4] : memref<320000xi32, #tpu.memory_space<hbm>> -> memref<80xi32, #tpu.memory_space<hbm>>
      %dma_wait3A_83 = arith.constant 0 : i32
      %dma_wait3A_84 = tpu.memref_slice %arg7[%run_scoped3A, %dma_wait3A_83] : memref<4x80xi32, #tpu.memory_space<vmem>> -> memref<1x80xi32, #tpu.memory_space<vmem>>
      %dma_wait3A_85 = tpu.memref_squeeze %dma_wait3A_84 : memref<1x80xi32, #tpu.memory_space<vmem>> -> memref<80xi32, #tpu.memory_space<vmem>>
      %dma_wait3A_86 = tpu.memref_slice %arg2[%mul3A_4] : memref<320000xi32, #tpu.memory_space<hbm>> -> memref<80xi32, #tpu.memory_space<hbm>>
      tpu.wait_dma2 semaphore(%run_scoped3A_70 : memref<!tpu.dma_semaphore, #tpu.memory_space<semaphore_mem>>) src(%dma_wait3A_86 : memref<80xi32, #tpu.memory_space<hbm>>) dst(%dma_wait3A_85 : memref<80xi32, #tpu.memory_space<vmem>>)
      tpu.yield
    }) : () -> ()
    %run_scoped3A_5 = arith.constant 0 : i32
    "tpu.region"() ({
      %run_scoped3A_70 = tpu.sem_alloc : memref<!tpu.dma_semaphore, #tpu.memory_space<semaphore_mem>>
      %dma_start3A_71 = arith.constant 0 : i32
      %dma_start3A_72 = tpu.memref_slice %arg8[%run_scoped3A_5, %dma_start3A_71] : memref<4x80xi32, #tpu.memory_space<vmem>> -> memref<1x80xi32, #tpu.memory_space<vmem>>
      %dma_start3A_73 = tpu.memref_squeeze %dma_start3A_72 : memref<1x80xi32, #tpu.memory_space<vmem>> -> memref<80xi32, #tpu.memory_space<vmem>>
      %dma_start3A_74 = tpu.memref_slice %arg3[%mul3A_4] : memref<320000xi32, #tpu.memory_space<hbm>> -> memref<80xi32, #tpu.memory_space<hbm>>
      %dma_start3A_75 = arith.constant 0 : i32
      %dma_start3A_76 = tpu.memref_slice %arg8[%run_scoped3A_5, %dma_start3A_75] : memref<4x80xi32, #tpu.memory_space<vmem>> -> memref<1x80xi32, #tpu.memory_space<vmem>>
      %dma_start3A_77 = tpu.memref_squeeze %dma_start3A_76 : memref<1x80xi32, #tpu.memory_space<vmem>> -> memref<80xi32, #tpu.memory_space<vmem>>
      %dma_start3A_78 = tpu.memref_slice %arg3[%mul3A_4] : memref<320000xi32, #tpu.memory_space<hbm>> -> memref<80xi32, #tpu.memory_space<hbm>>
      tpu.enqueue_dma source(%dma_start3A_78 : memref<80xi32, #tpu.memory_space<hbm>>) target(%dma_start3A_77 : memref<80xi32, #tpu.memory_space<vmem>>) target_semaphore(%run_scoped3A_70 : memref<!tpu.dma_semaphore, #tpu.memory_space<semaphore_mem>>)
      %dma_wait3A_79 = arith.constant 0 : i32
      %dma_wait3A_80 = tpu.memref_slice %arg8[%run_scoped3A_5, %dma_wait3A_79] : memref<4x80xi32, #tpu.memory_space<vmem>> -> memref<1x80xi32, #tpu.memory_space<vmem>>
      %dma_wait3A_81 = tpu.memref_squeeze %dma_wait3A_80 : memref<1x80xi32, #tpu.memory_space<vmem>> -> memref<80xi32, #tpu.memory_space<vmem>>
      %dma_wait3A_82 = tpu.memref_slice %arg3[%mul3A_4] : memref<320000xi32, #tpu.memory_space<hbm>> -> memref<80xi32, #tpu.memory_space<hbm>>
      %dma_wait3A_83 = arith.constant 0 : i32
      %dma_wait3A_84 = tpu.memref_slice %arg8[%run_scoped3A_5, %dma_wait3A_83] : memref<4x80xi32, #tpu.memory_space<vmem>> -> memref<1x80xi32, #tpu.memory_space<vmem>>
      %dma_wait3A_85 = tpu.memref_squeeze %dma_wait3A_84 : memref<1x80xi32, #tpu.memory_space<vmem>> -> memref<80xi32, #tpu.memory_space<vmem>>
      %dma_wait3A_86 = tpu.memref_slice %arg3[%mul3A_4] : memref<320000xi32, #tpu.memory_space<hbm>> -> memref<80xi32, #tpu.memory_space<hbm>>
      tpu.wait_dma2 semaphore(%run_scoped3A_70 : memref<!tpu.dma_semaphore, #tpu.memory_space<semaphore_mem>>) src(%dma_wait3A_86 : memref<80xi32, #tpu.memory_space<hbm>>) dst(%dma_wait3A_85 : memref<80xi32, #tpu.memory_space<vmem>>)
      tpu.yield
    }) : () -> ()
    %dma_start3A = arith.constant 0 : i32
    %dma_start3A_6 = arith.constant 0 : i32
    %dma_start3A_7 = arith.constant 0 : i32
    %dma_start3A_8 = arith.constant 0 : i32
    %dma_start3A_9 = arith.constant 0 : i32
    %dma_start3A_10 = tpu.memref_slice %arg9[%dma_start3A_6, %dma_start3A_8, %dma_start3A_9] : memref<4x80x128xf32, #tpu.memory_space<vmem>> -> memref<1x80x128xf32, #tpu.memory_space<vmem>>
    %dma_start3A_11 = tpu.memref_squeeze %dma_start3A_10 : memref<1x80x128xf32, #tpu.memory_space<vmem>> -> memref<80x128xf32, #tpu.memory_space<vmem>>
    %dma_start3A_12 = arith.constant 0 : i32
    %dma_start3A_13 = tpu.memref_slice %arg7[%dma_start3A, %dma_start3A_12] : memref<4x80xi32, #tpu.memory_space<vmem>> -> memref<1x80xi32, #tpu.memory_space<vmem>>
    %dma_start3A_14 = tpu.memref_squeeze %dma_start3A_13 : memref<1x80xi32, #tpu.memory_space<vmem>> -> memref<80xi32, #tpu.memory_space<vmem>>
    %dma_start3A_15 = arith.constant 0 : i32
    %dma_start3A_16 = arith.constant 0 : i32
    %dma_start3A_17 = tpu.memref_slice %arg4[%dma_start3A_15, %dma_start3A_16] : memref<10000x128xf32, #tpu.memory_space<hbm>> -> memref<10000x128xf32, #tpu.memory_space<hbm>>
    %dma_start3A_18 = tpu.memref_slice %arg10[%dma_start3A_7] : memref<4x!tpu.dma_semaphore, #tpu.memory_space<semaphore_mem>> -> memref<1x!tpu.dma_semaphore, #tpu.memory_space<semaphore_mem>>
    %dma_start3A_19 = tpu.memref_squeeze %dma_start3A_18 : memref<1x!tpu.dma_semaphore, #tpu.memory_space<semaphore_mem>> -> memref<!tpu.dma_semaphore, #tpu.memory_space<semaphore_mem>>
    tpu.enqueue_indirect_dma source(%dma_start3A_17 : memref<10000x128xf32, #tpu.memory_space<hbm>>) target(%dma_start3A_11 : memref<80x128xf32, #tpu.memory_space<vmem>>) offsets(%dma_start3A_14 : memref<80xi32, #tpu.memory_space<vmem>>) semaphore(%dma_start3A_19 : memref<!tpu.dma_semaphore, #tpu.memory_space<semaphore_mem>>)
    %dma_wait3A = arith.constant 0 : i32
    %dma_wait3A_20 = arith.constant 0 : i32
    %dma_wait3A_21 = arith.constant 0 : i32
    %dma_wait3A_22 = arith.constant 0 : i32
    %dma_wait3A_23 = arith.constant 0 : i32
    %dma_wait3A_24 = tpu.memref_slice %arg9[%dma_wait3A_20, %dma_wait3A_22, %dma_wait3A_23] : memref<4x80x128xf32, #tpu.memory_space<vmem>> -> memref<1x80x128xf32, #tpu.memory_space<vmem>>
    %dma_wait3A_25 = tpu.memref_squeeze %dma_wait3A_24 : memref<1x80x128xf32, #tpu.memory_space<vmem>> -> memref<80x128xf32, #tpu.memory_space<vmem>>
    %dma_wait3A_26 = arith.constant 0 : i32
    %dma_wait3A_27 = tpu.memref_slice %arg7[%dma_wait3A, %dma_wait3A_26] : memref<4x80xi32, #tpu.memory_space<vmem>> -> memref<1x80xi32, #tpu.memory_space<vmem>>
    %dma_wait3A_28 = tpu.memref_squeeze %dma_wait3A_27 : memref<1x80xi32, #tpu.memory_space<vmem>> -> memref<80xi32, #tpu.memory_space<vmem>>
    %dma_wait3A_29 = arith.constant 0 : i32
    %dma_wait3A_30 = arith.constant 0 : i32
    %dma_wait3A_31 = tpu.memref_slice %arg4[%dma_wait3A_29, %dma_wait3A_30] : memref<10000x128xf32, #tpu.memory_space<hbm>> -> memref<10000x128xf32, #tpu.memory_space<hbm>>
    %dma_wait3A_32 = tpu.memref_slice %arg10[%dma_wait3A_21] : memref<4x!tpu.dma_semaphore, #tpu.memory_space<semaphore_mem>> -> memref<1x!tpu.dma_semaphore, #tpu.memory_space<semaphore_mem>>
    %dma_wait3A_33 = tpu.memref_squeeze %dma_wait3A_32 : memref<1x!tpu.dma_semaphore, #tpu.memory_space<semaphore_mem>> -> memref<!tpu.dma_semaphore, #tpu.memory_space<semaphore_mem>>
    tpu.wait_indirect_dma semaphore(%dma_wait3A_33 : memref<!tpu.dma_semaphore, #tpu.memory_space<semaphore_mem>>) src(%dma_wait3A_31 : memref<10000x128xf32, #tpu.memory_space<hbm>>) dst(%dma_wait3A_25 : memref<80x128xf32, #tpu.memory_space<vmem>>)
    %dma_start3A_34 = arith.constant 0 : i32
    %dma_start3A_35 = arith.constant 0 : i32
    %dma_start3A_36 = arith.constant 0 : i32
    %dma_start3A_37 = arith.constant 0 : i32
    %dma_start3A_38 = arith.constant 0 : i32
    %dma_start3A_39 = tpu.memref_slice %arg9[%dma_start3A_34, %dma_start3A_37, %dma_start3A_38] : memref<4x80x128xf32, #tpu.memory_space<vmem>> -> memref<1x80x128xf32, #tpu.memory_space<vmem>>
    %dma_start3A_40 = tpu.memref_squeeze %dma_start3A_39 : memref<1x80x128xf32, #tpu.memory_space<vmem>> -> memref<80x128xf32, #tpu.memory_space<vmem>>
    %dma_start3A_41 = arith.constant 0 : i32
    %dma_start3A_42 = tpu.memref_slice %arg8[%dma_start3A_35, %dma_start3A_41] : memref<4x80xi32, #tpu.memory_space<vmem>> -> memref<1x80xi32, #tpu.memory_space<vmem>>
    %dma_start3A_43 = tpu.memref_squeeze %dma_start3A_42 : memref<1x80xi32, #tpu.memory_space<vmem>> -> memref<80xi32, #tpu.memory_space<vmem>>
    %dma_start3A_44 = arith.constant 0 : i32
    %dma_start3A_45 = arith.constant 0 : i32
    %dma_start3A_46 = tpu.memref_slice %arg12[%dma_start3A_44, %dma_start3A_45] : memref<10240x128xf32, #tpu.memory_space<vmem_shared>> -> memref<10240x128xf32, #tpu.memory_space<vmem_shared>>
    %dma_start3A_47 = tpu.memref_slice %arg11[%dma_start3A_36] : memref<4x!tpu.dma_semaphore, #tpu.memory_space<semaphore_mem>> -> memref<1x!tpu.dma_semaphore, #tpu.memory_space<semaphore_mem>>
    %dma_start3A_48 = tpu.memref_squeeze %dma_start3A_47 : memref<1x!tpu.dma_semaphore, #tpu.memory_space<semaphore_mem>> -> memref<!tpu.dma_semaphore, #tpu.memory_space<semaphore_mem>>
    tpu.enqueue_indirect_dma source(%dma_start3A_40 : memref<80x128xf32, #tpu.memory_space<vmem>>) target(%dma_start3A_46 : memref<10240x128xf32, #tpu.memory_space<vmem_shared>>) offsets(%dma_start3A_43 : memref<80xi32, #tpu.memory_space<vmem>>) semaphore(%dma_start3A_48 : memref<!tpu.dma_semaphore, #tpu.memory_space<semaphore_mem>>) {add = true}
    %dma_wait3A_49 = arith.constant 0 : i32
    %dma_wait3A_50 = arith.constant 0 : i32
    %dma_wait3A_51 = arith.constant 0 : i32
    %dma_wait3A_52 = arith.constant 0 : i32
    %dma_wait3A_53 = arith.constant 0 : i32
    %dma_wait3A_54 = tpu.memref_slice %arg9[%dma_wait3A_49, %dma_wait3A_52, %dma_wait3A_53] : memref<4x80x128xf32, #tpu.memory_space<vmem>> -> memref<1x80x128xf32, #tpu.memory_space<vmem>>
    %dma_wait3A_55 = tpu.memref_squeeze %dma_wait3A_54 : memref<1x80x128xf32, #tpu.memory_space<vmem>> -> memref<80x128xf32, #tpu.memory_space<vmem>>
    %dma_wait3A_56 = arith.constant 0 : i32
    %dma_wait3A_57 = tpu.memref_slice %arg8[%dma_wait3A_50, %dma_wait3A_56] : memref<4x80xi32, #tpu.memory_space<vmem>> -> memref<1x80xi32, #tpu.memory_space<vmem>>
    %dma_wait3A_58 = tpu.memref_squeeze %dma_wait3A_57 : memref<1x80xi32, #tpu.memory_space<vmem>> -> memref<80xi32, #tpu.memory_space<vmem>>
    %dma_wait3A_59 = arith.constant 0 : i32
    %dma_wait3A_60 = arith.constant 0 : i32
    %dma_wait3A_61 = tpu.memref_slice %arg12[%dma_wait3A_59, %dma_wait3A_60] : memref<10240x128xf32, #tpu.memory_space<vmem_shared>> -> memref<10240x128xf32, #tpu.memory_space<vmem_shared>>
    %dma_wait3A_62 = tpu.memref_slice %arg11[%dma_wait3A_51] : memref<4x!tpu.dma_semaphore, #tpu.memory_space<semaphore_mem>> -> memref<1x!tpu.dma_semaphore, #tpu.memory_space<semaphore_mem>>
    %dma_wait3A_63 = tpu.memref_squeeze %dma_wait3A_62 : memref<1x!tpu.dma_semaphore, #tpu.memory_space<semaphore_mem>> -> memref<!tpu.dma_semaphore, #tpu.memory_space<semaphore_mem>>
    tpu.wait_indirect_dma semaphore(%dma_wait3A_63 : memref<!tpu.dma_semaphore, #tpu.memory_space<semaphore_mem>>) src(%dma_wait3A_55 : memref<80x128xf32, #tpu.memory_space<vmem>>) dst(%dma_wait3A_61 : memref<10240x128xf32, #tpu.memory_space<vmem_shared>>)
    %scan3A = arith.constant 0 : i32
    %scan3A_64 = arith.constant 0 : i32
    %scan3A_65 = arith.constant 31 : i32
    %scan3A_66 = arith.addi %scan3A_64, %scan3A_65 : i32
    %scan3A_67 = arith.constant 1 : i32
    scf.for %scan3A_70 = %scan3A_64 to %scan3A_66 step %scan3A_67  : i32 {
      %mul3A_71 = arith.constant 10000 : i32
      %mul3A_72 = arith.muli %add3A, %mul3A_71 : i32
      %add3A_73 = arith.constant 80 : i32
      %add3A_74 = arith.addi %mul3A_72, %add3A_73 : i32
      %mul3A_75 = arith.constant 320 : i32
      %mul3A_76 = arith.muli %scan3A_70, %mul3A_75 : i32
      %add3A_77 = arith.addi %add3A_74, %mul3A_76 : i32
      %add3A_78 = arith.constant 0 : i32
      %add3A_79 = arith.addi %add3A_77, %add3A_78 : i32
      %run_scoped3A_80 = arith.constant 0 : i32
      "tpu.region"() ({
        %run_scoped3A_334 = tpu.sem_alloc : memref<!tpu.dma_semaphore, #tpu.memory_space<semaphore_mem>>
        %dma_start3A_335 = arith.constant 0 : i32
        %dma_start3A_336 = tpu.memref_slice %arg7[%run_scoped3A_80, %dma_start3A_335] : memref<4x80xi32, #tpu.memory_space<vmem>> -> memref<1x80xi32, #tpu.memory_space<vmem>>
        %dma_start3A_337 = tpu.memref_squeeze %dma_start3A_336 : memref<1x80xi32, #tpu.memory_space<vmem>> -> memref<80xi32, #tpu.memory_space<vmem>>
        %dma_start3A_338 = tpu.memref_slice %arg2[%add3A_79] : memref<320000xi32, #tpu.memory_space<hbm>> -> memref<80xi32, #tpu.memory_space<hbm>>
        %dma_start3A_339 = arith.constant 0 : i32
        %dma_start3A_340 = tpu.memref_slice %arg7[%run_scoped3A_80, %dma_start3A_339] : memref<4x80xi32, #tpu.memory_space<vmem>> -> memref<1x80xi32, #tpu.memory_space<vmem>>
        %dma_start3A_341 = tpu.memref_squeeze %dma_start3A_340 : memref<1x80xi32, #tpu.memory_space<vmem>> -> memref<80xi32, #tpu.memory_space<vmem>>
        %dma_start3A_342 = tpu.memref_slice %arg2[%add3A_79] : memref<320000xi32, #tpu.memory_space<hbm>> -> memref<80xi32, #tpu.memory_space<hbm>>
        tpu.enqueue_dma source(%dma_start3A_342 : memref<80xi32, #tpu.memory_space<hbm>>) target(%dma_start3A_341 : memref<80xi32, #tpu.memory_space<vmem>>) target_semaphore(%run_scoped3A_334 : memref<!tpu.dma_semaphore, #tpu.memory_space<semaphore_mem>>)
        %dma_wait3A_343 = arith.constant 0 : i32
        %dma_wait3A_344 = tpu.memref_slice %arg7[%run_scoped3A_80, %dma_wait3A_343] : memref<4x80xi32, #tpu.memory_space<vmem>> -> memref<1x80xi32, #tpu.memory_space<vmem>>
        %dma_wait3A_345 = tpu.memref_squeeze %dma_wait3A_344 : memref<1x80xi32, #tpu.memory_space<vmem>> -> memref<80xi32, #tpu.memory_space<vmem>>
        %dma_wait3A_346 = tpu.memref_slice %arg2[%add3A_79] : memref<320000xi32, #tpu.memory_space<hbm>> -> memref<80xi32, #tpu.memory_space<hbm>>
        %dma_wait3A_347 = arith.constant 0 : i32
        %dma_wait3A_348 = tpu.memref_slice %arg7[%run_scoped3A_80, %dma_wait3A_347] : memref<4x80xi32, #tpu.memory_space<vmem>> -> memref<1x80xi32, #tpu.memory_space<vmem>>
        %dma_wait3A_349 = tpu.memref_squeeze %dma_wait3A_348 : memref<1x80xi32, #tpu.memory_space<vmem>> -> memref<80xi32, #tpu.memory_space<vmem>>
        %dma_wait3A_350 = tpu.memref_slice %arg2[%add3A_79] : memref<320000xi32, #tpu.memory_space<hbm>> -> memref<80xi32, #tpu.memory_space<hbm>>
        tpu.wait_dma2 semaphore(%run_scoped3A_334 : memref<!tpu.dma_semaphore, #tpu.memory_space<semaphore_mem>>) src(%dma_wait3A_350 : memref<80xi32, #tpu.memory_space<hbm>>) dst(%dma_wait3A_349 : memref<80xi32, #tpu.memory_space<vmem>>)
        tpu.yield
      }) : () -> ()
      %run_scoped3A_81 = arith.constant 0 : i32
      "tpu.region"() ({
        %run_scoped3A_334 = tpu.sem_alloc : memref<!tpu.dma_semaphore, #tpu.memory_space<semaphore_mem>>
        %dma_start3A_335 = arith.constant 0 : i32
        %dma_start3A_336 = tpu.memref_slice %arg8[%run_scoped3A_81, %dma_start3A_335] : memref<4x80xi32, #tpu.memory_space<vmem>> -> memref<1x80xi32, #tpu.memory_space<vmem>>
        %dma_start3A_337 = tpu.memref_squeeze %dma_start3A_336 : memref<1x80xi32, #tpu.memory_space<vmem>> -> memref<80xi32, #tpu.memory_space<vmem>>
        %dma_start3A_338 = tpu.memref_slice %arg3[%add3A_79] : memref<320000xi32, #tpu.memory_space<hbm>> -> memref<80xi32, #tpu.memory_space<hbm>>
        %dma_start3A_339 = arith.constant 0 : i32
        %dma_start3A_340 = tpu.memref_slice %arg8[%run_scoped3A_81, %dma_start3A_339] : memref<4x80xi32, #tpu.memory_space<vmem>> -> memref<1x80xi32, #tpu.memory_space<vmem>>
        %dma_start3A_341 = tpu.memref_squeeze %dma_start3A_340 : memref<1x80xi32, #tpu.memory_space<vmem>> -> memref<80xi32, #tpu.memory_space<vmem>>
        %dma_start3A_342 = tpu.memref_slice %arg3[%add3A_79] : memref<320000xi32, #tpu.memory_space<hbm>> -> memref<80xi32, #tpu.memory_space<hbm>>
        tpu.enqueue_dma source(%dma_start3A_342 : memref<80xi32, #tpu.memory_space<hbm>>) target(%dma_start3A_341 : memref<80xi32, #tpu.memory_space<vmem>>) target_semaphore(%run_scoped3A_334 : memref<!tpu.dma_semaphore, #tpu.memory_space<semaphore_mem>>)
        %dma_wait3A_343 = arith.constant 0 : i32
        %dma_wait3A_344 = tpu.memref_slice %arg8[%run_scoped3A_81, %dma_wait3A_343] : memref<4x80xi32, #tpu.memory_space<vmem>> -> memref<1x80xi32, #tpu.memory_space<vmem>>
        %dma_wait3A_345 = tpu.memref_squeeze %dma_wait3A_344 : memref<1x80xi32, #tpu.memory_space<vmem>> -> memref<80xi32, #tpu.memory_space<vmem>>
        %dma_wait3A_346 = tpu.memref_slice %arg3[%add3A_79] : memref<320000xi32, #tpu.memory_space<hbm>> -> memref<80xi32, #tpu.memory_space<hbm>>
        %dma_wait3A_347 = arith.constant 0 : i32
        %dma_wait3A_348 = tpu.memref_slice %arg8[%run_scoped3A_81, %dma_wait3A_347] : memref<4x80xi32, #tpu.memory_space<vmem>> -> memref<1x80xi32, #tpu.memory_space<vmem>>
        %dma_wait3A_349 = tpu.memref_squeeze %dma_wait3A_348 : memref<1x80xi32, #tpu.memory_space<vmem>> -> memref<80xi32, #tpu.memory_space<vmem>>
        %dma_wait3A_350 = tpu.memref_slice %arg3[%add3A_79] : memref<320000xi32, #tpu.memory_space<hbm>> -> memref<80xi32, #tpu.memory_space<hbm>>
        tpu.wait_dma2 semaphore(%run_scoped3A_334 : memref<!tpu.dma_semaphore, #tpu.memory_space<semaphore_mem>>) src(%dma_wait3A_350 : memref<80xi32, #tpu.memory_space<hbm>>) dst(%dma_wait3A_349 : memref<80xi32, #tpu.memory_space<vmem>>)
        tpu.yield
      }) : () -> ()
      %dma_start3A_82 = arith.constant 0 : i32
      %dma_start3A_83 = arith.constant 0 : i32
      %dma_start3A_84 = arith.constant 0 : i32
      %dma_start3A_85 = arith.constant 0 : i32
      %dma_start3A_86 = arith.constant 0 : i32
      %dma_start3A_87 = tpu.memref_slice %arg9[%dma_start3A_83, %dma_start3A_85, %dma_start3A_86] : memref<4x80x128xf32, #tpu.memory_space<vmem>> -> memref<1x80x128xf32, #tpu.memory_space<vmem>>
      %dma_start3A_88 = tpu.memref_squeeze %dma_start3A_87 : memref<1x80x128xf32, #tpu.memory_space<vmem>> -> memref<80x128xf32, #tpu.memory_space<vmem>>
      %dma_start3A_89 = arith.constant 0 : i32
      %dma_start3A_90 = tpu.memref_slice %arg7[%dma_start3A_82, %dma_start3A_89] : memref<4x80xi32, #tpu.memory_space<vmem>> -> memref<1x80xi32, #tpu.memory_space<vmem>>
      %dma_start3A_91 = tpu.memref_squeeze %dma_start3A_90 : memref<1x80xi32, #tpu.memory_space<vmem>> -> memref<80xi32, #tpu.memory_space<vmem>>
      %dma_start3A_92 = arith.constant 0 : i32
      %dma_start3A_93 = arith.constant 0 : i32
      %dma_start3A_94 = tpu.memref_slice %arg4[%dma_start3A_92, %dma_start3A_93] : memref<10000x128xf32, #tpu.memory_space<hbm>> -> memref<10000x128xf32, #tpu.memory_space<hbm>>
      %dma_start3A_95 = tpu.memref_slice %arg10[%dma_start3A_84] : memref<4x!tpu.dma_semaphore, #tpu.memory_space<semaphore_mem>> -> memref<1x!tpu.dma_semaphore, #tpu.memory_space<semaphore_mem>>
      %dma_start3A_96 = tpu.memref_squeeze %dma_start3A_95 : memref<1x!tpu.dma_semaphore, #tpu.memory_space<semaphore_mem>> -> memref<!tpu.dma_semaphore, #tpu.memory_space<semaphore_mem>>
      tpu.enqueue_indirect_dma source(%dma_start3A_94 : memref<10000x128xf32, #tpu.memory_space<hbm>>) target(%dma_start3A_88 : memref<80x128xf32, #tpu.memory_space<vmem>>) offsets(%dma_start3A_91 : memref<80xi32, #tpu.memory_space<vmem>>) semaphore(%dma_start3A_96 : memref<!tpu.dma_semaphore, #tpu.memory_space<semaphore_mem>>)
      %add3A_97 = arith.constant 80 : i32
      %add3A_98 = arith.addi %add3A_77, %add3A_97 : i32
      %run_scoped3A_99 = arith.constant 1 : i32
      "tpu.region"() ({
        %run_scoped3A_334 = tpu.sem_alloc : memref<!tpu.dma_semaphore, #tpu.memory_space<semaphore_mem>>
        %dma_start3A_335 = arith.constant 0 : i32
        %dma_start3A_336 = tpu.memref_slice %arg7[%run_scoped3A_99, %dma_start3A_335] : memref<4x80xi32, #tpu.memory_space<vmem>> -> memref<1x80xi32, #tpu.memory_space<vmem>>
        %dma_start3A_337 = tpu.memref_squeeze %dma_start3A_336 : memref<1x80xi32, #tpu.memory_space<vmem>> -> memref<80xi32, #tpu.memory_space<vmem>>
        %dma_start3A_338 = tpu.memref_slice %arg2[%add3A_98] : memref<320000xi32, #tpu.memory_space<hbm>> -> memref<80xi32, #tpu.memory_space<hbm>>
        %dma_start3A_339 = arith.constant 0 : i32
        %dma_start3A_340 = tpu.memref_slice %arg7[%run_scoped3A_99, %dma_start3A_339] : memref<4x80xi32, #tpu.memory_space<vmem>> -> memref<1x80xi32, #tpu.memory_space<vmem>>
        %dma_start3A_341 = tpu.memref_squeeze %dma_start3A_340 : memref<1x80xi32, #tpu.memory_space<vmem>> -> memref<80xi32, #tpu.memory_space<vmem>>
        %dma_start3A_342 = tpu.memref_slice %arg2[%add3A_98] : memref<320000xi32, #tpu.memory_space<hbm>> -> memref<80xi32, #tpu.memory_space<hbm>>
        tpu.enqueue_dma source(%dma_start3A_342 : memref<80xi32, #tpu.memory_space<hbm>>) target(%dma_start3A_341 : memref<80xi32, #tpu.memory_space<vmem>>) target_semaphore(%run_scoped3A_334 : memref<!tpu.dma_semaphore, #tpu.memory_space<semaphore_mem>>)
        %dma_wait3A_343 = arith.constant 0 : i32
        %dma_wait3A_344 = tpu.memref_slice %arg7[%run_scoped3A_99, %dma_wait3A_343] : memref<4x80xi32, #tpu.memory_space<vmem>> -> memref<1x80xi32, #tpu.memory_space<vmem>>
        %dma_wait3A_345 = tpu.memref_squeeze %dma_wait3A_344 : memref<1x80xi32, #tpu.memory_space<vmem>> -> memref<80xi32, #tpu.memory_space<vmem>>
        %dma_wait3A_346 = tpu.memref_slice %arg2[%add3A_98] : memref<320000xi32, #tpu.memory_space<hbm>> -> memref<80xi32, #tpu.memory_space<hbm>>
        %dma_wait3A_347 = arith.constant 0 : i32
        %dma_wait3A_348 = tpu.memref_slice %arg7[%run_scoped3A_99, %dma_wait3A_347] : memref<4x80xi32, #tpu.memory_space<vmem>> -> memref<1x80xi32, #tpu.memory_space<vmem>>
        %dma_wait3A_349 = tpu.memref_squeeze %dma_wait3A_348 : memref<1x80xi32, #tpu.memory_space<vmem>> -> memref<80xi32, #tpu.memory_space<vmem>>
        %dma_wait3A_350 = tpu.memref_slice %arg2[%add3A_98] : memref<320000xi32, #tpu.memory_space<hbm>> -> memref<80xi32, #tpu.memory_space<hbm>>
        tpu.wait_dma2 semaphore(%run_scoped3A_334 : memref<!tpu.dma_semaphore, #tpu.memory_space<semaphore_mem>>) src(%dma_wait3A_350 : memref<80xi32, #tpu.memory_space<hbm>>) dst(%dma_wait3A_349 : memref<80xi32, #tpu.memory_space<vmem>>)
        tpu.yield
      }) : () -> ()
      %run_scoped3A_100 = arith.constant 1 : i32
      "tpu.region"() ({
        %run_scoped3A_334 = tpu.sem_alloc : memref<!tpu.dma_semaphore, #tpu.memory_space<semaphore_mem>>
        %dma_start3A_335 = arith.constant 0 : i32
        %dma_start3A_336 = tpu.memref_slice %arg8[%run_scoped3A_100, %dma_start3A_335] : memref<4x80xi32, #tpu.memory_space<vmem>> -> memref<1x80xi32, #tpu.memory_space<vmem>>
        %dma_start3A_337 = tpu.memref_squeeze %dma_start3A_336 : memref<1x80xi32, #tpu.memory_space<vmem>> -> memref<80xi32, #tpu.memory_space<vmem>>
        %dma_start3A_338 = tpu.memref_slice %arg3[%add3A_98] : memref<320000xi32, #tpu.memory_space<hbm>> -> memref<80xi32, #tpu.memory_space<hbm>>
        %dma_start3A_339 = arith.constant 0 : i32
        %dma_start3A_340 = tpu.memref_slice %arg8[%run_scoped3A_100, %dma_start3A_339] : memref<4x80xi32, #tpu.memory_space<vmem>> -> memref<1x80xi32, #tpu.memory_space<vmem>>
        %dma_start3A_341 = tpu.memref_squeeze %dma_start3A_340 : memref<1x80xi32, #tpu.memory_space<vmem>> -> memref<80xi32, #tpu.memory_space<vmem>>
        %dma_start3A_342 = tpu.memref_slice %arg3[%add3A_98] : memref<320000xi32, #tpu.memory_space<hbm>> -> memref<80xi32, #tpu.memory_space<hbm>>
        tpu.enqueue_dma source(%dma_start3A_342 : memref<80xi32, #tpu.memory_space<hbm>>) target(%dma_start3A_341 : memref<80xi32, #tpu.memory_space<vmem>>) target_semaphore(%run_scoped3A_334 : memref<!tpu.dma_semaphore, #tpu.memory_space<semaphore_mem>>)
        %dma_wait3A_343 = arith.constant 0 : i32
        %dma_wait3A_344 = tpu.memref_slice %arg8[%run_scoped3A_100, %dma_wait3A_343] : memref<4x80xi32, #tpu.memory_space<vmem>> -> memref<1x80xi32, #tpu.memory_space<vmem>>
        %dma_wait3A_345 = tpu.memref_squeeze %dma_wait3A_344 : memref<1x80xi32, #tpu.memory_space<vmem>> -> memref<80xi32, #tpu.memory_space<vmem>>
        %dma_wait3A_346 = tpu.memref_slice %arg3[%add3A_98] : memref<320000xi32, #tpu.memory_space<hbm>> -> memref<80xi32, #tpu.memory_space<hbm>>
        %dma_wait3A_347 = arith.constant 0 : i32
        %dma_wait3A_348 = tpu.memref_slice %arg8[%run_scoped3A_100, %dma_wait3A_347] : memref<4x80xi32, #tpu.memory_space<vmem>> -> memref<1x80xi32, #tpu.memory_space<vmem>>
        %dma_wait3A_349 = tpu.memref_squeeze %dma_wait3A_348 : memref<1x80xi32, #tpu.memory_space<vmem>> -> memref<80xi32, #tpu.memory_space<vmem>>
        %dma_wait3A_350 = tpu.memref_slice %arg3[%add3A_98] : memref<320000xi32, #tpu.memory_space<hbm>> -> memref<80xi32, #tpu.memory_space<hbm>>
        tpu.wait_dma2 semaphore(%run_scoped3A_334 : memref<!tpu.dma_semaphore, #tpu.memory_space<semaphore_mem>>) src(%dma_wait3A_350 : memref<80xi32, #tpu.memory_space<hbm>>) dst(%dma_wait3A_349 : memref<80xi32, #tpu.memory_space<vmem>>)
        tpu.yield
      }) : () -> ()
      %dma_start3A_101 = arith.constant 1 : i32
      %dma_start3A_102 = arith.constant 1 : i32
      %dma_start3A_103 = arith.constant 1 : i32
      %dma_start3A_104 = arith.constant 0 : i32
      %dma_start3A_105 = arith.constant 0 : i32
      %dma_start3A_106 = tpu.memref_slice %arg9[%dma_start3A_102, %dma_start3A_104, %dma_start3A_105] : memref<4x80x128xf32, #tpu.memory_space<vmem>> -> memref<1x80x128xf32, #tpu.memory_space<vmem>>
      %dma_start3A_107 = tpu.memref_squeeze %dma_start3A_106 : memref<1x80x128xf32, #tpu.memory_space<vmem>> -> memref<80x128xf32, #tpu.memory_space<vmem>>
      %dma_start3A_108 = arith.constant 0 : i32
      %dma_start3A_109 = tpu.memref_slice %arg7[%dma_start3A_101, %dma_start3A_108] : memref<4x80xi32, #tpu.memory_space<vmem>> -> memref<1x80xi32, #tpu.memory_space<vmem>>
      %dma_start3A_110 = tpu.memref_squeeze %dma_start3A_109 : memref<1x80xi32, #tpu.memory_space<vmem>> -> memref<80xi32, #tpu.memory_space<vmem>>
      %dma_start3A_111 = arith.constant 0 : i32
      %dma_start3A_112 = arith.constant 0 : i32
      %dma_start3A_113 = tpu.memref_slice %arg4[%dma_start3A_111, %dma_start3A_112] : memref<10000x128xf32, #tpu.memory_space<hbm>> -> memref<10000x128xf32, #tpu.memory_space<hbm>>
      %dma_start3A_114 = tpu.memref_slice %arg10[%dma_start3A_103] : memref<4x!tpu.dma_semaphore, #tpu.memory_space<semaphore_mem>> -> memref<1x!tpu.dma_semaphore, #tpu.memory_space<semaphore_mem>>
      %dma_start3A_115 = tpu.memref_squeeze %dma_start3A_114 : memref<1x!tpu.dma_semaphore, #tpu.memory_space<semaphore_mem>> -> memref<!tpu.dma_semaphore, #tpu.memory_space<semaphore_mem>>
      tpu.enqueue_indirect_dma source(%dma_start3A_113 : memref<10000x128xf32, #tpu.memory_space<hbm>>) target(%dma_start3A_107 : memref<80x128xf32, #tpu.memory_space<vmem>>) offsets(%dma_start3A_110 : memref<80xi32, #tpu.memory_space<vmem>>) semaphore(%dma_start3A_115 : memref<!tpu.dma_semaphore, #tpu.memory_space<semaphore_mem>>)
      %add3A_116 = arith.constant 160 : i32
      %add3A_117 = arith.addi %add3A_77, %add3A_116 : i32
      %run_scoped3A_118 = arith.constant 2 : i32
      "tpu.region"() ({
        %run_scoped3A_334 = tpu.sem_alloc : memref<!tpu.dma_semaphore, #tpu.memory_space<semaphore_mem>>
        %dma_start3A_335 = arith.constant 0 : i32
        %dma_start3A_336 = tpu.memref_slice %arg7[%run_scoped3A_118, %dma_start3A_335] : memref<4x80xi32, #tpu.memory_space<vmem>> -> memref<1x80xi32, #tpu.memory_space<vmem>>
        %dma_start3A_337 = tpu.memref_squeeze %dma_start3A_336 : memref<1x80xi32, #tpu.memory_space<vmem>> -> memref<80xi32, #tpu.memory_space<vmem>>
        %dma_start3A_338 = tpu.memref_slice %arg2[%add3A_117] : memref<320000xi32, #tpu.memory_space<hbm>> -> memref<80xi32, #tpu.memory_space<hbm>>
        %dma_start3A_339 = arith.constant 0 : i32
        %dma_start3A_340 = tpu.memref_slice %arg7[%run_scoped3A_118, %dma_start3A_339] : memref<4x80xi32, #tpu.memory_space<vmem>> -> memref<1x80xi32, #tpu.memory_space<vmem>>
        %dma_start3A_341 = tpu.memref_squeeze %dma_start3A_340 : memref<1x80xi32, #tpu.memory_space<vmem>> -> memref<80xi32, #tpu.memory_space<vmem>>
        %dma_start3A_342 = tpu.memref_slice %arg2[%add3A_117] : memref<320000xi32, #tpu.memory_space<hbm>> -> memref<80xi32, #tpu.memory_space<hbm>>
        tpu.enqueue_dma source(%dma_start3A_342 : memref<80xi32, #tpu.memory_space<hbm>>) target(%dma_start3A_341 : memref<80xi32, #tpu.memory_space<vmem>>) target_semaphore(%run_scoped3A_334 : memref<!tpu.dma_semaphore, #tpu.memory_space<semaphore_mem>>)
        %dma_wait3A_343 = arith.constant 0 : i32
        %dma_wait3A_344 = tpu.memref_slice %arg7[%run_scoped3A_118, %dma_wait3A_343] : memref<4x80xi32, #tpu.memory_space<vmem>> -> memref<1x80xi32, #tpu.memory_space<vmem>>
        %dma_wait3A_345 = tpu.memref_squeeze %dma_wait3A_344 : memref<1x80xi32, #tpu.memory_space<vmem>> -> memref<80xi32, #tpu.memory_space<vmem>>
        %dma_wait3A_346 = tpu.memref_slice %arg2[%add3A_117] : memref<320000xi32, #tpu.memory_space<hbm>> -> memref<80xi32, #tpu.memory_space<hbm>>
        %dma_wait3A_347 = arith.constant 0 : i32
        %dma_wait3A_348 = tpu.memref_slice %arg7[%run_scoped3A_118, %dma_wait3A_347] : memref<4x80xi32, #tpu.memory_space<vmem>> -> memref<1x80xi32, #tpu.memory_space<vmem>>
        %dma_wait3A_349 = tpu.memref_squeeze %dma_wait3A_348 : memref<1x80xi32, #tpu.memory_space<vmem>> -> memref<80xi32, #tpu.memory_space<vmem>>
        %dma_wait3A_350 = tpu.memref_slice %arg2[%add3A_117] : memref<320000xi32, #tpu.memory_space<hbm>> -> memref<80xi32, #tpu.memory_space<hbm>>
        tpu.wait_dma2 semaphore(%run_scoped3A_334 : memref<!tpu.dma_semaphore, #tpu.memory_space<semaphore_mem>>) src(%dma_wait3A_350 : memref<80xi32, #tpu.memory_space<hbm>>) dst(%dma_wait3A_349 : memref<80xi32, #tpu.memory_space<vmem>>)
        tpu.yield
      }) : () -> ()
      %run_scoped3A_119 = arith.constant 2 : i32
      "tpu.region"() ({
        %run_scoped3A_334 = tpu.sem_alloc : memref<!tpu.dma_semaphore, #tpu.memory_space<semaphore_mem>>
        %dma_start3A_335 = arith.constant 0 : i32
        %dma_start3A_336 = tpu.memref_slice %arg8[%run_scoped3A_119, %dma_start3A_335] : memref<4x80xi32, #tpu.memory_space<vmem>> -> memref<1x80xi32, #tpu.memory_space<vmem>>
        %dma_start3A_337 = tpu.memref_squeeze %dma_start3A_336 : memref<1x80xi32, #tpu.memory_space<vmem>> -> memref<80xi32, #tpu.memory_space<vmem>>
        %dma_start3A_338 = tpu.memref_slice %arg3[%add3A_117] : memref<320000xi32, #tpu.memory_space<hbm>> -> memref<80xi32, #tpu.memory_space<hbm>>
        %dma_start3A_339 = arith.constant 0 : i32
        %dma_start3A_340 = tpu.memref_slice %arg8[%run_scoped3A_119, %dma_start3A_339] : memref<4x80xi32, #tpu.memory_space<vmem>> -> memref<1x80xi32, #tpu.memory_space<vmem>>
        %dma_start3A_341 = tpu.memref_squeeze %dma_start3A_340 : memref<1x80xi32, #tpu.memory_space<vmem>> -> memref<80xi32, #tpu.memory_space<vmem>>
        %dma_start3A_342 = tpu.memref_slice %arg3[%add3A_117] : memref<320000xi32, #tpu.memory_space<hbm>> -> memref<80xi32, #tpu.memory_space<hbm>>
        tpu.enqueue_dma source(%dma_start3A_342 : memref<80xi32, #tpu.memory_space<hbm>>) target(%dma_start3A_341 : memref<80xi32, #tpu.memory_space<vmem>>) target_semaphore(%run_scoped3A_334 : memref<!tpu.dma_semaphore, #tpu.memory_space<semaphore_mem>>)
        %dma_wait3A_343 = arith.constant 0 : i32
        %dma_wait3A_344 = tpu.memref_slice %arg8[%run_scoped3A_119, %dma_wait3A_343] : memref<4x80xi32, #tpu.memory_space<vmem>> -> memref<1x80xi32, #tpu.memory_space<vmem>>
        %dma_wait3A_345 = tpu.memref_squeeze %dma_wait3A_344 : memref<1x80xi32, #tpu.memory_space<vmem>> -> memref<80xi32, #tpu.memory_space<vmem>>
        %dma_wait3A_346 = tpu.memref_slice %arg3[%add3A_117] : memref<320000xi32, #tpu.memory_space<hbm>> -> memref<80xi32, #tpu.memory_space<hbm>>
        %dma_wait3A_347 = arith.constant 0 : i32
        %dma_wait3A_348 = tpu.memref_slice %arg8[%run_scoped3A_119, %dma_wait3A_347] : memref<4x80xi32, #tpu.memory_space<vmem>> -> memref<1x80xi32, #tpu.memory_space<vmem>>
        %dma_wait3A_349 = tpu.memref_squeeze %dma_wait3A_348 : memref<1x80xi32, #tpu.memory_space<vmem>> -> memref<80xi32, #tpu.memory_space<vmem>>
        %dma_wait3A_350 = tpu.memref_slice %arg3[%add3A_117] : memref<320000xi32, #tpu.memory_space<hbm>> -> memref<80xi32, #tpu.memory_space<hbm>>
        tpu.wait_dma2 semaphore(%run_scoped3A_334 : memref<!tpu.dma_semaphore, #tpu.memory_space<semaphore_mem>>) src(%dma_wait3A_350 : memref<80xi32, #tpu.memory_space<hbm>>) dst(%dma_wait3A_349 : memref<80xi32, #tpu.memory_space<vmem>>)
        tpu.yield
      }) : () -> ()
      %dma_start3A_120 = arith.constant 2 : i32
      %dma_start3A_121 = arith.constant 2 : i32
      %dma_start3A_122 = arith.constant 2 : i32
      %dma_start3A_123 = arith.constant 0 : i32
      %dma_start3A_124 = arith.constant 0 : i32
      %dma_start3A_125 = tpu.memref_slice %arg9[%dma_start3A_121, %dma_start3A_123, %dma_start3A_124] : memref<4x80x128xf32, #tpu.memory_space<vmem>> -> memref<1x80x128xf32, #tpu.memory_space<vmem>>
      %dma_start3A_126 = tpu.memref_squeeze %dma_start3A_125 : memref<1x80x128xf32, #tpu.memory_space<vmem>> -> memref<80x128xf32, #tpu.memory_space<vmem>>
      %dma_start3A_127 = arith.constant 0 : i32
      %dma_start3A_128 = tpu.memref_slice %arg7[%dma_start3A_120, %dma_start3A_127] : memref<4x80xi32, #tpu.memory_space<vmem>> -> memref<1x80xi32, #tpu.memory_space<vmem>>
      %dma_start3A_129 = tpu.memref_squeeze %dma_start3A_128 : memref<1x80xi32, #tpu.memory_space<vmem>> -> memref<80xi32, #tpu.memory_space<vmem>>
      %dma_start3A_130 = arith.constant 0 : i32
      %dma_start3A_131 = arith.constant 0 : i32
      %dma_start3A_132 = tpu.memref_slice %arg4[%dma_start3A_130, %dma_start3A_131] : memref<10000x128xf32, #tpu.memory_space<hbm>> -> memref<10000x128xf32, #tpu.memory_space<hbm>>
      %dma_start3A_133 = tpu.memref_slice %arg10[%dma_start3A_122] : memref<4x!tpu.dma_semaphore, #tpu.memory_space<semaphore_mem>> -> memref<1x!tpu.dma_semaphore, #tpu.memory_space<semaphore_mem>>
      %dma_start3A_134 = tpu.memref_squeeze %dma_start3A_133 : memref<1x!tpu.dma_semaphore, #tpu.memory_space<semaphore_mem>> -> memref<!tpu.dma_semaphore, #tpu.memory_space<semaphore_mem>>
      tpu.enqueue_indirect_dma source(%dma_start3A_132 : memref<10000x128xf32, #tpu.memory_space<hbm>>) target(%dma_start3A_126 : memref<80x128xf32, #tpu.memory_space<vmem>>) offsets(%dma_start3A_129 : memref<80xi32, #tpu.memory_space<vmem>>) semaphore(%dma_start3A_134 : memref<!tpu.dma_semaphore, #tpu.memory_space<semaphore_mem>>)
      %add3A_135 = arith.constant 240 : i32
      %add3A_136 = arith.addi %add3A_77, %add3A_135 : i32
      %run_scoped3A_137 = arith.constant 3 : i32
      "tpu.region"() ({
        %run_scoped3A_334 = tpu.sem_alloc : memref<!tpu.dma_semaphore, #tpu.memory_space<semaphore_mem>>
        %dma_start3A_335 = arith.constant 0 : i32
        %dma_start3A_336 = tpu.memref_slice %arg7[%run_scoped3A_137, %dma_start3A_335] : memref<4x80xi32, #tpu.memory_space<vmem>> -> memref<1x80xi32, #tpu.memory_space<vmem>>
        %dma_start3A_337 = tpu.memref_squeeze %dma_start3A_336 : memref<1x80xi32, #tpu.memory_space<vmem>> -> memref<80xi32, #tpu.memory_space<vmem>>
        %dma_start3A_338 = tpu.memref_slice %arg2[%add3A_136] : memref<320000xi32, #tpu.memory_space<hbm>> -> memref<80xi32, #tpu.memory_space<hbm>>
        %dma_start3A_339 = arith.constant 0 : i32
        %dma_start3A_340 = tpu.memref_slice %arg7[%run_scoped3A_137, %dma_start3A_339] : memref<4x80xi32, #tpu.memory_space<vmem>> -> memref<1x80xi32, #tpu.memory_space<vmem>>
        %dma_start3A_341 = tpu.memref_squeeze %dma_start3A_340 : memref<1x80xi32, #tpu.memory_space<vmem>> -> memref<80xi32, #tpu.memory_space<vmem>>
        %dma_start3A_342 = tpu.memref_slice %arg2[%add3A_136] : memref<320000xi32, #tpu.memory_space<hbm>> -> memref<80xi32, #tpu.memory_space<hbm>>
        tpu.enqueue_dma source(%dma_start3A_342 : memref<80xi32, #tpu.memory_space<hbm>>) target(%dma_start3A_341 : memref<80xi32, #tpu.memory_space<vmem>>) target_semaphore(%run_scoped3A_334 : memref<!tpu.dma_semaphore, #tpu.memory_space<semaphore_mem>>)
        %dma_wait3A_343 = arith.constant 0 : i32
        %dma_wait3A_344 = tpu.memref_slice %arg7[%run_scoped3A_137, %dma_wait3A_343] : memref<4x80xi32, #tpu.memory_space<vmem>> -> memref<1x80xi32, #tpu.memory_space<vmem>>
        %dma_wait3A_345 = tpu.memref_squeeze %dma_wait3A_344 : memref<1x80xi32, #tpu.memory_space<vmem>> -> memref<80xi32, #tpu.memory_space<vmem>>
        %dma_wait3A_346 = tpu.memref_slice %arg2[%add3A_136] : memref<320000xi32, #tpu.memory_space<hbm>> -> memref<80xi32, #tpu.memory_space<hbm>>
        %dma_wait3A_347 = arith.constant 0 : i32
        %dma_wait3A_348 = tpu.memref_slice %arg7[%run_scoped3A_137, %dma_wait3A_347] : memref<4x80xi32, #tpu.memory_space<vmem>> -> memref<1x80xi32, #tpu.memory_space<vmem>>
        %dma_wait3A_349 = tpu.memref_squeeze %dma_wait3A_348 : memref<1x80xi32, #tpu.memory_space<vmem>> -> memref<80xi32, #tpu.memory_space<vmem>>
        %dma_wait3A_350 = tpu.memref_slice %arg2[%add3A_136] : memref<320000xi32, #tpu.memory_space<hbm>> -> memref<80xi32, #tpu.memory_space<hbm>>
        tpu.wait_dma2 semaphore(%run_scoped3A_334 : memref<!tpu.dma_semaphore, #tpu.memory_space<semaphore_mem>>) src(%dma_wait3A_350 : memref<80xi32, #tpu.memory_space<hbm>>) dst(%dma_wait3A_349 : memref<80xi32, #tpu.memory_space<vmem>>)
        tpu.yield
      }) : () -> ()
      %run_scoped3A_138 = arith.constant 3 : i32
      "tpu.region"() ({
        %run_scoped3A_334 = tpu.sem_alloc : memref<!tpu.dma_semaphore, #tpu.memory_space<semaphore_mem>>
        %dma_start3A_335 = arith.constant 0 : i32
        %dma_start3A_336 = tpu.memref_slice %arg8[%run_scoped3A_138, %dma_start3A_335] : memref<4x80xi32, #tpu.memory_space<vmem>> -> memref<1x80xi32, #tpu.memory_space<vmem>>
        %dma_start3A_337 = tpu.memref_squeeze %dma_start3A_336 : memref<1x80xi32, #tpu.memory_space<vmem>> -> memref<80xi32, #tpu.memory_space<vmem>>
        %dma_start3A_338 = tpu.memref_slice %arg3[%add3A_136] : memref<320000xi32, #tpu.memory_space<hbm>> -> memref<80xi32, #tpu.memory_space<hbm>>
        %dma_start3A_339 = arith.constant 0 : i32
        %dma_start3A_340 = tpu.memref_slice %arg8[%run_scoped3A_138, %dma_start3A_339] : memref<4x80xi32, #tpu.memory_space<vmem>> -> memref<1x80xi32, #tpu.memory_space<vmem>>
        %dma_start3A_341 = tpu.memref_squeeze %dma_start3A_340 : memref<1x80xi32, #tpu.memory_space<vmem>> -> memref<80xi32, #tpu.memory_space<vmem>>
        %dma_start3A_342 = tpu.memref_slice %arg3[%add3A_136] : memref<320000xi32, #tpu.memory_space<hbm>> -> memref<80xi32, #tpu.memory_space<hbm>>
        tpu.enqueue_dma source(%dma_start3A_342 : memref<80xi32, #tpu.memory_space<hbm>>) target(%dma_start3A_341 : memref<80xi32, #tpu.memory_space<vmem>>) target_semaphore(%run_scoped3A_334 : memref<!tpu.dma_semaphore, #tpu.memory_space<semaphore_mem>>)
        %dma_wait3A_343 = arith.constant 0 : i32
        %dma_wait3A_344 = tpu.memref_slice %arg8[%run_scoped3A_138, %dma_wait3A_343] : memref<4x80xi32, #tpu.memory_space<vmem>> -> memref<1x80xi32, #tpu.memory_space<vmem>>
        %dma_wait3A_345 = tpu.memref_squeeze %dma_wait3A_344 : memref<1x80xi32, #tpu.memory_space<vmem>> -> memref<80xi32, #tpu.memory_space<vmem>>
        %dma_wait3A_346 = tpu.memref_slice %arg3[%add3A_136] : memref<320000xi32, #tpu.memory_space<hbm>> -> memref<80xi32, #tpu.memory_space<hbm>>
        %dma_wait3A_347 = arith.constant 0 : i32
        %dma_wait3A_348 = tpu.memref_slice %arg8[%run_scoped3A_138, %dma_wait3A_347] : memref<4x80xi32, #tpu.memory_space<vmem>> -> memref<1x80xi32, #tpu.memory_space<vmem>>
        %dma_wait3A_349 = tpu.memref_squeeze %dma_wait3A_348 : memref<1x80xi32, #tpu.memory_space<vmem>> -> memref<80xi32, #tpu.memory_space<vmem>>
        %dma_wait3A_350 = tpu.memref_slice %arg3[%add3A_136] : memref<320000xi32, #tpu.memory_space<hbm>> -> memref<80xi32, #tpu.memory_space<hbm>>
        tpu.wait_dma2 semaphore(%run_scoped3A_334 : memref<!tpu.dma_semaphore, #tpu.memory_space<semaphore_mem>>) src(%dma_wait3A_350 : memref<80xi32, #tpu.memory_space<hbm>>) dst(%dma_wait3A_349 : memref<80xi32, #tpu.memory_space<vmem>>)
        tpu.yield
      }) : () -> ()
      %dma_start3A_139 = arith.constant 3 : i32
      %dma_start3A_140 = arith.constant 3 : i32
      %dma_start3A_141 = arith.constant 3 : i32
      %dma_start3A_142 = arith.constant 0 : i32
      %dma_start3A_143 = arith.constant 0 : i32
      %dma_start3A_144 = tpu.memref_slice %arg9[%dma_start3A_140, %dma_start3A_142, %dma_start3A_143] : memref<4x80x128xf32, #tpu.memory_space<vmem>> -> memref<1x80x128xf32, #tpu.memory_space<vmem>>
      %dma_start3A_145 = tpu.memref_squeeze %dma_start3A_144 : memref<1x80x128xf32, #tpu.memory_space<vmem>> -> memref<80x128xf32, #tpu.memory_space<vmem>>
      %dma_start3A_146 = arith.constant 0 : i32
      %dma_start3A_147 = tpu.memref_slice %arg7[%dma_start3A_139, %dma_start3A_146] : memref<4x80xi32, #tpu.memory_space<vmem>> -> memref<1x80xi32, #tpu.memory_space<vmem>>
      %dma_start3A_148 = tpu.memref_squeeze %dma_start3A_147 : memref<1x80xi32, #tpu.memory_space<vmem>> -> memref<80xi32, #tpu.memory_space<vmem>>
      %dma_start3A_149 = arith.constant 0 : i32
      %dma_start3A_150 = arith.constant 0 : i32
      %dma_start3A_151 = tpu.memref_slice %arg4[%dma_start3A_149, %dma_start3A_150] : memref<10000x128xf32, #tpu.memory_space<hbm>> -> memref<10000x128xf32, #tpu.memory_space<hbm>>
      %dma_start3A_152 = tpu.memref_slice %arg10[%dma_start3A_141] : memref<4x!tpu.dma_semaphore, #tpu.memory_space<semaphore_mem>> -> memref<1x!tpu.dma_semaphore, #tpu.memory_space<semaphore_mem>>
      %dma_start3A_153 = tpu.memref_squeeze %dma_start3A_152 : memref<1x!tpu.dma_semaphore, #tpu.memory_space<semaphore_mem>> -> memref<!tpu.dma_semaphore, #tpu.memory_space<semaphore_mem>>
      tpu.enqueue_indirect_dma source(%dma_start3A_151 : memref<10000x128xf32, #tpu.memory_space<hbm>>) target(%dma_start3A_145 : memref<80x128xf32, #tpu.memory_space<vmem>>) offsets(%dma_start3A_148 : memref<80xi32, #tpu.memory_space<vmem>>) semaphore(%dma_start3A_153 : memref<!tpu.dma_semaphore, #tpu.memory_space<semaphore_mem>>)
      %dma_wait3A_154 = arith.constant 0 : i32
      %dma_wait3A_155 = arith.constant 0 : i32
      %dma_wait3A_156 = arith.constant 0 : i32
      %dma_wait3A_157 = arith.constant 0 : i32
      %dma_wait3A_158 = arith.constant 0 : i32
      %dma_wait3A_159 = tpu.memref_slice %arg9[%dma_wait3A_155, %dma_wait3A_157, %dma_wait3A_158] : memref<4x80x128xf32, #tpu.memory_space<vmem>> -> memref<1x80x128xf32, #tpu.memory_space<vmem>>
      %dma_wait3A_160 = tpu.memref_squeeze %dma_wait3A_159 : memref<1x80x128xf32, #tpu.memory_space<vmem>> -> memref<80x128xf32, #tpu.memory_space<vmem>>
      %dma_wait3A_161 = arith.constant 0 : i32
      %dma_wait3A_162 = tpu.memref_slice %arg7[%dma_wait3A_154, %dma_wait3A_161] : memref<4x80xi32, #tpu.memory_space<vmem>> -> memref<1x80xi32, #tpu.memory_space<vmem>>
      %dma_wait3A_163 = tpu.memref_squeeze %dma_wait3A_162 : memref<1x80xi32, #tpu.memory_space<vmem>> -> memref<80xi32, #tpu.memory_space<vmem>>
      %dma_wait3A_164 = arith.constant 0 : i32
      %dma_wait3A_165 = arith.constant 0 : i32
      %dma_wait3A_166 = tpu.memref_slice %arg4[%dma_wait3A_164, %dma_wait3A_165] : memref<10000x128xf32, #tpu.memory_space<hbm>> -> memref<10000x128xf32, #tpu.memory_space<hbm>>
      %dma_wait3A_167 = tpu.memref_slice %arg10[%dma_wait3A_156] : memref<4x!tpu.dma_semaphore, #tpu.memory_space<semaphore_mem>> -> memref<1x!tpu.dma_semaphore, #tpu.memory_space<semaphore_mem>>
      %dma_wait3A_168 = tpu.memref_squeeze %dma_wait3A_167 : memref<1x!tpu.dma_semaphore, #tpu.memory_space<semaphore_mem>> -> memref<!tpu.dma_semaphore, #tpu.memory_space<semaphore_mem>>
      tpu.wait_indirect_dma semaphore(%dma_wait3A_168 : memref<!tpu.dma_semaphore, #tpu.memory_space<semaphore_mem>>) src(%dma_wait3A_166 : memref<10000x128xf32, #tpu.memory_space<hbm>>) dst(%dma_wait3A_160 : memref<80x128xf32, #tpu.memory_space<vmem>>)
      %dma_start3A_169 = arith.constant 0 : i32
      %dma_start3A_170 = arith.constant 0 : i32
      %dma_start3A_171 = arith.constant 0 : i32
      %dma_start3A_172 = arith.constant 0 : i32
      %dma_start3A_173 = arith.constant 0 : i32
      %dma_start3A_174 = tpu.memref_slice %arg9[%dma_start3A_169, %dma_start3A_172, %dma_start3A_173] : memref<4x80x128xf32, #tpu.memory_space<vmem>> -> memref<1x80x128xf32, #tpu.memory_space<vmem>>
      %dma_start3A_175 = tpu.memref_squeeze %dma_start3A_174 : memref<1x80x128xf32, #tpu.memory_space<vmem>> -> memref<80x128xf32, #tpu.memory_space<vmem>>
      %dma_start3A_176 = arith.constant 0 : i32
      %dma_start3A_177 = tpu.memref_slice %arg8[%dma_start3A_170, %dma_start3A_176] : memref<4x80xi32, #tpu.memory_space<vmem>> -> memref<1x80xi32, #tpu.memory_space<vmem>>
      %dma_start3A_178 = tpu.memref_squeeze %dma_start3A_177 : memref<1x80xi32, #tpu.memory_space<vmem>> -> memref<80xi32, #tpu.memory_space<vmem>>
      %dma_start3A_179 = arith.constant 0 : i32
      %dma_start3A_180 = arith.constant 0 : i32
      %dma_start3A_181 = tpu.memref_slice %arg12[%dma_start3A_179, %dma_start3A_180] : memref<10240x128xf32, #tpu.memory_space<vmem_shared>> -> memref<10240x128xf32, #tpu.memory_space<vmem_shared>>
      %dma_start3A_182 = tpu.memref_slice %arg11[%dma_start3A_171] : memref<4x!tpu.dma_semaphore, #tpu.memory_space<semaphore_mem>> -> memref<1x!tpu.dma_semaphore, #tpu.memory_space<semaphore_mem>>
      %dma_start3A_183 = tpu.memref_squeeze %dma_start3A_182 : memref<1x!tpu.dma_semaphore, #tpu.memory_space<semaphore_mem>> -> memref<!tpu.dma_semaphore, #tpu.memory_space<semaphore_mem>>
      tpu.enqueue_indirect_dma source(%dma_start3A_175 : memref<80x128xf32, #tpu.memory_space<vmem>>) target(%dma_start3A_181 : memref<10240x128xf32, #tpu.memory_space<vmem_shared>>) offsets(%dma_start3A_178 : memref<80xi32, #tpu.memory_space<vmem>>) semaphore(%dma_start3A_183 : memref<!tpu.dma_semaphore, #tpu.memory_space<semaphore_mem>>) {add = true}
      %dma_wait3A_184 = arith.constant 1 : i32
      %dma_wait3A_185 = arith.constant 1 : i32
      %dma_wait3A_186 = arith.constant 1 : i32
      %dma_wait3A_187 = arith.constant 0 : i32
      %dma_wait3A_188 = arith.constant 0 : i32
      %dma_wait3A_189 = tpu.memref_slice %arg9[%dma_wait3A_185, %dma_wait3A_187, %dma_wait3A_188] : memref<4x80x128xf32, #tpu.memory_space<vmem>> -> memref<1x80x128xf32, #tpu.memory_space<vmem>>
      %dma_wait3A_190 = tpu.memref_squeeze %dma_wait3A_189 : memref<1x80x128xf32, #tpu.memory_space<vmem>> -> memref<80x128xf32, #tpu.memory_space<vmem>>
      %dma_wait3A_191 = arith.constant 0 : i32
      %dma_wait3A_192 = tpu.memref_slice %arg7[%dma_wait3A_184, %dma_wait3A_191] : memref<4x80xi32, #tpu.memory_space<vmem>> -> memref<1x80xi32, #tpu.memory_space<vmem>>
      %dma_wait3A_193 = tpu.memref_squeeze %dma_wait3A_192 : memref<1x80xi32, #tpu.memory_space<vmem>> -> memref<80xi32, #tpu.memory_space<vmem>>
      %dma_wait3A_194 = arith.constant 0 : i32
      %dma_wait3A_195 = arith.constant 0 : i32
      %dma_wait3A_196 = tpu.memref_slice %arg4[%dma_wait3A_194, %dma_wait3A_195] : memref<10000x128xf32, #tpu.memory_space<hbm>> -> memref<10000x128xf32, #tpu.memory_space<hbm>>
      %dma_wait3A_197 = tpu.memref_slice %arg10[%dma_wait3A_186] : memref<4x!tpu.dma_semaphore, #tpu.memory_space<semaphore_mem>> -> memref<1x!tpu.dma_semaphore, #tpu.memory_space<semaphore_mem>>
      %dma_wait3A_198 = tpu.memref_squeeze %dma_wait3A_197 : memref<1x!tpu.dma_semaphore, #tpu.memory_space<semaphore_mem>> -> memref<!tpu.dma_semaphore, #tpu.memory_space<semaphore_mem>>
      tpu.wait_indirect_dma semaphore(%dma_wait3A_198 : memref<!tpu.dma_semaphore, #tpu.memory_space<semaphore_mem>>) src(%dma_wait3A_196 : memref<10000x128xf32, #tpu.memory_space<hbm>>) dst(%dma_wait3A_190 : memref<80x128xf32, #tpu.memory_space<vmem>>)
      %dma_start3A_199 = arith.constant 1 : i32
      %dma_start3A_200 = arith.constant 1 : i32
      %dma_start3A_201 = arith.constant 1 : i32
      %dma_start3A_202 = arith.constant 0 : i32
      %dma_start3A_203 = arith.constant 0 : i32
      %dma_start3A_204 = tpu.memref_slice %arg9[%dma_start3A_199, %dma_start3A_202, %dma_start3A_203] : memref<4x80x128xf32, #tpu.memory_space<vmem>> -> memref<1x80x128xf32, #tpu.memory_space<vmem>>
      %dma_start3A_205 = tpu.memref_squeeze %dma_start3A_204 : memref<1x80x128xf32, #tpu.memory_space<vmem>> -> memref<80x128xf32, #tpu.memory_space<vmem>>
      %dma_start3A_206 = arith.constant 0 : i32
      %dma_start3A_207 = tpu.memref_slice %arg8[%dma_start3A_200, %dma_start3A_206] : memref<4x80xi32, #tpu.memory_space<vmem>> -> memref<1x80xi32, #tpu.memory_space<vmem>>
      %dma_start3A_208 = tpu.memref_squeeze %dma_start3A_207 : memref<1x80xi32, #tpu.memory_space<vmem>> -> memref<80xi32, #tpu.memory_space<vmem>>
      %dma_start3A_209 = arith.constant 0 : i32
      %dma_start3A_210 = arith.constant 0 : i32
      %dma_start3A_211 = tpu.memref_slice %arg12[%dma_start3A_209, %dma_start3A_210] : memref<10240x128xf32, #tpu.memory_space<vmem_shared>> -> memref<10240x128xf32, #tpu.memory_space<vmem_shared>>
      %dma_start3A_212 = tpu.memref_slice %arg11[%dma_start3A_201] : memref<4x!tpu.dma_semaphore, #tpu.memory_space<semaphore_mem>> -> memref<1x!tpu.dma_semaphore, #tpu.memory_space<semaphore_mem>>
      %dma_start3A_213 = tpu.memref_squeeze %dma_start3A_212 : memref<1x!tpu.dma_semaphore, #tpu.memory_space<semaphore_mem>> -> memref<!tpu.dma_semaphore, #tpu.memory_space<semaphore_mem>>
      tpu.enqueue_indirect_dma source(%dma_start3A_205 : memref<80x128xf32, #tpu.memory_space<vmem>>) target(%dma_start3A_211 : memref<10240x128xf32, #tpu.memory_space<vmem_shared>>) offsets(%dma_start3A_208 : memref<80xi32, #tpu.memory_space<vmem>>) semaphore(%dma_start3A_213 : memref<!tpu.dma_semaphore, #tpu.memory_space<semaphore_mem>>) {add = true}
      %dma_wait3A_214 = arith.constant 2 : i32
      %dma_wait3A_215 = arith.constant 2 : i32
      %dma_wait3A_216 = arith.constant 2 : i32
      %dma_wait3A_217 = arith.constant 0 : i32
      %dma_wait3A_218 = arith.constant 0 : i32
      %dma_wait3A_219 = tpu.memref_slice %arg9[%dma_wait3A_215, %dma_wait3A_217, %dma_wait3A_218] : memref<4x80x128xf32, #tpu.memory_space<vmem>> -> memref<1x80x128xf32, #tpu.memory_space<vmem>>
      %dma_wait3A_220 = tpu.memref_squeeze %dma_wait3A_219 : memref<1x80x128xf32, #tpu.memory_space<vmem>> -> memref<80x128xf32, #tpu.memory_space<vmem>>
      %dma_wait3A_221 = arith.constant 0 : i32
      %dma_wait3A_222 = tpu.memref_slice %arg7[%dma_wait3A_214, %dma_wait3A_221] : memref<4x80xi32, #tpu.memory_space<vmem>> -> memref<1x80xi32, #tpu.memory_space<vmem>>
      %dma_wait3A_223 = tpu.memref_squeeze %dma_wait3A_222 : memref<1x80xi32, #tpu.memory_space<vmem>> -> memref<80xi32, #tpu.memory_space<vmem>>
      %dma_wait3A_224 = arith.constant 0 : i32
      %dma_wait3A_225 = arith.constant 0 : i32
      %dma_wait3A_226 = tpu.memref_slice %arg4[%dma_wait3A_224, %dma_wait3A_225] : memref<10000x128xf32, #tpu.memory_space<hbm>> -> memref<10000x128xf32, #tpu.memory_space<hbm>>
      %dma_wait3A_227 = tpu.memref_slice %arg10[%dma_wait3A_216] : memref<4x!tpu.dma_semaphore, #tpu.memory_space<semaphore_mem>> -> memref<1x!tpu.dma_semaphore, #tpu.memory_space<semaphore_mem>>
      %dma_wait3A_228 = tpu.memref_squeeze %dma_wait3A_227 : memref<1x!tpu.dma_semaphore, #tpu.memory_space<semaphore_mem>> -> memref<!tpu.dma_semaphore, #tpu.memory_space<semaphore_mem>>
      tpu.wait_indirect_dma semaphore(%dma_wait3A_228 : memref<!tpu.dma_semaphore, #tpu.memory_space<semaphore_mem>>) src(%dma_wait3A_226 : memref<10000x128xf32, #tpu.memory_space<hbm>>) dst(%dma_wait3A_220 : memref<80x128xf32, #tpu.memory_space<vmem>>)
      %dma_start3A_229 = arith.constant 2 : i32
      %dma_start3A_230 = arith.constant 2 : i32
      %dma_start3A_231 = arith.constant 2 : i32
      %dma_start3A_232 = arith.constant 0 : i32
      %dma_start3A_233 = arith.constant 0 : i32
      %dma_start3A_234 = tpu.memref_slice %arg9[%dma_start3A_229, %dma_start3A_232, %dma_start3A_233] : memref<4x80x128xf32, #tpu.memory_space<vmem>> -> memref<1x80x128xf32, #tpu.memory_space<vmem>>
      %dma_start3A_235 = tpu.memref_squeeze %dma_start3A_234 : memref<1x80x128xf32, #tpu.memory_space<vmem>> -> memref<80x128xf32, #tpu.memory_space<vmem>>
      %dma_start3A_236 = arith.constant 0 : i32
      %dma_start3A_237 = tpu.memref_slice %arg8[%dma_start3A_230, %dma_start3A_236] : memref<4x80xi32, #tpu.memory_space<vmem>> -> memref<1x80xi32, #tpu.memory_space<vmem>>
      %dma_start3A_238 = tpu.memref_squeeze %dma_start3A_237 : memref<1x80xi32, #tpu.memory_space<vmem>> -> memref<80xi32, #tpu.memory_space<vmem>>
      %dma_start3A_239 = arith.constant 0 : i32
      %dma_start3A_240 = arith.constant 0 : i32
      %dma_start3A_241 = tpu.memref_slice %arg12[%dma_start3A_239, %dma_start3A_240] : memref<10240x128xf32, #tpu.memory_space<vmem_shared>> -> memref<10240x128xf32, #tpu.memory_space<vmem_shared>>
      %dma_start3A_242 = tpu.memref_slice %arg11[%dma_start3A_231] : memref<4x!tpu.dma_semaphore, #tpu.memory_space<semaphore_mem>> -> memref<1x!tpu.dma_semaphore, #tpu.memory_space<semaphore_mem>>
      %dma_start3A_243 = tpu.memref_squeeze %dma_start3A_242 : memref<1x!tpu.dma_semaphore, #tpu.memory_space<semaphore_mem>> -> memref<!tpu.dma_semaphore, #tpu.memory_space<semaphore_mem>>
      tpu.enqueue_indirect_dma source(%dma_start3A_235 : memref<80x128xf32, #tpu.memory_space<vmem>>) target(%dma_start3A_241 : memref<10240x128xf32, #tpu.memory_space<vmem_shared>>) offsets(%dma_start3A_238 : memref<80xi32, #tpu.memory_space<vmem>>) semaphore(%dma_start3A_243 : memref<!tpu.dma_semaphore, #tpu.memory_space<semaphore_mem>>) {add = true}
      %dma_wait3A_244 = arith.constant 3 : i32
      %dma_wait3A_245 = arith.constant 3 : i32
      %dma_wait3A_246 = arith.constant 3 : i32
      %dma_wait3A_247 = arith.constant 0 : i32
      %dma_wait3A_248 = arith.constant 0 : i32
      %dma_wait3A_249 = tpu.memref_slice %arg9[%dma_wait3A_245, %dma_wait3A_247, %dma_wait3A_248] : memref<4x80x128xf32, #tpu.memory_space<vmem>> -> memref<1x80x128xf32, #tpu.memory_space<vmem>>
      %dma_wait3A_250 = tpu.memref_squeeze %dma_wait3A_249 : memref<1x80x128xf32, #tpu.memory_space<vmem>> -> memref<80x128xf32, #tpu.memory_space<vmem>>
      %dma_wait3A_251 = arith.constant 0 : i32
      %dma_wait3A_252 = tpu.memref_slice %arg7[%dma_wait3A_244, %dma_wait3A_251] : memref<4x80xi32, #tpu.memory_space<vmem>> -> memref<1x80xi32, #tpu.memory_space<vmem>>
      %dma_wait3A_253 = tpu.memref_squeeze %dma_wait3A_252 : memref<1x80xi32, #tpu.memory_space<vmem>> -> memref<80xi32, #tpu.memory_space<vmem>>
      %dma_wait3A_254 = arith.constant 0 : i32
      %dma_wait3A_255 = arith.constant 0 : i32
      %dma_wait3A_256 = tpu.memref_slice %arg4[%dma_wait3A_254, %dma_wait3A_255] : memref<10000x128xf32, #tpu.memory_space<hbm>> -> memref<10000x128xf32, #tpu.memory_space<hbm>>
      %dma_wait3A_257 = tpu.memref_slice %arg10[%dma_wait3A_246] : memref<4x!tpu.dma_semaphore, #tpu.memory_space<semaphore_mem>> -> memref<1x!tpu.dma_semaphore, #tpu.memory_space<semaphore_mem>>
      %dma_wait3A_258 = tpu.memref_squeeze %dma_wait3A_257 : memref<1x!tpu.dma_semaphore, #tpu.memory_space<semaphore_mem>> -> memref<!tpu.dma_semaphore, #tpu.memory_space<semaphore_mem>>
      tpu.wait_indirect_dma semaphore(%dma_wait3A_258 : memref<!tpu.dma_semaphore, #tpu.memory_space<semaphore_mem>>) src(%dma_wait3A_256 : memref<10000x128xf32, #tpu.memory_space<hbm>>) dst(%dma_wait3A_250 : memref<80x128xf32, #tpu.memory_space<vmem>>)
      %dma_start3A_259 = arith.constant 3 : i32
      %dma_start3A_260 = arith.constant 3 : i32
      %dma_start3A_261 = arith.constant 3 : i32
      %dma_start3A_262 = arith.constant 0 : i32
      %dma_start3A_263 = arith.constant 0 : i32
      %dma_start3A_264 = tpu.memref_slice %arg9[%dma_start3A_259, %dma_start3A_262, %dma_start3A_263] : memref<4x80x128xf32, #tpu.memory_space<vmem>> -> memref<1x80x128xf32, #tpu.memory_space<vmem>>
      %dma_start3A_265 = tpu.memref_squeeze %dma_start3A_264 : memref<1x80x128xf32, #tpu.memory_space<vmem>> -> memref<80x128xf32, #tpu.memory_space<vmem>>
      %dma_start3A_266 = arith.constant 0 : i32
      %dma_start3A_267 = tpu.memref_slice %arg8[%dma_start3A_260, %dma_start3A_266] : memref<4x80xi32, #tpu.memory_space<vmem>> -> memref<1x80xi32, #tpu.memory_space<vmem>>
      %dma_start3A_268 = tpu.memref_squeeze %dma_start3A_267 : memref<1x80xi32, #tpu.memory_space<vmem>> -> memref<80xi32, #tpu.memory_space<vmem>>
      %dma_start3A_269 = arith.constant 0 : i32
      %dma_start3A_270 = arith.constant 0 : i32
      %dma_start3A_271 = tpu.memref_slice %arg12[%dma_start3A_269, %dma_start3A_270] : memref<10240x128xf32, #tpu.memory_space<vmem_shared>> -> memref<10240x128xf32, #tpu.memory_space<vmem_shared>>
      %dma_start3A_272 = tpu.memref_slice %arg11[%dma_start3A_261] : memref<4x!tpu.dma_semaphore, #tpu.memory_space<semaphore_mem>> -> memref<1x!tpu.dma_semaphore, #tpu.memory_space<semaphore_mem>>
      %dma_start3A_273 = tpu.memref_squeeze %dma_start3A_272 : memref<1x!tpu.dma_semaphore, #tpu.memory_space<semaphore_mem>> -> memref<!tpu.dma_semaphore, #tpu.memory_space<semaphore_mem>>
      tpu.enqueue_indirect_dma source(%dma_start3A_265 : memref<80x128xf32, #tpu.memory_space<vmem>>) target(%dma_start3A_271 : memref<10240x128xf32, #tpu.memory_space<vmem_shared>>) offsets(%dma_start3A_268 : memref<80xi32, #tpu.memory_space<vmem>>) semaphore(%dma_start3A_273 : memref<!tpu.dma_semaphore, #tpu.memory_space<semaphore_mem>>) {add = true}
      %dma_wait3A_274 = arith.constant 0 : i32
      %dma_wait3A_275 = arith.constant 0 : i32
      %dma_wait3A_276 = arith.constant 0 : i32
      %dma_wait3A_277 = arith.constant 0 : i32
      %dma_wait3A_278 = arith.constant 0 : i32
      %dma_wait3A_279 = tpu.memref_slice %arg9[%dma_wait3A_274, %dma_wait3A_277, %dma_wait3A_278] : memref<4x80x128xf32, #tpu.memory_space<vmem>> -> memref<1x80x128xf32, #tpu.memory_space<vmem>>
      %dma_wait3A_280 = tpu.memref_squeeze %dma_wait3A_279 : memref<1x80x128xf32, #tpu.memory_space<vmem>> -> memref<80x128xf32, #tpu.memory_space<vmem>>
      %dma_wait3A_281 = arith.constant 0 : i32
      %dma_wait3A_282 = tpu.memref_slice %arg8[%dma_wait3A_275, %dma_wait3A_281] : memref<4x80xi32, #tpu.memory_space<vmem>> -> memref<1x80xi32, #tpu.memory_space<vmem>>
      %dma_wait3A_283 = tpu.memref_squeeze %dma_wait3A_282 : memref<1x80xi32, #tpu.memory_space<vmem>> -> memref<80xi32, #tpu.memory_space<vmem>>
      %dma_wait3A_284 = arith.constant 0 : i32
      %dma_wait3A_285 = arith.constant 0 : i32
      %dma_wait3A_286 = tpu.memref_slice %arg12[%dma_wait3A_284, %dma_wait3A_285] : memref<10240x128xf32, #tpu.memory_space<vmem_shared>> -> memref<10240x128xf32, #tpu.memory_space<vmem_shared>>
      %dma_wait3A_287 = tpu.memref_slice %arg11[%dma_wait3A_276] : memref<4x!tpu.dma_semaphore, #tpu.memory_space<semaphore_mem>> -> memref<1x!tpu.dma_semaphore, #tpu.memory_space<semaphore_mem>>
      %dma_wait3A_288 = tpu.memref_squeeze %dma_wait3A_287 : memref<1x!tpu.dma_semaphore, #tpu.memory_space<semaphore_mem>> -> memref<!tpu.dma_semaphore, #tpu.memory_space<semaphore_mem>>
      tpu.wait_indirect_dma semaphore(%dma_wait3A_288 : memref<!tpu.dma_semaphore, #tpu.memory_space<semaphore_mem>>) src(%dma_wait3A_280 : memref<80x128xf32, #tpu.memory_space<vmem>>) dst(%dma_wait3A_286 : memref<10240x128xf32, #tpu.memory_space<vmem_shared>>)
      %dma_wait3A_289 = arith.constant 1 : i32
      %dma_wait3A_290 = arith.constant 1 : i32
      %dma_wait3A_291 = arith.constant 1 : i32
      %dma_wait3A_292 = arith.constant 0 : i32
      %dma_wait3A_293 = arith.constant 0 : i32
      %dma_wait3A_294 = tpu.memref_slice %arg9[%dma_wait3A_289, %dma_wait3A_292, %dma_wait3A_293] : memref<4x80x128xf32, #tpu.memory_space<vmem>> -> memref<1x80x128xf32, #tpu.memory_space<vmem>>
      %dma_wait3A_295 = tpu.memref_squeeze %dma_wait3A_294 : memref<1x80x128xf32, #tpu.memory_space<vmem>> -> memref<80x128xf32, #tpu.memory_space<vmem>>
      %dma_wait3A_296 = arith.constant 0 : i32
      %dma_wait3A_297 = tpu.memref_slice %arg8[%dma_wait3A_290, %dma_wait3A_296] : memref<4x80xi32, #tpu.memory_space<vmem>> -> memref<1x80xi32, #tpu.memory_space<vmem>>
      %dma_wait3A_298 = tpu.memref_squeeze %dma_wait3A_297 : memref<1x80xi32, #tpu.memory_space<vmem>> -> memref<80xi32, #tpu.memory_space<vmem>>
      %dma_wait3A_299 = arith.constant 0 : i32
      %dma_wait3A_300 = arith.constant 0 : i32
      %dma_wait3A_301 = tpu.memref_slice %arg12[%dma_wait3A_299, %dma_wait3A_300] : memref<10240x128xf32, #tpu.memory_space<vmem_shared>> -> memref<10240x128xf32, #tpu.memory_space<vmem_shared>>
      %dma_wait3A_302 = tpu.memref_slice %arg11[%dma_wait3A_291] : memref<4x!tpu.dma_semaphore, #tpu.memory_space<semaphore_mem>> -> memref<1x!tpu.dma_semaphore, #tpu.memory_space<semaphore_mem>>
      %dma_wait3A_303 = tpu.memref_squeeze %dma_wait3A_302 : memref<1x!tpu.dma_semaphore, #tpu.memory_space<semaphore_mem>> -> memref<!tpu.dma_semaphore, #tpu.memory_space<semaphore_mem>>
      tpu.wait_indirect_dma semaphore(%dma_wait3A_303 : memref<!tpu.dma_semaphore, #tpu.memory_space<semaphore_mem>>) src(%dma_wait3A_295 : memref<80x128xf32, #tpu.memory_space<vmem>>) dst(%dma_wait3A_301 : memref<10240x128xf32, #tpu.memory_space<vmem_shared>>)
      %dma_wait3A_304 = arith.constant 2 : i32
      %dma_wait3A_305 = arith.constant 2 : i32
      %dma_wait3A_306 = arith.constant 2 : i32
      %dma_wait3A_307 = arith.constant 0 : i32
      %dma_wait3A_308 = arith.constant 0 : i32
      %dma_wait3A_309 = tpu.memref_slice %arg9[%dma_wait3A_304, %dma_wait3A_307, %dma_wait3A_308] : memref<4x80x128xf32, #tpu.memory_space<vmem>> -> memref<1x80x128xf32, #tpu.memory_space<vmem>>
      %dma_wait3A_310 = tpu.memref_squeeze %dma_wait3A_309 : memref<1x80x128xf32, #tpu.memory_space<vmem>> -> memref<80x128xf32, #tpu.memory_space<vmem>>
      %dma_wait3A_311 = arith.constant 0 : i32
      %dma_wait3A_312 = tpu.memref_slice %arg8[%dma_wait3A_305, %dma_wait3A_311] : memref<4x80xi32, #tpu.memory_space<vmem>> -> memref<1x80xi32, #tpu.memory_space<vmem>>
      %dma_wait3A_313 = tpu.memref_squeeze %dma_wait3A_312 : memref<1x80xi32, #tpu.memory_space<vmem>> -> memref<80xi32, #tpu.memory_space<vmem>>
      %dma_wait3A_314 = arith.constant 0 : i32
      %dma_wait3A_315 = arith.constant 0 : i32
      %dma_wait3A_316 = tpu.memref_slice %arg12[%dma_wait3A_314, %dma_wait3A_315] : memref<10240x128xf32, #tpu.memory_space<vmem_shared>> -> memref<10240x128xf32, #tpu.memory_space<vmem_shared>>
      %dma_wait3A_317 = tpu.memref_slice %arg11[%dma_wait3A_306] : memref<4x!tpu.dma_semaphore, #tpu.memory_space<semaphore_mem>> -> memref<1x!tpu.dma_semaphore, #tpu.memory_space<semaphore_mem>>
      %dma_wait3A_318 = tpu.memref_squeeze %dma_wait3A_317 : memref<1x!tpu.dma_semaphore, #tpu.memory_space<semaphore_mem>> -> memref<!tpu.dma_semaphore, #tpu.memory_space<semaphore_mem>>
      tpu.wait_indirect_dma semaphore(%dma_wait3A_318 : memref<!tpu.dma_semaphore, #tpu.memory_space<semaphore_mem>>) src(%dma_wait3A_310 : memref<80x128xf32, #tpu.memory_space<vmem>>) dst(%dma_wait3A_316 : memref<10240x128xf32, #tpu.memory_space<vmem_shared>>)
      %dma_wait3A_319 = arith.constant 3 : i32
      %dma_wait3A_320 = arith.constant 3 : i32
      %dma_wait3A_321 = arith.constant 3 : i32
      %dma_wait3A_322 = arith.constant 0 : i32
      %dma_wait3A_323 = arith.constant 0 : i32
      %dma_wait3A_324 = tpu.memref_slice %arg9[%dma_wait3A_319, %dma_wait3A_322, %dma_wait3A_323] : memref<4x80x128xf32, #tpu.memory_space<vmem>> -> memref<1x80x128xf32, #tpu.memory_space<vmem>>
      %dma_wait3A_325 = tpu.memref_squeeze %dma_wait3A_324 : memref<1x80x128xf32, #tpu.memory_space<vmem>> -> memref<80x128xf32, #tpu.memory_space<vmem>>
      %dma_wait3A_326 = arith.constant 0 : i32
      %dma_wait3A_327 = tpu.memref_slice %arg8[%dma_wait3A_320, %dma_wait3A_326] : memref<4x80xi32, #tpu.memory_space<vmem>> -> memref<1x80xi32, #tpu.memory_space<vmem>>
      %dma_wait3A_328 = tpu.memref_squeeze %dma_wait3A_327 : memref<1x80xi32, #tpu.memory_space<vmem>> -> memref<80xi32, #tpu.memory_space<vmem>>
      %dma_wait3A_329 = arith.constant 0 : i32
      %dma_wait3A_330 = arith.constant 0 : i32
      %dma_wait3A_331 = tpu.memref_slice %arg12[%dma_wait3A_329, %dma_wait3A_330] : memref<10240x128xf32, #tpu.memory_space<vmem_shared>> -> memref<10240x128xf32, #tpu.memory_space<vmem_shared>>
      %dma_wait3A_332 = tpu.memref_slice %arg11[%dma_wait3A_321] : memref<4x!tpu.dma_semaphore, #tpu.memory_space<semaphore_mem>> -> memref<1x!tpu.dma_semaphore, #tpu.memory_space<semaphore_mem>>
      %dma_wait3A_333 = tpu.memref_squeeze %dma_wait3A_332 : memref<1x!tpu.dma_semaphore, #tpu.memory_space<semaphore_mem>> -> memref<!tpu.dma_semaphore, #tpu.memory_space<semaphore_mem>>
      tpu.wait_indirect_dma semaphore(%dma_wait3A_333 : memref<!tpu.dma_semaphore, #tpu.memory_space<semaphore_mem>>) src(%dma_wait3A_325 : memref<80x128xf32, #tpu.memory_space<vmem>>) dst(%dma_wait3A_331 : memref<10240x128xf32, #tpu.memory_space<vmem_shared>>)
    }
    %scan3A_68 = arith.constant 31 : i32
    %barrier3A_69 = arith.constant 0 : index
    tpu.barrier barrier_id(%barrier3A_69)
    "tpu.region"() ({
      %run_scoped3A_70 = tpu.sem_alloc : memref<!tpu.dma_semaphore, #tpu.memory_space<semaphore_mem>>
      %dma_start3A_71 = arith.constant 0 : i32
      %dma_start3A_72 = tpu.memref_slice %arg6[%arg0, %mul3A_2, %dma_start3A_71] : memref<2x10240x128xf32, #tpu.memory_space<hbm>> -> memref<1x640x128xf32, #tpu.memory_space<hbm>>
      %dma_start3A_73 = tpu.memref_squeeze %dma_start3A_72 : memref<1x640x128xf32, #tpu.memory_space<hbm>> -> memref<640x128xf32, #tpu.memory_space<hbm>>
      %dma_start3A_74 = arith.constant 0 : i32
      %dma_start3A_75 = tpu.memref_slice %arg12[%mul3A_2, %dma_start3A_74] : memref<10240x128xf32, #tpu.memory_space<vmem_shared>> -> memref<640x128xf32, #tpu.memory_space<vmem_shared>>
      tpu.enqueue_dma source(%dma_start3A_75 : memref<640x128xf32, #tpu.memory_space<vmem_shared>>) target(%dma_start3A_73 : memref<640x128xf32, #tpu.memory_space<hbm>>) target_semaphore(%run_scoped3A_70 : memref<!tpu.dma_semaphore, #tpu.memory_space<semaphore_mem>>)
      %dma_wait3A_76 = arith.constant 0 : i32
      %dma_wait3A_77 = tpu.memref_slice %arg6[%arg0, %mul3A_2, %dma_wait3A_76] : memref<2x10240x128xf32, #tpu.memory_space<hbm>> -> memref<1x640x128xf32, #tpu.memory_space<hbm>>
      %dma_wait3A_78 = tpu.memref_squeeze %dma_wait3A_77 : memref<1x640x128xf32, #tpu.memory_space<hbm>> -> memref<640x128xf32, #tpu.memory_space<hbm>>
      %dma_wait3A_79 = arith.constant 0 : i32
      %dma_wait3A_80 = tpu.memref_slice %arg12[%mul3A_2, %dma_wait3A_79] : memref<10240x128xf32, #tpu.memory_space<vmem_shared>> -> memref<640x128xf32, #tpu.memory_space<vmem_shared>>
      tpu.wait_dma2 semaphore(%run_scoped3A_70 : memref<!tpu.dma_semaphore, #tpu.memory_space<semaphore_mem>>) src(%dma_wait3A_80 : memref<640x128xf32, #tpu.memory_space<vmem_shared>>) dst(%dma_wait3A_78 : memref<640x128xf32, #tpu.memory_space<hbm>>)
      tpu.yield
    }) : () -> ()
    return
  }
}

module attributes {stable_mosaic.version = 14 : i64} {
  func.func @_tc_body0(%arg0: i32, %arg1: memref<2000x128xf32, #tpu.memory_space<vmem>>, %arg2: memref<2000x128xf32, #tpu.memory_space<vmem>>, %arg3: memref<2000x128xf32, #tpu.memory_space<vmem>>, %arg4: memref<2000x128xf32, #tpu.memory_space<vmem>>, %arg5: memref<2000x128xf32, #tpu.memory_space<vmem>>, %arg6: memref<128x128xf32, #tpu.memory_space<vmem>>, %arg7: memref<128x128xf32, #tpu.memory_space<vmem>>, %arg8: memref<1x128xf32, #tpu.memory_space<vmem>>, %arg9: memref<2000x128xf32, #tpu.memory_space<vmem>>, %arg10: memref<2000x16xf32, #tpu.memory_space<vmem>>) attributes {dimension_semantics = [#tpu.dimension_semantics<arbitrary>], iteration_bounds = array<i64: 5>, scalar_prefetch = 0 : i64, scratch_operands = 0 : i64, tpu.core_type = #tpu.core_type<tc>, window_params = [{transform_indices = @transform_0, window_bounds = array<i64: 2000, 128>}, {transform_indices = @transform_1, window_bounds = array<i64: 2000, 128>}, {transform_indices = @transform_2, window_bounds = array<i64: 2000, 128>}, {transform_indices = @transform_3, window_bounds = array<i64: 2000, 128>}, {transform_indices = @transform_4, window_bounds = array<i64: 2000, 128>}, {pipeline_mode = #tpu.pipeline_mode<synchronous>, transform_indices = @transform_5, window_bounds = array<i64: 128, 128>}, {pipeline_mode = #tpu.pipeline_mode<synchronous>, transform_indices = @transform_6, window_bounds = array<i64: 128, 128>}, {pipeline_mode = #tpu.pipeline_mode<synchronous>, transform_indices = @transform_7, window_bounds = array<i64: 1, 128>}, {transform_indices = @transform_8, window_bounds = array<i64: 2000, 128>}, {transform_indices = @transform_9, window_bounds = array<i64: 2000, 16>}]} {
    %get3A = arith.constant 0 : index
    %get3A_0 = arith.constant 0 : index
    %get3A_1 = vector.load %arg2[%get3A, %get3A_0] : memref<2000x128xf32, #tpu.memory_space<vmem>>, vector<2000x128xf32>
    %get3A_2 = arith.constant 0 : index
    %get3A_3 = arith.constant 0 : index
    %get3A_4 = vector.load %arg3[%get3A_2, %get3A_3] : memref<2000x128xf32, #tpu.memory_space<vmem>>, vector<2000x128xf32>
    %add3A = arith.addf %get3A_1, %get3A_4 : vector<2000x128xf32>
    %get3A_5 = arith.constant 0 : index
    %get3A_6 = arith.constant 0 : index
    %get3A_7 = vector.load %arg4[%get3A_5, %get3A_6] : memref<2000x128xf32, #tpu.memory_space<vmem>>, vector<2000x1xf32>
    %get3A_8 = arith.constant 0 : index
    %get3A_9 = arith.constant 0 : index
    %get3A_10 = vector.load %arg5[%get3A_8, %get3A_9] : memref<2000x128xf32, #tpu.memory_space<vmem>>, vector<2000x1xf32>
    %add3A_11 = arith.addf %get3A_7, %get3A_10 : vector<2000x1xf32>
    %max3A = arith.constant 1.000000e+00 : f32
    %max3A_12 = vector.broadcast %max3A : f32 to vector<2000x1xf32>
    %max3A_13 = arith.maximumf %add3A_11, %max3A_12 : vector<2000x1xf32>
    %div3A = arith.constant 1.000000e+00 : f32
    %div3A_14 = vector.broadcast %div3A : f32 to vector<2000x1xf32>
    %div3A_15 = arith.divf %div3A_14, %max3A_13 : vector<2000x1xf32>
    %mul3A = vector.broadcast %div3A_15 : vector<2000x1xf32> to vector<2000x128xf32>
    %mul3A_16 = arith.mulf %add3A, %mul3A : vector<2000x128xf32>
    %get3A_17 = arith.constant 0 : index
    %get3A_18 = arith.constant 0 : index
    %get3A_19 = vector.load %arg1[%get3A_17, %get3A_18] : memref<2000x128xf32, #tpu.memory_space<vmem>>, vector<2000x128xf32>
    %get3A_20 = arith.constant 0 : index
    %get3A_21 = arith.constant 0 : index
    %get3A_22 = vector.load %arg6[%get3A_20, %get3A_21] : memref<128x128xf32, #tpu.memory_space<vmem>>, vector<128x128xf32>
    %dot_general3A = arith.constant dense<0.000000e+00> : vector<2000x128xf32>
    %dot_general3A_23 = tpu.matmul %get3A_19, %get3A_22, %dot_general3A {dimension_numbers = #tpu.dot_dimension_numbers<[1], [0], [0], [1], [0, 0, 1, 1], [], []>, transpose_lhs_hint = false} : vector<2000x128xf32>, vector<128x128xf32>, vector<2000x128xf32> -> vector<2000x128xf32>
    %get3A_24 = arith.constant 0 : index
    %get3A_25 = arith.constant 0 : index
    %get3A_26 = vector.load %arg7[%get3A_24, %get3A_25] : memref<128x128xf32, #tpu.memory_space<vmem>>, vector<128x128xf32>
    %dot_general3A_27 = arith.constant dense<0.000000e+00> : vector<2000x128xf32>
    %dot_general3A_28 = tpu.matmul %mul3A_16, %get3A_26, %dot_general3A_27 {dimension_numbers = #tpu.dot_dimension_numbers<[1], [0], [0], [1], [0, 0, 1, 1], [], []>, transpose_lhs_hint = false} : vector<2000x128xf32>, vector<128x128xf32>, vector<2000x128xf32> -> vector<2000x128xf32>
    %add3A_29 = arith.addf %dot_general3A_23, %dot_general3A_28 : vector<2000x128xf32>
    %get3A_30 = arith.constant 0 : index
    %get3A_31 = arith.constant 0 : index
    %get3A_32 = vector.load %arg8[%get3A_30, %get3A_31] : memref<1x128xf32, #tpu.memory_space<vmem>>, vector<1x128xf32>
    %add3A_33 = vector.broadcast %get3A_32 : vector<1x128xf32> to vector<2000x128xf32>
    %add3A_34 = arith.addf %add3A_29, %add3A_33 : vector<2000x128xf32>
    %max3A_35 = arith.constant 0.000000e+00 : f32
    %max3A_36 = vector.broadcast %max3A_35 : f32 to vector<2000x128xf32>
    %max3A_37 = arith.maximumf %add3A_34, %max3A_36 : vector<2000x128xf32>
    %swap3A = arith.constant 0 : index
    %swap3A_38 = arith.constant 0 : index
    %swap3A_39 = vector.load %arg9[%swap3A, %swap3A_38] : memref<2000x128xf32, #tpu.memory_space<vmem>>, vector<2000x128xf32>
    tpu.vector_store %arg9[%swap3A, %swap3A_38], %max3A_37 {strides = array<i32>} : memref<2000x128xf32, #tpu.memory_space<vmem>>, vector<2000x128xf32>,
    %broadcast_in_dim3A = vector.shape_cast %div3A_15 : vector<2000x1xf32> to vector<2000x1xf32>
    %broadcast_in_dim3A_40 = vector.broadcast %broadcast_in_dim3A : vector<2000x1xf32> to vector<2000x16xf32>
    %swap3A_41 = arith.constant 0 : index
    %swap3A_42 = arith.constant 0 : index
    %swap3A_43 = vector.load %arg10[%swap3A_41, %swap3A_42] : memref<2000x16xf32, #tpu.memory_space<vmem>>, vector<2000x16xf32>
    tpu.vector_store %arg10[%swap3A_41, %swap3A_42], %broadcast_in_dim3A_40 {strides = array<i32>} : memref<2000x16xf32, #tpu.memory_space<vmem>>, vector<2000x16xf32>,
    return
  }
  func.func @transform_0(%arg0: i32) -> (i32, i32) {
    %c0_i32 = arith.constant 0 : i32
    %c0_i32_0 = arith.constant 0 : i32
    return %arg0, %c0_i32 : i32, i32
  }
  func.func @transform_1(%arg0: i32) -> (i32, i32) {
    %c0_i32 = arith.constant 0 : i32
    %c0_i32_0 = arith.constant 0 : i32
    return %arg0, %c0_i32 : i32, i32
  }
  func.func @transform_2(%arg0: i32) -> (i32, i32) {
    %c0_i32 = arith.constant 0 : i32
    %c0_i32_0 = arith.constant 0 : i32
    return %arg0, %c0_i32 : i32, i32
  }
  func.func @transform_3(%arg0: i32) -> (i32, i32) {
    %c0_i32 = arith.constant 0 : i32
    %c0_i32_0 = arith.constant 0 : i32
    return %arg0, %c0_i32 : i32, i32
  }
  func.func @transform_4(%arg0: i32) -> (i32, i32) {
    %c0_i32 = arith.constant 0 : i32
    %c0_i32_0 = arith.constant 0 : i32
    return %arg0, %c0_i32 : i32, i32
  }
  func.func @transform_5(%arg0: i32) -> (i32, i32) {
    %c0_i32 = arith.constant 0 : i32
    %c0_i32_0 = arith.constant 0 : i32
    %c0_i32_1 = arith.constant 0 : i32
    return %c0_i32, %c0_i32_0 : i32, i32
  }
  func.func @transform_6(%arg0: i32) -> (i32, i32) {
    %c0_i32 = arith.constant 0 : i32
    %c0_i32_0 = arith.constant 0 : i32
    %c0_i32_1 = arith.constant 0 : i32
    return %c0_i32, %c0_i32_0 : i32, i32
  }
  func.func @transform_7(%arg0: i32) -> (i32, i32) {
    %c0_i32 = arith.constant 0 : i32
    %c0_i32_0 = arith.constant 0 : i32
    %c0_i32_1 = arith.constant 0 : i32
    return %c0_i32, %c0_i32_0 : i32, i32
  }
  func.func @transform_8(%arg0: i32) -> (i32, i32) {
    %c0_i32 = arith.constant 0 : i32
    %c0_i32_0 = arith.constant 0 : i32
    return %arg0, %c0_i32 : i32, i32
  }
  func.func @transform_9(%arg0: i32) -> (i32, i32) {
    %c0_i32 = arith.constant 0 : i32
    %c0_i32_0 = arith.constant 0 : i32
    return %arg0, %c0_i32 : i32, i32
  }
}

module attributes {stable_mosaic.version = 14 : i64} {
  func.func @_tc_body1(%arg0: i32, %arg1: memref<2000x128xf32, #tpu.memory_space<vmem>>, %arg2: memref<2000x128xf32, #tpu.memory_space<vmem>>, %arg3: memref<2000x128xf32, #tpu.memory_space<vmem>>, %arg4: memref<2000x16xf32, #tpu.memory_space<vmem>>, %arg5: memref<128x128xf32, #tpu.memory_space<vmem>>, %arg6: memref<128x128xf32, #tpu.memory_space<vmem>>, %arg7: memref<1x128xf32, #tpu.memory_space<vmem>>, %arg8: memref<2000x128xf32, #tpu.memory_space<vmem>>) attributes {dimension_semantics = [#tpu.dimension_semantics<arbitrary>], iteration_bounds = array<i64: 5>, scalar_prefetch = 0 : i64, scratch_operands = 0 : i64, tpu.core_type = #tpu.core_type<tc>, window_params = [{transform_indices = @transform_0, window_bounds = array<i64: 2000, 128>}, {transform_indices = @transform_1, window_bounds = array<i64: 2000, 128>}, {transform_indices = @transform_2, window_bounds = array<i64: 2000, 128>}, {transform_indices = @transform_3, window_bounds = array<i64: 2000, 16>}, {pipeline_mode = #tpu.pipeline_mode<synchronous>, transform_indices = @transform_4, window_bounds = array<i64: 128, 128>}, {pipeline_mode = #tpu.pipeline_mode<synchronous>, transform_indices = @transform_5, window_bounds = array<i64: 128, 128>}, {pipeline_mode = #tpu.pipeline_mode<synchronous>, transform_indices = @transform_6, window_bounds = array<i64: 1, 128>}, {transform_indices = @transform_7, window_bounds = array<i64: 2000, 128>}]} {
    %get3A = arith.constant 0 : index
    %get3A_0 = arith.constant 0 : index
    %get3A_1 = vector.load %arg2[%get3A, %get3A_0] : memref<2000x128xf32, #tpu.memory_space<vmem>>, vector<2000x128xf32>
    %get3A_2 = arith.constant 0 : index
    %get3A_3 = arith.constant 0 : index
    %get3A_4 = vector.load %arg3[%get3A_2, %get3A_3] : memref<2000x128xf32, #tpu.memory_space<vmem>>, vector<2000x128xf32>
    %add3A = arith.addf %get3A_1, %get3A_4 : vector<2000x128xf32>
    %get3A_5 = arith.constant 0 : index
    %get3A_6 = arith.constant 0 : index
    %get3A_7 = vector.load %arg4[%get3A_5, %get3A_6] : memref<2000x16xf32, #tpu.memory_space<vmem>>, vector<2000x1xf32>
    %mul3A = vector.broadcast %get3A_7 : vector<2000x1xf32> to vector<2000x128xf32>
    %mul3A_8 = arith.mulf %add3A, %mul3A : vector<2000x128xf32>
    %get3A_9 = arith.constant 0 : index
    %get3A_10 = arith.constant 0 : index
    %get3A_11 = vector.load %arg1[%get3A_9, %get3A_10] : memref<2000x128xf32, #tpu.memory_space<vmem>>, vector<2000x128xf32>
    %get3A_12 = arith.constant 0 : index
    %get3A_13 = arith.constant 0 : index
    %get3A_14 = vector.load %arg5[%get3A_12, %get3A_13] : memref<128x128xf32, #tpu.memory_space<vmem>>, vector<128x128xf32>
    %dot_general3A = arith.constant dense<0.000000e+00> : vector<2000x128xf32>
    %dot_general3A_15 = tpu.matmul %get3A_11, %get3A_14, %dot_general3A {dimension_numbers = #tpu.dot_dimension_numbers<[1], [0], [0], [1], [0, 0, 1, 1], [], []>, transpose_lhs_hint = false} : vector<2000x128xf32>, vector<128x128xf32>, vector<2000x128xf32> -> vector<2000x128xf32>
    %get3A_16 = arith.constant 0 : index
    %get3A_17 = arith.constant 0 : index
    %get3A_18 = vector.load %arg6[%get3A_16, %get3A_17] : memref<128x128xf32, #tpu.memory_space<vmem>>, vector<128x128xf32>
    %dot_general3A_19 = arith.constant dense<0.000000e+00> : vector<2000x128xf32>
    %dot_general3A_20 = tpu.matmul %mul3A_8, %get3A_18, %dot_general3A_19 {dimension_numbers = #tpu.dot_dimension_numbers<[1], [0], [0], [1], [0, 0, 1, 1], [], []>, transpose_lhs_hint = false} : vector<2000x128xf32>, vector<128x128xf32>, vector<2000x128xf32> -> vector<2000x128xf32>
    %add3A_21 = arith.addf %dot_general3A_15, %dot_general3A_20 : vector<2000x128xf32>
    %get3A_22 = arith.constant 0 : index
    %get3A_23 = arith.constant 0 : index
    %get3A_24 = vector.load %arg7[%get3A_22, %get3A_23] : memref<1x128xf32, #tpu.memory_space<vmem>>, vector<1x128xf32>
    %add3A_25 = vector.broadcast %get3A_24 : vector<1x128xf32> to vector<2000x128xf32>
    %add3A_26 = arith.addf %add3A_21, %add3A_25 : vector<2000x128xf32>
    %max3A = arith.constant 0.000000e+00 : f32
    %max3A_27 = vector.broadcast %max3A : f32 to vector<2000x128xf32>
    %max3A_28 = arith.maximumf %add3A_26, %max3A_27 : vector<2000x128xf32>
    %swap3A = arith.constant 0 : index
    %swap3A_29 = arith.constant 0 : index
    %swap3A_30 = vector.load %arg8[%swap3A, %swap3A_29] : memref<2000x128xf32, #tpu.memory_space<vmem>>, vector<2000x128xf32>
    tpu.vector_store %arg8[%swap3A, %swap3A_29], %max3A_28 {strides = array<i32>} : memref<2000x128xf32, #tpu.memory_space<vmem>>, vector<2000x128xf32>,
    return
  }
  func.func @transform_0(%arg0: i32) -> (i32, i32) {
    %c0_i32 = arith.constant 0 : i32
    %c0_i32_0 = arith.constant 0 : i32
    return %arg0, %c0_i32 : i32, i32
  }
  func.func @transform_1(%arg0: i32) -> (i32, i32) {
    %c0_i32 = arith.constant 0 : i32
    %c0_i32_0 = arith.constant 0 : i32
    return %arg0, %c0_i32 : i32, i32
  }
  func.func @transform_2(%arg0: i32) -> (i32, i32) {
    %c0_i32 = arith.constant 0 : i32
    %c0_i32_0 = arith.constant 0 : i32
    return %arg0, %c0_i32 : i32, i32
  }
  func.func @transform_3(%arg0: i32) -> (i32, i32) {
    %c0_i32 = arith.constant 0 : i32
    %c0_i32_0 = arith.constant 0 : i32
    return %arg0, %c0_i32 : i32, i32
  }
  func.func @transform_4(%arg0: i32) -> (i32, i32) {
    %c0_i32 = arith.constant 0 : i32
    %c0_i32_0 = arith.constant 0 : i32
    %c0_i32_1 = arith.constant 0 : i32
    return %c0_i32, %c0_i32_0 : i32, i32
  }
  func.func @transform_5(%arg0: i32) -> (i32, i32) {
    %c0_i32 = arith.constant 0 : i32
    %c0_i32_0 = arith.constant 0 : i32
    %c0_i32_1 = arith.constant 0 : i32
    return %c0_i32, %c0_i32_0 : i32, i32
  }
  func.func @transform_6(%arg0: i32) -> (i32, i32) {
    %c0_i32 = arith.constant 0 : i32
    %c0_i32_0 = arith.constant 0 : i32
    %c0_i32_1 = arith.constant 0 : i32
    return %c0_i32, %c0_i32_0 : i32, i32
  }
  func.func @transform_7(%arg0: i32) -> (i32, i32) {
    %c0_i32 = arith.constant 0 : i32
    %c0_i32_0 = arith.constant 0 : i32
    return %arg0, %c0_i32 : i32, i32
  }
}

</mosaic_0001>

<sc_bundles>
// kernel: kernel.10.cloned.1.call-start
scs
__scs_entry_jumppad:
0x0: {  	(pc) =	sbr.rel $0x88, $3  }
0x1: {  	(tag) =	ssettag $0x0;
	lr =	simm.s32 $0x1  }
0x2: {  	[smem:$0x3F99] =	sst lr;
	_ =	strace $0xD0000000  }
0x3: {  	_ = 	snop  }
0x4: {  	_ = 	snop  }
0x5: {  	_ = 	snop  }
0x6: {  	_ = 	snop  }
0x7: {  	_ = 	snop  }
__scs_overlays_trampoline_lowered:
0x8: {  	[smem:$0x3FA8] =	sst s0  }
0x9: {  	[smem:$0x3FA9] =	sst s1  }
0xa: {  	[smem:$0x3FAA] =	sst s2  }
0xb: {  	[smem:$0x3FAB] =	sst s3  }
0xc: {  	[smem:$0x3FAC] =	sst s4  }
0xd: {  	[smem:$0x3FAD] =	sst s5  }
0xe: {  	[smem:$0x3FAE] =	sst s6  }
0xf: {  	[smem:$0x3FAF] =	sst s7  }
0x10: {  	[smem:$0x3FB0] =	sst s8  }
0x11: {  	[smem:$0x3FB1] =	sst s9;
	s0 =	simm.s32 @!p0 $0x0  }
0x12: {  	s1 =	sld [smem:$0x3F97];
	s0 =	simm.s32 @p0 $0x1  }
0x13: {  	[smem:$0x3FB2] =	sst s0;
	s0 =	simm.s32 @!p1 $0x0  }
0x14: {  	s2 =	sld [smem:$0x3F96];
	s0 =	simm.s32 @p1 $0x1  }
0x15: {  	[smem:$0x3FB3] =	sst s0;
	s0 =	simm.s32 @!p2 $0x0  }
0x16: {  	s3 =	sld [smem:$0x3FDB];
	s0 =	simm.s32 @p2 $0x1  }
0x17: {  	s4 =	simm.s32 $0x1BF5;
	[smem:$0x3FB5] =	sst s0  }
0x18: {  	s0 =	sld [smem:$0x3F98];
	_ =	swait.ge [sflag:s4], $0x0  }
0x19: {  	s7 =	sld [smem:$0x3F99]  }
0x1a: {  	s8 =	sadd.s32 $0xFFFFE003, lr  }
0x1b: {  	s9 =	sadd.s32 $0xFFFFFEF7, lr;
	s5 =	simm.s32 $0xFFFFFFFF;
	p2 =	slt.u32 s8, $0xFFFFF086  }
0x1c: {  	p1 =	slt.u32 s9, $0xF7A;
	s5 =	simm.s32 @!p2 $0x0  }
0x1d: {  	s5 =	simm.s32 @p1 $0x1;
	p0 =	seq.s32 s7, s2  }
0x1e: {  	s7 =	smul.u32 @!p0 $0xF7A, s2;
	p2 =	seq.s32 @!p0 s5, $0x0  }
0x1f: {  	s9 =	smul.u32 $0xF7A, s1;
	s8 =	simm.s32 @!p0 $0x1BF5;
	p2 =	por !p2, p0  }
0x20: {  	[sflag:s8] =	ssyncset.s32 @!p0 $0xFFFFF086;
	s6 =	sadd.s32 @!p0 s3, s7;
	s7 =	simm.s32 @!p0 $0x108  }
0x21: {  	s3 =	sadd.s32 s3, s9;
	s6 =	sadd.s32 @!p0 $0x88, s6;
	s7 =	simm.s32 @p2 $0x1082  }
0x22: {  	[simem:s7], [sflag:s8] =	dma.local @!p0 [hbm:s6], $0xF7A  }
0x23: {  	s9 =	sor.u32 $0xD0000000, s2;
	s6 =	simm.s32 $0x108;
	_ =	swait.ge @!p0 [sflag:s8], $0x0  }
0x24: {  	s3 =	sadd.s32 $0x88, s3;
	s6 =	simm.s32 @!p1 $0x1082;
	[sflag:s4] =	ssyncset.s32 $0xFFFFF086  }
0x25: {  	[simem:s6], [sflag:s4] =	dma.local [hbm:s3], $0xF7A  }
0x26: {  	[smem:$0x3F99] =	sst s1;
	(tag) =	ssettag s2;
	_ =	strace s9  }
0x27: {  	s1 =	sld [smem:$0x3FA9]  }
0x28: {  	s2 =	sld [smem:$0x3FAA]  }
0x29: {  	s4 =	sld [smem:$0x3FAC]  }
0x2a: {  	p0 =	seq.s32 s5, $0x0;
	s5 =	sld [smem:$0x3FAD]  }
0x2b: {  	s6 =	sld [smem:$0x3FAE]  }
0x2c: {  	s7 =	sld [smem:$0x3FAF]  }
0x2d: {  	s3 =	simm.s32 $0x108;
	s8 =	sld [smem:$0x3FB0]  }
0x2e: {  	s3 =	simm.s32 @!p0 $0x1082;
	s9 =	sld [smem:$0x3FB1]  }
0x2f: {  	lr =	sadd.s32 s0, s3;
	s0 =	sld [smem:$0x3FA8]  }
0x30: {  	s3 =	sld [smem:$0x3FAB]  }
0x31: {  	[smem:$0x3FB4] =	sst s10  }
0x32: {  	s10 =	sld [smem:$0x3FB2];
	_ =	sdelay $0x3  }
0x33: {  	p0 =	seq.s32 s10, $0x1;
	s10 =	sld [smem:$0x3FB4];
	_ =	sdelay $0x3  }
0x34: {  	[smem:$0x3FB4] =	sst s10  }
0x35: {  	s10 =	sld [smem:$0x3FB3];
	_ =	sdelay $0x3  }
0x36: {  	p1 =	seq.s32 s10, $0x1;
	s10 =	sld [smem:$0x3FB4];
	_ =	sdelay $0x3  }
0x37: {  	[smem:$0x3FB4] =	sst s10  }
0x38: {  	s10 =	sld [smem:$0x3FB5]  }
0x39: {  	_ = 	snop;
	(pc) =	sbr.ind lr, $3  }
0x3a: {  	_ = 	snop  }
0x3b: {  	_ = 	snop  }
0x3c: {  	p2 =	seq.s32 s10, $0x1;
	s10 =	sld [smem:$0x3FB4]  }
0x3d: {  	_ =	shalt  }
0x3e: {  	_ =	shalt  }
0x3f: {  	_ =	shalt  }
0x40: {  	_ =	shalt  }
0x41: {  	_ =	shalt  }
0x42: {  	_ =	shalt  }
0x43: {  	_ =	shalt  }
0x44: {  	_ =	shalt  }
0x45: {  	_ =	shalt  }
0x46: {  	_ =	shalt  }
0x47: {  	_ =	shalt  }
0x48: {  	_ =	shalt  }
0x49: {  	_ =	shalt  }
0x4a: {  	_ =	shalt  }
0x4b: {  	_ =	shalt  }
0x4c: {  	_ =	shalt  }
0x4d: {  	_ =	shalt  }
0x4e: {  	_ =	shalt  }
0x4f: {  	_ =	shalt  }
0x50: {  	_ =	shalt  }
0x51: {  	_ =	shalt  }
0x52: {  	_ =	shalt  }
0x53: {  	_ =	shalt  }
0x54: {  	_ =	shalt  }
0x55: {  	_ =	shalt  }
0x56: {  	_ =	shalt  }
0x57: {  	_ =	shalt  }
0x58: {  	_ =	shalt  }
0x59: {  	_ =	shalt  }
0x5a: {  	_ =	shalt  }
0x5b: {  	_ =	shalt  }
0x5c: {  	_ =	shalt  }
0x5d: {  	_ =	shalt  }
0x5e: {  	_ =	shalt  }
0x5f: {  	_ =	shalt  }
0x60: {  	_ =	shalt  }
0x61: {  	_ =	shalt  }
0x62: {  	_ =	shalt  }
0x63: {  	_ =	shalt  }
0x64: {  	_ =	shalt  }
0x65: {  	_ =	shalt  }
0x66: {  	_ =	shalt  }
0x67: {  	_ =	shalt  }
0x68: {  	_ =	shalt  }
0x69: {  	_ =	shalt  }
0x6a: {  	_ =	shalt  }
0x6b: {  	_ =	shalt  }
0x6c: {  	_ =	shalt  }
0x6d: {  	_ =	shalt  }
0x6e: {  	_ =	shalt  }
0x6f: {  	_ =	shalt  }
0x70: {  	_ =	shalt  }
0x71: {  	_ =	shalt  }
0x72: {  	_ =	shalt  }
0x73: {  	_ =	shalt  }
0x74: {  	_ =	shalt  }
0x75: {  	_ =	shalt  }
0x76: {  	_ =	shalt  }
0x77: {  	_ =	shalt  }
0x78: {  	_ =	shalt  }
0x79: {  	_ =	shalt  }
0x7a: {  	_ =	shalt  }
0x7b: {  	_ =	shalt  }
0x7c: {  	_ =	shalt  }
0x7d: {  	_ =	shalt  }
0x7e: {  	_ =	shalt  }
0x7f: {  	_ =	shalt  }
0x80: {  	_ =	shalt  }
0x81: {  	_ =	shalt  }
0x82: {  	_ =	shalt  }
0x83: {  	_ =	shalt  }
0x84: {  	_ =	shalt  }
0x85: {  	_ =	shalt  }
0x86: {  	_ =	shalt  }
0x87: {  	_ =	shalt  }
.Lfunc_end0:
.L_simem_size_0:
called_computation.1_lowered:
.L_overlay_start_0:
0x88: {  	s2 =	sld [smem:$0x3FD9]  }
0x89: {  	s3 =	sld [smem:$0x3FFE];
	_ =	sdelay $0x1  }
0x8a: {  	s1 =	srdreg.scid  }
0x8b: {  	s0 =	sand.u32 $0x1, s1  }
0x8c: {  	s17 =	sshll.u32 s0, $0xA;
	s2 =	sadd.s32 s3, s2  }
0x8d: {  	s2 =	sadd.s32 s2, s17  }
0x8e: {  	[smem:$0x3FC0] =	sst s2  }
0x8f: {  	_ = 	snop  }
0x90: {  	s2 =	sld [smem:$0x3FC9];
	(tm) =	ssettm $0x1  }
0x91: {  	s18 =	sld [smem:$0x3FFB];
	_ =	sdelay $0x3  }
0x92: {  	_ =	strace s18  }
0x93: {  	s3 =	sld [smem:$0x3FFC];
	_ =	sdelay $0x3  }
0x94: {  	_ =	strace s3  }
0x95: {  	s3 =	sld [smem:$0x3FFD];
	_ =	sdelay $0x3  }
0x96: {  	_ =	strace s3  }
0x97: {  	_ =	strace $0x8FFFFFFF  }
0x98: {  	s19 =	sld [smem:$0x3FDB];
	_ =	sdelay $0x1  }
0x99: {  	s4 =	simm.s32 $_scs_section_size  }
0x9a: {  	s5 =	simm.s32 $_size__tile_overlayer_lowered;
	s6 =	simm.s32 $_tile_overlayer_lowered  }
0x9b: {  	s22 =	simm.s32 $0x1BFF;
	s21 =	sshll.u32 s6, $0x1;
	s3 =	sadd.s32 s4, s19  }
0x9c: {  	s7 =	simm.s32 $0x0;
	s20 =	sshll.u32 s5, $0x1;
	s5 =	sadd.s32 s21, s3  }
0x9d: {  	[timem:s7], [sflag:s22] =	dma.local [hbm:s5], s20  }
0x9e: {  	_ =	swait.ge [sflag:s22], s20  }
0x9f: {  	s4 =	ssub.s32 $0x0, s20;
	[sflag:s22] =	ssyncset.done $0x0  }
0xa0: {  	[sflag:s22] =	ssyncadd.s32 s4;
	_ =	sdelay $0x1  }
0xa1: {  	s23 =	simm.s32 $0x1B8B  }
0xa2: {  	_ =	swait.ge [sflag:s23], $0x1  }
0xa3: {  	[sflag:s23] =	ssyncset.done $0x0  }
0xa4: {  	s25 =	simm.s32 $0x1B8E;
	s24 =	sld [smem:$0x3FFE];
	[sflag:s23] =	ssyncadd.s32 $0xFFFFFFFF  }
0xa5: {  	s26 =	simm.s32 $execute0_lowered;
	[smem:$0x3FD2] =	sst s25  }
0xa6: {  	s5 =	sshll.u32 s26, $0x1;
	_ =	strace $0x80000046;
	[dreg:$0x1] =	wrdreg $0xFFFFFFFF  }
0xa7: {  	s28 =	simm.s32 $_size_execute0_lowered;
	s3 =	sadd.s32 s3, s5;
	[dreg:$0x0] =	wrdreg $0x0  }
0xa8: {  	s5 =	sshll.u32 s28, $0x1;
	[dreg:$0x2] =	wrdreg s3  }
0xa9: {  	[dreg:$0x3] =	wrdreg s5  }
0xaa: {  	[dreg:$0x4] =	wrdreg $0xC0  }
0xab: {  	_ =	task [dreg:s7], $0x5FFFF  }
0xac: {  	[dreg:$0x1] =	wrdreg $0xFFFFFFFF  }
0xad: {  	[dreg:$0x0] =	wrdreg $0x60  }
0xae: {  	[dreg:$0x2] =	wrdreg s24  }
0xaf: {  	[dreg:$0x3] =	wrdreg s2  }
0xb0: {  	[dreg:$0x4] =	wrdreg $0xA4000  }
0xb1: {  	[dreg:$0x5] =	wrdreg $0xA  }
0xb2: {  	_ =	task.clear_ibuf [dreg:s7], $0x6FFFF;
	_ =	strace $0x90000046  }
0xb3: {  	s29 =	simm.s32 $0xA;
	_ =	strace $0x80000048  }
0xb4: {  	_ =	swait.ge [sflag:s29], $0x1  }
0xb5: {  	[sflag:s29] =	ssyncadd.s32 $0xFFFFFFFF  }
0xb6: {  	_ =	strace $0x90000048  }
0xb7: {  	_ =	sfence  }
0xb8: {  	s30 =	sld [smem:$0x0];
	_ =	sdelay $0x2  }
0xb9: {  	s31 =	sshll.u32 s1, $0xD;
	s1 =	sshrl.u32 s1, $0x2  }
0xba: {  	s3 =	sand.u32 $0x4000, s31;
	s1 =	sadd.s32 s1, s30  }
0xbb: {  	s0 =	sor.u32 s3, s0;
	s1 =	sshll.u32 s1, $0x11  }
0xbc: {  	s0 =	sor.u32 s1, s0  }
0xbd: {  	s0 =	sadd.s32 $0x8F2B, s0  }
0xbe: {  	[sflag:s0] =	ssyncadd.remote.s32 $0x1  }
0xbf: {  	_ =	sfence.sel $0xFFFF  }
0xc0: {  	[dreg:$0x0] =	wrdreg $0xFFFFFFFF;
	(pc) =	sbr.abs _section_cstart, $3  }
0xc1: {  	[dreg:$0x1] =	wrdreg $0xFFFFFFFF  }
0xc2: {  	_ =	task.clear_ibuf [dreg:s7], $0x2FFFF;
	_ =	strace $0x9FFFFFFF  }
0xc3: {  	(tm) =	ssettm $0x7FFFFFFF  }
tec
execute0_lowered:
.L_overlay_start_1:
0x0: {  	(tag) =	ssettag $0x1  }
0x1: {  	s0 =	rddreg [dreg:$0x0]  }
0x2: {  	s2 =	rddreg [dreg:$0x1];
	s1 =	srdreg.scid  }
0x3: {  	s3 =	rddreg [dreg:$0x2];
	s12 =	stileid.u32  }
0x4: {  	s4 =	simm.s32 $0x0;
	s28 =	simm.s32 $0x180;
	s29 =	simm.s32 $0x380  }
0x5: {  	s30 =	simm.s32 $0x7C00;
	s31 =	simm.s32 $0x2;
	s6 =	smul.u32 $0x14000, s12  }
0x6: {  	s1 =	sand.u32 $0x1, s1;
	[smem:$0x7FF] =	sst s4;
	s25 =	smul.u32 $0x50000, s12  }
0x7: {  	s8 =	sadd.s32 $0x15E00, s0;
	s11 =	smul.u32 $0x2710, s12;
	s13 =	sshll.u32 s12, $0x6  }
0x8: {  	s5 =	smul.u32 $0x140000, s1;
	_ =	strace $0x80000047;
	[dreg:$0xa] =	wrdreg s8  }
0x9: {  	s26 =	ssub.s32 $0x2, s1;
	s9 =	sshll.u32 s1, $0x4;
	s1 =	smul.u32 $0x27100, s1  }
0xa: {  	s10 =	sshrl.u32 s26, $0x1;
	s9 =	sor.u32 s12, s9;
	s7 =	sadd.s32 s6, s5  }
0xb: {  	s5 =	sadd.s32 $0xC000, s0;
	s6 =	sadd.s32 $0x2200, s0;
	s8 =	ssub.s32 s26, s10  }
0xc: {  	s9 =	smul.u32 $0x2710, s9;
	s1 =	sadd.s32 s11, s1;
	s11 =	sor.u32 $0x1C09, s13  }
0xd: {  	s10 =	simm.s32 $0x8;
	s13 =	simm.s32 $0x0;
	s7 =	sshrl.u32 s7, $0x3  }
0xe: {  	s14 =	sadd.s32 $0x50, s1;
	s18 =	sadd.s32 $0xF0, s1;
	s22 =	sadd.s32 $0xA0, s1  }
0xf: {  	s8 =	smax.u32 s8, $0x1;
	s1 =	sadd.s32 $0x140, s1;
	[dreg:$0xb] =	wrdreg s11  }
0x10: {  	s0 =	sadd.s32 s7, s0;
	s9 =	sshrl.u32 s9, $0x3;
	[dreg:$0xf] =	wrdreg s8  }
0x11: {  	s7 =	sshrl.u32 s25, $0x2;
	[dreg:$0x10] =	wrdreg s1;
	s15 =	sadd.s32 s5, s9  }
0x12: {  	s16 =	sshrl.u32 s14, $0x3;
	s9 =	sadd.s32 s6, s9;
	[dreg:$0xc] =	wrdreg s15  }
0x13: {  	s20 =	sshrl.u32 s18, $0x3;
	s0 =	sadd.s32 $0x18600, s0;
	[dreg:$0xd] =	wrdreg s9  }
0x14: {  	s24 =	sshrl.u32 s22, $0x3;
	s17 =	sadd.s32 s16, s6;
	[dreg:$0xe] =	wrdreg s0  }
0x15: {  	s18 =	simm.s32 $0x400;
	s19 =	sadd.s32 s16, s5;
	[dreg:$0x4] =	wrdreg s17  }
0x16: {  	s22 =	simm.s32 $0x280;
	s21 =	sadd.s32 s20, s6;
	[dreg:$0x5] =	wrdreg s19  }
0x17: {  	s1 =	simm.s32 $0x4;
	s23 =	sadd.s32 s20, s5;
	[dreg:$0x6] =	wrdreg s21  }
0x18: {  	s7 =	sadd.s32 s7, s3;
	s25 =	sadd.s32 s24, s6;
	[dreg:$0x7] =	wrdreg s23  }
0x19: {  	s26 =	sadd.s32 s24, s5;
	s16 =	simm.s32 $0x200;
	[dreg:$0x8] =	wrdreg s25  }
0x1a: {  	s20 =	simm.s32 $0x5;
	s24 =	simm.s32 $0x100;
	[dreg:$0x9] =	wrdreg s26  }
0x1b: {  	s12 =	sshrl.u32 s7, $0x3;
	s15 =	simm.s32 $0x9;
	s17 =	simm.s32 $0x50  }
0x1c: {  	s19 =	simm.s32 $0x1;
	s21 =	simm.s32 $0x80;
	s23 =	simm.s32 $0x2C00  }
0x1d: {  	s25 =	simm.s32 $0x300;
	s26 =	simm.s32 $0x5400;
	s0 =	simm.s32 $0x3  }
0x1e: {  	s7 =	simm.s32 $0x6;
	s9 =	simm.s32 $0x7;
	[dreg:$0x11] =	wrdreg s12  }
.LBB2_1:
0x1f: {  	[dreg:$0x12] =	wrdreg s13  }
0x20: {  	s8 =	rddreg [dreg:$0xa]  }
0x21: {  	[spmem:s12], [sflag:s11] =	dma.local [hbm:s8], $0x2800  }
0x22: {  	_ =	swait.ge [sflag:s15], $0x2800  }
0x23: {  	[sflag:s15] =	ssyncset.done $0x0  }
0x24: {  	[sflag:s15] =	ssyncadd.s32 $0xFFFFD800  }
0x25: {  	[bflag:$0x0] =	sbarrier.arrive $0xFFFF  }
0x26: {  	s12 =	rddreg [dreg:$0xc]  }
0x27: {  	[tilespmem:s4], [sflag:$0x9] =	stream.linear.gather [hbm4b:s12+s4], $0x50, $0x38;
	[tilespmem:$0x1E400] =	vst v63  }
0x28: {  	_ =	swait.ge [sflag:s15], $0x50  }
0x29: {  	[sflag:s15] =	ssyncset.done $0x0  }
0x2a: {  	s13 =	rddreg [dreg:$0xd];
	[sflag:s15] =	ssyncadd.s32 $0xFFFFFFB0  }
0x2b: {  	[tilespmem:s16], [sflag:$0x9] =	stream.linear.gather [hbm4b:s13+s4], $0x50, $0x38;
	[tilespmem:$0x1E400] =	vst v63  }
0x2c: {  	_ =	swait.ge [sflag:s15], $0x50  }
0x2d: {  	[sflag:s15] =	ssyncset.done $0x0  }
0x2e: {  	[sflag:s15] =	ssyncadd.s32 $0xFFFFFFB0  }
0x2f: {  	[tilespmem:s18], [sflag:$0x1] =	stream.indirect.gather [hbm4b:s2+s17], $0x80, s4, s17, $0xb8;
	[tilespmem:$0x1E400] =	vst v63  }
0x30: {  	_ =	swait.ge [sflag:s19], $0x2800  }
0x31: {  	[sflag:s19] =	ssyncset.done $0x0  }
0x32: {  	[sflag:s19] =	ssyncadd.s32 $0xFFFFD800  }
0x33: {  	[spmem:s3] =	stream.indirect.scatter.add.f32 [tilespmem:s18], [sflag:$0x5], $0x80, s16, s17, $0xb8;
	[tilespmem:$0x1E400] =	vst v63  }
0x34: {  	_ =	swait.ge [sflag:s20], $0x2800  }
0x35: {  	s14 =	rddreg [dreg:$0x5];
	[sflag:s20] =	ssyncset.done $0x0  }
0x36: {  	[sflag:s20] =	ssyncadd.s32 $0xFFFFD800;
	s8 =	sadd.s32 $0x0, s14  }
0x37: {  	[tilespmem:s4], [sflag:$0x9] =	stream.linear.gather [hbm4b:s8+s4], $0x50, $0x38;
	[tilespmem:$0x1E400] =	vst v63  }
0x38: {  	_ =	swait.ge [sflag:s15], $0x50  }
0x39: {  	s11 =	rddreg [dreg:$0x4];
	[sflag:s15] =	ssyncset.done $0x0  }
0x3a: {  	[sflag:s15] =	ssyncadd.s32 $0xFFFFFFB0;
	s8 =	sadd.s32 $0x0, s11  }
0x3b: {  	[tilespmem:s16], [sflag:$0x9] =	stream.linear.gather [hbm4b:s8+s4], $0x50, $0x38;
	[tilespmem:$0x1E400] =	vst v63  }
0x3c: {  	_ =	swait.ge [sflag:s15], $0x50  }
0x3d: {  	[sflag:s15] =	ssyncset.done $0x0  }
0x3e: {  	s12 =	rddreg [dreg:$0x9];
	[sflag:s15] =	ssyncadd.s32 $0xFFFFFFB0  }
0x3f: {  	[tilespmem:s18], [sflag:$0x1] =	stream.indirect.gather [hbm4b:s2+s17], $0x80, s4, s17, $0xb8;
	[tilespmem:$0x1E400] =	vst v63  }
0x40: {  	s8 =	sadd.s32 $0x0, s12  }
0x41: {  	[tilespmem:s21], [sflag:$0x9] =	stream.linear.gather [hbm4b:s8+s4], $0x50, $0x38;
	[tilespmem:$0x1E400] =	vst v63  }
0x42: {  	_ =	swait.ge [sflag:s15], $0x50  }
0x43: {  	s13 =	rddreg [dreg:$0x8];
	[sflag:s15] =	ssyncset.done $0x0  }
0x44: {  	[sflag:s15] =	ssyncadd.s32 $0xFFFFFFB0;
	s8 =	sadd.s32 $0x0, s13  }
0x45: {  	[tilespmem:s22], [sflag:$0x9] =	stream.linear.gather [hbm4b:s8+s4], $0x50, $0x38;
	[tilespmem:$0x1E400] =	vst v63  }
0x46: {  	_ =	swait.ge [sflag:s15], $0x50  }
0x47: {  	[sflag:s15] =	ssyncset.done $0x0  }
0x48: {  	s14 =	rddreg [dreg:$0x7];
	[sflag:s15] =	ssyncadd.s32 $0xFFFFFFB0  }
0x49: {  	[tilespmem:s23], [sflag:$0x2] =	stream.indirect.gather [hbm4b:s2+s17], $0x80, s21, s17, $0xb8;
	[tilespmem:$0x1E400] =	vst v63  }
0x4a: {  	s8 =	sadd.s32 $0x0, s14  }
0x4b: {  	[tilespmem:s24], [sflag:$0x9] =	stream.linear.gather [hbm4b:s8+s4], $0x50, $0x38;
	[tilespmem:$0x1E400] =	vst v63  }
0x4c: {  	_ =	swait.ge [sflag:s15], $0x50  }
0x4d: {  	s11 =	rddreg [dreg:$0x6];
	[sflag:s15] =	ssyncset.done $0x0  }
0x4e: {  	[sflag:s15] =	ssyncadd.s32 $0xFFFFFFB0;
	s8 =	sadd.s32 $0x0, s11  }
0x4f: {  	[tilespmem:s25], [sflag:$0x9] =	stream.linear.gather [hbm4b:s8+s4], $0x50, $0x38;
	[tilespmem:$0x1E400] =	vst v63  }
0x50: {  	_ =	swait.ge [sflag:s15], $0x50  }
0x51: {  	[sflag:s15] =	ssyncset.done $0x0;
	s13 =	rddreg [dreg:$0x10]  }
0x52: {  	[sflag:s15] =	ssyncadd.s32 $0xFFFFFFB0;
	s12 =	sshrl.u32 s13, $0x3  }
0x53: {  	[tilespmem:s26], [sflag:$0x3] =	stream.indirect.gather [hbm4b:s2+s17], $0x80, s24, s17, $0xb8;
	[tilespmem:$0x1E400] =	vst v63  }
0x54: {  	s14 =	sadd.s32 s5, s12  }
0x55: {  	[tilespmem:s28], [sflag:$0x9] =	stream.linear.gather [hbm4b:s14+s4], $0x50, $0x38;
	[tilespmem:$0x1E400] =	vst v63  }
0x56: {  	_ =	swait.ge [sflag:s15], $0x50  }
0x57: {  	[sflag:s15] =	ssyncset.done $0x0  }
0x58: {  	s8 =	sadd.s32 s6, s12;
	[sflag:s15] =	ssyncadd.s32 $0xFFFFFFB0  }
0x59: {  	[tilespmem:s29], [sflag:$0x9] =	stream.linear.gather [hbm4b:s8+s4], $0x50, $0x38;
	[tilespmem:$0x1E400] =	vst v63  }
0x5a: {  	_ =	swait.ge [sflag:s15], $0x50  }
0x5b: {  	[sflag:s15] =	ssyncset.done $0x0  }
0x5c: {  	[sflag:s15] =	ssyncadd.s32 $0xFFFFFFB0  }
0x5d: {  	[tilespmem:s30], [sflag:$0x4] =	stream.indirect.gather [hbm4b:s2+s17], $0x80, s28, s17, $0xb8;
	[tilespmem:$0x1E400] =	vst v63  }
0x5e: {  	_ =	swait.ge [sflag:s19], $0x2800  }
0x5f: {  	[sflag:s19] =	ssyncset.done $0x0  }
0x60: {  	[sflag:s19] =	ssyncadd.s32 $0xFFFFD800  }
0x61: {  	[spmem:s3] =	stream.indirect.scatter.add.f32 [tilespmem:s18], [sflag:$0x5], $0x80, s16, s17, $0xb8;
	[tilespmem:$0x1E400] =	vst v63  }
0x62: {  	_ =	swait.ge [sflag:s31], $0x2800  }
0x63: {  	[sflag:s31] =	ssyncset.done $0x0  }
0x64: {  	[sflag:s31] =	ssyncadd.s32 $0xFFFFD800  }
0x65: {  	[spmem:s3] =	stream.indirect.scatter.add.f32 [tilespmem:s23], [sflag:$0x6], $0x80, s22, s17, $0xb8;
	[tilespmem:$0x1E400] =	vst v63  }
0x66: {  	_ =	swait.ge [sflag:s0], $0x2800  }
0x67: {  	[sflag:s0] =	ssyncset.done $0x0  }
0x68: {  	[sflag:s0] =	ssyncadd.s32 $0xFFFFD800  }
0x69: {  	[spmem:s3] =	stream.indirect.scatter.add.f32 [tilespmem:s26], [sflag:$0x7], $0x80, s25, s17, $0xb8;
	[tilespmem:$0x1E400] =	vst v63  }
0x6a: {  	_ =	swait.ge [sflag:s1], $0x2800  }
0x6b: {  	[sflag:s1] =	ssyncset.done $0x0  }
0x6c: {  	[sflag:s1] =	ssyncadd.s32 $0xFFFFD800  }
0x6d: {  	[spmem:s3] =	stream.indirect.scatter.add.f32 [tilespmem:s30], [sflag:$0x8], $0x80, s29, s17, $0xb8;
	[tilespmem:$0x1E400] =	vst v63  }
0x6e: {  	_ =	swait.ge [sflag:s20], $0x2800  }
0x6f: {  	[sflag:s20] =	ssyncset.done $0x0  }
0x70: {  	[sflag:s20] =	ssyncadd.s32 $0xFFFFD800  }
0x71: {  	_ =	swait.ge [sflag:s7], $0x2800  }
0x72: {  	[sflag:s7] =	ssyncset.done $0x0  }
0x73: {  	[sflag:s7] =	ssyncadd.s32 $0xFFFFD800  }
0x74: {  	_ =	swait.ge [sflag:s9], $0x2800  }
0x75: {  	[sflag:s9] =	ssyncset.done $0x0  }
0x76: {  	[sflag:s9] =	ssyncadd.s32 $0xFFFFD800  }
0x77: {  	s12 =	simm.s32 $0x28;
	_ =	swait.ge [sflag:s10], $0x2800  }
0x78: {  	s14 =	simm.s32 $0x50;
	s11 =	rddreg [dreg:$0x5];
	[sflag:s10] =	ssyncset.done $0x0  }
.LBB2_2:
0x79: {  	[sflag:s10] =	ssyncadd.s32 $0xFFFFD800;
	s11 =	sadd.s32 s12, s11  }
0x7a: {  	[tilespmem:s4], [sflag:$0x9] =	stream.linear.gather [hbm4b:s11+s4], $0x50, $0x38;
	[tilespmem:$0x1E400] =	vst v63  }
0x7b: {  	_ =	swait.ge [sflag:s15], $0x50  }
0x7c: {  	s11 =	rddreg [dreg:$0x4];
	[sflag:s15] =	ssyncset.done $0x0  }
0x7d: {  	[sflag:s15] =	ssyncadd.s32 $0xFFFFFFB0;
	s11 =	sadd.s32 s12, s11  }
0x7e: {  	[tilespmem:s16], [sflag:$0x9] =	stream.linear.gather [hbm4b:s11+s4], $0x50, $0x38;
	[tilespmem:$0x1E400] =	vst v63  }
0x7f: {  	_ =	swait.ge [sflag:s15], $0x50  }
0x80: {  	[sflag:s15] =	ssyncset.done $0x0  }
0x81: {  	s11 =	rddreg [dreg:$0x9];
	[sflag:s15] =	ssyncadd.s32 $0xFFFFFFB0  }
0x82: {  	[tilespmem:s18], [sflag:$0x1] =	stream.indirect.gather [hbm4b:s2+s17], $0x80, s4, s17, $0xb8;
	[tilespmem:$0x1E400] =	vst v63  }
0x83: {  	s11 =	sadd.s32 s12, s11  }
0x84: {  	[tilespmem:s21], [sflag:$0x9] =	stream.linear.gather [hbm4b:s11+s4], $0x50, $0x38;
	[tilespmem:$0x1E400] =	vst v63  }
0x85: {  	_ =	swait.ge [sflag:s15], $0x50  }
0x86: {  	s11 =	rddreg [dreg:$0x8];
	[sflag:s15] =	ssyncset.done $0x0  }
0x87: {  	[sflag:s15] =	ssyncadd.s32 $0xFFFFFFB0;
	s11 =	sadd.s32 s12, s11  }
0x88: {  	[tilespmem:s22], [sflag:$0x9] =	stream.linear.gather [hbm4b:s11+s4], $0x50, $0x38;
	[tilespmem:$0x1E400] =	vst v63  }
0x89: {  	_ =	swait.ge [sflag:s15], $0x50  }
0x8a: {  	[sflag:s15] =	ssyncset.done $0x0  }
0x8b: {  	s11 =	rddreg [dreg:$0x7];
	[sflag:s15] =	ssyncadd.s32 $0xFFFFFFB0  }
0x8c: {  	[tilespmem:s23], [sflag:$0x2] =	stream.indirect.gather [hbm4b:s2+s17], $0x80, s21, s17, $0xb8;
	[tilespmem:$0x1E400] =	vst v63  }
0x8d: {  	s11 =	sadd.s32 s12, s11  }
0x8e: {  	[tilespmem:s24], [sflag:$0x9] =	stream.linear.gather [hbm4b:s11+s4], $0x50, $0x38;
	[tilespmem:$0x1E400] =	vst v63  }
0x8f: {  	_ =	swait.ge [sflag:s15], $0x50  }
0x90: {  	s11 =	rddreg [dreg:$0x6];
	[sflag:s15] =	ssyncset.done $0x0  }
0x91: {  	[sflag:s15] =	ssyncadd.s32 $0xFFFFFFB0;
	s11 =	sadd.s32 s12, s11  }
0x92: {  	[tilespmem:s25], [sflag:$0x9] =	stream.linear.gather [hbm4b:s11+s4], $0x50, $0x38;
	[tilespmem:$0x1E400] =	vst v63  }
0x93: {  	_ =	swait.ge [sflag:s15], $0x50  }
0x94: {  	s13 =	sadd.s32 $0x140, s13;
	s8 =	smov.u32 s14;
	[sflag:s15] =	ssyncset.done $0x0  }
0x95: {  	s12 =	smov.u32 s8;
	s8 =	sshrl.u32 s13, $0x3;
	[sflag:s15] =	ssyncadd.s32 $0xFFFFFFB0  }
0x96: {  	[tilespmem:s26], [sflag:$0x3] =	stream.indirect.gather [hbm4b:s2+s17], $0x80, s24, s17, $0xb8;
	[tilespmem:$0x1E400] =	vst v63  }
0x97: {  	s11 =	sadd.s32 s5, s8  }
0x98: {  	[tilespmem:s28], [sflag:$0x9] =	stream.linear.gather [hbm4b:s11+s4], $0x50, $0x38;
	[tilespmem:$0x1E400] =	vst v63  }
0x99: {  	_ =	swait.ge [sflag:s15], $0x50  }
0x9a: {  	[sflag:s15] =	ssyncset.done $0x0  }
0x9b: {  	s8 =	sadd.s32 s6, s8;
	[sflag:s15] =	ssyncadd.s32 $0xFFFFFFB0  }
0x9c: {  	[tilespmem:s29], [sflag:$0x9] =	stream.linear.gather [hbm4b:s8+s4], $0x50, $0x38;
	[tilespmem:$0x1E400] =	vst v63  }
0x9d: {  	_ =	swait.ge [sflag:s15], $0x50  }
0x9e: {  	[sflag:s15] =	ssyncset.done $0x0  }
0x9f: {  	[sflag:s15] =	ssyncadd.s32 $0xFFFFFFB0  }
0xa0: {  	[tilespmem:s30], [sflag:$0x4] =	stream.indirect.gather [hbm4b:s2+s17], $0x80, s28, s17, $0xb8;
	[tilespmem:$0x1E400] =	vst v63  }
0xa1: {  	_ =	swait.ge [sflag:s19], $0x2800  }
0xa2: {  	[sflag:s19] =	ssyncset.done $0x0  }
0xa3: {  	[sflag:s19] =	ssyncadd.s32 $0xFFFFD800  }
0xa4: {  	[spmem:s3] =	stream.indirect.scatter.add.f32 [tilespmem:s18], [sflag:$0x5], $0x80, s16, s17, $0xb8;
	[tilespmem:$0x1E400] =	vst v63  }
0xa5: {  	_ =	swait.ge [sflag:s31], $0x2800  }
0xa6: {  	[sflag:s31] =	ssyncset.done $0x0  }
0xa7: {  	[sflag:s31] =	ssyncadd.s32 $0xFFFFD800  }
0xa8: {  	[spmem:s3] =	stream.indirect.scatter.add.f32 [tilespmem:s23], [sflag:$0x6], $0x80, s22, s17, $0xb8;
	[tilespmem:$0x1E400] =	vst v63  }
0xa9: {  	_ =	swait.ge [sflag:s0], $0x2800  }
0xaa: {  	[sflag:s0] =	ssyncset.done $0x0  }
0xab: {  	[sflag:s0] =	ssyncadd.s32 $0xFFFFD800  }
0xac: {  	[spmem:s3] =	stream.indirect.scatter.add.f32 [tilespmem:s26], [sflag:$0x7], $0x80, s25, s17, $0xb8;
	[tilespmem:$0x1E400] =	vst v63  }
0xad: {  	_ =	swait.ge [sflag:s1], $0x2800  }
0xae: {  	[sflag:s1] =	ssyncset.done $0x0  }
0xaf: {  	[sflag:s1] =	ssyncadd.s32 $0xFFFFD800  }
0xb0: {  	[spmem:s3] =	stream.indirect.scatter.add.f32 [tilespmem:s30], [sflag:$0x8], $0x80, s29, s17, $0xb8;
	[tilespmem:$0x1E400] =	vst v63  }
0xb1: {  	_ =	swait.ge [sflag:s20], $0x2800  }
0xb2: {  	[sflag:s20] =	ssyncset.done $0x0  }
0xb3: {  	[sflag:s20] =	ssyncadd.s32 $0xFFFFD800  }
0xb4: {  	_ =	swait.ge [sflag:s7], $0x2800  }
0xb5: {  	[sflag:s7] =	ssyncset.done $0x0  }
0xb6: {  	p0 =	sne.s32 s14, $0x4B0;
	[sflag:s7] =	ssyncadd.s32 $0xFFFFD800  }
.Ltmp0:
0xb7: {  	_ =	swait.ge [sflag:s9], $0x2800;
	(pc) =	sbr.rel @p0 .LBB2_2-.Ltmp0, $4  }
0xb8: {  	[sflag:s9] =	ssyncset.done $0x0  }
0xb9: {  	[sflag:s9] =	ssyncadd.s32 $0xFFFFD800  }
0xba: {  	_ =	swait.ge [sflag:s10], $0x2800  }
0xbb: {  	s14 =	sadd.s32 $0x28, s14;
	s11 =	rddreg [dreg:$0x5];
	[sflag:s10] =	ssyncset.done $0x0  }
0xbc: {  	[sflag:s10] =	ssyncadd.s32 $0xFFFFD800;
	s8 =	sadd.s32 s12, s11  }
0xbd: {  	[tilespmem:s4], [sflag:$0x9] =	stream.linear.gather [hbm4b:s8+s4], $0x50, $0x38;
	[tilespmem:$0x1E400] =	vst v63  }
0xbe: {  	_ =	swait.ge [sflag:s15], $0x50  }
0xbf: {  	s11 =	rddreg [dreg:$0x4];
	[sflag:s15] =	ssyncset.done $0x0  }
0xc0: {  	[sflag:s15] =	ssyncadd.s32 $0xFFFFFFB0;
	s8 =	sadd.s32 s12, s11  }
0xc1: {  	[tilespmem:s16], [sflag:$0x9] =	stream.linear.gather [hbm4b:s8+s4], $0x50, $0x38;
	[tilespmem:$0x1E400] =	vst v63  }
0xc2: {  	_ =	swait.ge [sflag:s15], $0x50  }
0xc3: {  	[sflag:s15] =	ssyncset.done $0x0  }
0xc4: {  	s14 =	rddreg [dreg:$0x9];
	[sflag:s15] =	ssyncadd.s32 $0xFFFFFFB0  }
0xc5: {  	[tilespmem:s18], [sflag:$0x1] =	stream.indirect.gather [hbm4b:s2+s17], $0x80, s4, s17, $0xb8;
	[tilespmem:$0x1E400] =	vst v63  }
0xc6: {  	s8 =	sadd.s32 s12, s14  }
0xc7: {  	[tilespmem:s21], [sflag:$0x9] =	stream.linear.gather [hbm4b:s8+s4], $0x50, $0x38;
	[tilespmem:$0x1E400] =	vst v63  }
0xc8: {  	_ =	swait.ge [sflag:s15], $0x50  }
0xc9: {  	s11 =	rddreg [dreg:$0x8];
	[sflag:s15] =	ssyncset.done $0x0  }
0xca: {  	[sflag:s15] =	ssyncadd.s32 $0xFFFFFFB0;
	s8 =	sadd.s32 s12, s11  }
0xcb: {  	[tilespmem:s22], [sflag:$0x9] =	stream.linear.gather [hbm4b:s8+s4], $0x50, $0x38;
	[tilespmem:$0x1E400] =	vst v63  }
0xcc: {  	_ =	swait.ge [sflag:s15], $0x50  }
0xcd: {  	[sflag:s15] =	ssyncset.done $0x0  }
0xce: {  	s14 =	rddreg [dreg:$0x7];
	[sflag:s15] =	ssyncadd.s32 $0xFFFFFFB0  }
0xcf: {  	[tilespmem:s23], [sflag:$0x2] =	stream.indirect.gather [hbm4b:s2+s17], $0x80, s21, s17, $0xb8;
	[tilespmem:$0x1E400] =	vst v63  }
0xd0: {  	s8 =	sadd.s32 s12, s14  }
0xd1: {  	[tilespmem:s24], [sflag:$0x9] =	stream.linear.gather [hbm4b:s8+s4], $0x50, $0x38;
	[tilespmem:$0x1E400] =	vst v63  }
0xd2: {  	_ =	swait.ge [sflag:s15], $0x50  }
0xd3: {  	s11 =	rddreg [dreg:$0x6];
	[sflag:s15] =	ssyncset.done $0x0  }
0xd4: {  	s8 =	sadd.s32 s12, s11;
	[sflag:s15] =	ssyncadd.s32 $0xFFFFFFB0  }
0xd5: {  	[tilespmem:s25], [sflag:$0x9] =	stream.linear.gather [hbm4b:s8+s4], $0x50, $0x38;
	[tilespmem:$0x1E400] =	vst v63  }
0xd6: {  	_ =	swait.ge [sflag:s15], $0x50  }
0xd7: {  	s12 =	sadd.s32 $0x140, s13;
	[sflag:s15] =	ssyncset.done $0x0  }
0xd8: {  	s8 =	sshrl.u32 s12, $0x3;
	[sflag:s15] =	ssyncadd.s32 $0xFFFFFFB0  }
0xd9: {  	[tilespmem:s26], [sflag:$0x3] =	stream.indirect.gather [hbm4b:s2+s17], $0x80, s24, s17, $0xb8;
	[tilespmem:$0x1E400] =	vst v63  }
0xda: {  	s13 =	sadd.s32 s5, s8  }
0xdb: {  	[tilespmem:s28], [sflag:$0x9] =	stream.linear.gather [hbm4b:s13+s4], $0x50, $0x38;
	[tilespmem:$0x1E400] =	vst v63  }
0xdc: {  	_ =	swait.ge [sflag:s15], $0x50  }
0xdd: {  	[sflag:s15] =	ssyncset.done $0x0  }
0xde: {  	s8 =	sadd.s32 s6, s8;
	[sflag:s15] =	ssyncadd.s32 $0xFFFFFFB0  }
0xdf: {  	[tilespmem:s29], [sflag:$0x9] =	stream.linear.gather [hbm4b:s8+s4], $0x50, $0x38;
	[tilespmem:$0x1E400] =	vst v63  }
0xe0: {  	_ =	swait.ge [sflag:s15], $0x50  }
0xe1: {  	[sflag:s15] =	ssyncset.done $0x0  }
0xe2: {  	[sflag:s15] =	ssyncadd.s32 $0xFFFFFFB0  }
0xe3: {  	[tilespmem:s30], [sflag:$0x4] =	stream.indirect.gather [hbm4b:s2+s17], $0x80, s28, s17, $0xb8;
	[tilespmem:$0x1E400] =	vst v63  }
0xe4: {  	_ =	swait.ge [sflag:s19], $0x2800  }
0xe5: {  	[sflag:s19] =	ssyncset.done $0x0  }
0xe6: {  	[sflag:s19] =	ssyncadd.s32 $0xFFFFD800  }
0xe7: {  	[spmem:s3] =	stream.indirect.scatter.add.f32 [tilespmem:s18], [sflag:$0x5], $0x80, s16, s17, $0xb8;
	[tilespmem:$0x1E400] =	vst v63  }
0xe8: {  	_ =	swait.ge [sflag:s31], $0x2800  }
0xe9: {  	[sflag:s31] =	ssyncset.done $0x0  }
0xea: {  	[sflag:s31] =	ssyncadd.s32 $0xFFFFD800  }
0xeb: {  	[spmem:s3] =	stream.indirect.scatter.add.f32 [tilespmem:s23], [sflag:$0x6], $0x80, s22, s17, $0xb8;
	[tilespmem:$0x1E400] =	vst v63  }
0xec: {  	_ =	swait.ge [sflag:s0], $0x2800  }
0xed: {  	[sflag:s0] =	ssyncset.done $0x0  }
0xee: {  	[sflag:s0] =	ssyncadd.s32 $0xFFFFD800  }
0xef: {  	[spmem:s3] =	stream.indirect.scatter.add.f32 [tilespmem:s26], [sflag:$0x7], $0x80, s25, s17, $0xb8;
	[tilespmem:$0x1E400] =	vst v63  }
0xf0: {  	_ =	swait.ge [sflag:s1], $0x2800  }
0xf1: {  	[sflag:s1] =	ssyncset.done $0x0  }
0xf2: {  	[sflag:s1] =	ssyncadd.s32 $0xFFFFD800  }
0xf3: {  	[spmem:s3] =	stream.indirect.scatter.add.f32 [tilespmem:s30], [sflag:$0x8], $0x80, s29, s17, $0xb8;
	[tilespmem:$0x1E400] =	vst v63  }
0xf4: {  	_ =	swait.ge [sflag:s20], $0x2800  }
0xf5: {  	[sflag:s20] =	ssyncset.done $0x0  }
0xf6: {  	[sflag:s20] =	ssyncadd.s32 $0xFFFFD800  }
0xf7: {  	_ =	swait.ge [sflag:s7], $0x2800  }
0xf8: {  	[sflag:s7] =	ssyncset.done $0x0  }
0xf9: {  	[sflag:s7] =	ssyncadd.s32 $0xFFFFD800  }
0xfa: {  	_ =	swait.ge [sflag:s9], $0x2800  }
0xfb: {  	[sflag:s9] =	ssyncset.done $0x0  }
0xfc: {  	[sflag:s9] =	ssyncadd.s32 $0xFFFFD800  }
0xfd: {  	_ =	swait.ge [sflag:s10], $0x2800  }
0xfe: {  	[sflag:s10] =	ssyncset.done $0x0  }
0xff: {  	[sflag:s10] =	ssyncadd.s32 $0xFFFFD800  }
0x100: {  	[bflag:$0x0] =	sbarrier.arrive $0xFFFF  }
0x101: {  	s11 =	rddreg [dreg:$0xb]  }
0x102: {  	s14 =	rddreg [dreg:$0xe]  }
0x103: {  	s12 =	rddreg [dreg:$0x11]  }
0x104: {  	[hbm:s14], [sflag:s11] =	dma.local [spmem:s12], $0x2800  }
0x105: {  	_ =	swait.ge [sflag:s15], $0x2800  }
0x106: {  	s8 =	rddreg [dreg:$0x12]  }
0x107: {  	s14 =	rddreg [dreg:$0xf];
	s13 =	sadd.s32 $0x1, s8  }
0x108: {  	p0 =	sne.s32 s13, s14  }
.Ltmp1:
0x109: {  	_ = 	snop;
	(pc) =	sbr.rel @p0 .LBB2_1-.Ltmp1, $3  }
0x10a: {  	_ =	sdelay $0x1  }
0x10b: {  	[sflag:s15] =	ssyncset.done $0x0  }
0x10c: {  	[sflag:s15] =	ssyncadd.s32 $0xFFFFD800  }
0x10d: {  	_ =	sfence.sel $0x180000  }
0x10e: {  	[bflag:$0x0] =	sbarrier.arrive $0xFFFF  }
0x10f: {  	_ =	strace $0x90000047  }
0x110: {  	s0 =	stileid.u32;
	[bflag:$0x2] =	sbarrier.arrive $0xFFFF  }
0x111: {  	p0 =	sne.s32 s0, $0x0;
	s0 =	rddreg [dreg:$0x3]  }
0x112: {  	s0 =	sadd.s32 @!p0 $0x100000, s0  }
0x113: {  	[sflag:s0] =	ssyncadd.tile.s32 @!p0 $0x1;
	_ =	shalt  }
.Lfunc_end2:
_tile_overlayer_lowered:
.L_overlay_start_2:
0x114: {  	(tag) =	ssettag $0x2  }
0x115: {  	s0 =	rddreg [dreg:$0x0];
	s2 =	stileid.u32  }
0x116: {  	s1 =	rddreg [dreg:$0x1];
	p0 =	sne.s32 s2, $0x0  }
0x117: {  	s3 =	rddreg [dreg:$0x2];
	[bflag:$0x3] =	sbarrier.arrive $0xFFFF;
	s2 =	simm.s32 @!p0 $0x1C09  }
0x118: {  	[timem:s3], [sflag:s2] =	dma.local @!p0 [hbm:s0], s1  }
0x119: {  	s0 =	simm.s32 @!p0 $0x9  }
0x11a: {  	_ =	swait.ge @!p0 [sflag:s0], s1  }
0x11b: {  	s1 =	ssub.s32 @!p0 $0x0, s1;
	[sflag:s0] =	ssyncset.done @!p0 $0x0  }
0x11c: {  	[sflag:s0] =	ssyncadd.s32 @!p0 s1  }
0x11d: {  	[bflag:$0x3] =	sbarrier.arrive $0xFFFF  }
0x11e: {  	_ =	shalt  }

// kernel: kernel.13.cloned.1.call-start
scs
__scs_entry_jumppad:
0x0: {  	(pc) =	sbr.rel $0x88, $3  }
0x1: {  	(tag) =	ssettag $0x0;
	lr =	simm.s32 $0x1  }
0x2: {  	[smem:$0x3F99] =	sst lr;
	_ =	strace $0xD0000000  }
0x3: {  	_ = 	snop  }
0x4: {  	_ = 	snop  }
0x5: {  	_ = 	snop  }
0x6: {  	_ = 	snop  }
0x7: {  	_ = 	snop  }
__scs_overlays_trampoline_lowered:
0x8: {  	[smem:$0x3FA8] =	sst s0  }
0x9: {  	[smem:$0x3FA9] =	sst s1  }
0xa: {  	[smem:$0x3FAA] =	sst s2  }
0xb: {  	[smem:$0x3FAB] =	sst s3  }
0xc: {  	[smem:$0x3FAC] =	sst s4  }
0xd: {  	[smem:$0x3FAD] =	sst s5  }
0xe: {  	[smem:$0x3FAE] =	sst s6  }
0xf: {  	[smem:$0x3FAF] =	sst s7  }
0x10: {  	[smem:$0x3FB0] =	sst s8  }
0x11: {  	[smem:$0x3FB1] =	sst s9;
	s0 =	simm.s32 @!p0 $0x0  }
0x12: {  	s1 =	sld [smem:$0x3F97];
	s0 =	simm.s32 @p0 $0x1  }
0x13: {  	[smem:$0x3FB2] =	sst s0;
	s0 =	simm.s32 @!p1 $0x0  }
0x14: {  	s2 =	sld [smem:$0x3F96];
	s0 =	simm.s32 @p1 $0x1  }
0x15: {  	[smem:$0x3FB3] =	sst s0;
	s0 =	simm.s32 @!p2 $0x0  }
0x16: {  	s3 =	sld [smem:$0x3FDB];
	s0 =	simm.s32 @p2 $0x1  }
0x17: {  	s4 =	simm.s32 $0x1BF5;
	[smem:$0x3FB5] =	sst s0  }
0x18: {  	s0 =	sld [smem:$0x3F98];
	_ =	swait.ge [sflag:s4], $0x0  }
0x19: {  	s7 =	sld [smem:$0x3F99]  }
0x1a: {  	s8 =	sadd.s32 $0xFFFFE003, lr  }
0x1b: {  	s9 =	sadd.s32 $0xFFFFFEF7, lr;
	s5 =	simm.s32 $0xFFFFFFFF;
	p2 =	slt.u32 s8, $0xFFFFF086  }
0x1c: {  	p1 =	slt.u32 s9, $0xF7A;
	s5 =	simm.s32 @!p2 $0x0  }
0x1d: {  	s5 =	simm.s32 @p1 $0x1;
	p0 =	seq.s32 s7, s2  }
0x1e: {  	s7 =	smul.u32 @!p0 $0xF7A, s2;
	p2 =	seq.s32 @!p0 s5, $0x0  }
0x1f: {  	s9 =	smul.u32 $0xF7A, s1;
	s8 =	simm.s32 @!p0 $0x1BF5;
	p2 =	por !p2, p0  }
0x20: {  	[sflag:s8] =	ssyncset.s32 @!p0 $0xFFFFF086;
	s6 =	sadd.s32 @!p0 s3, s7;
	s7 =	simm.s32 @!p0 $0x108  }
0x21: {  	s3 =	sadd.s32 s3, s9;
	s6 =	sadd.s32 @!p0 $0x88, s6;
	s7 =	simm.s32 @p2 $0x1082  }
0x22: {  	[simem:s7], [sflag:s8] =	dma.local @!p0 [hbm:s6], $0xF7A  }
0x23: {  	s9 =	sor.u32 $0xD0000000, s2;
	s6 =	simm.s32 $0x108;
	_ =	swait.ge @!p0 [sflag:s8], $0x0  }
0x24: {  	s3 =	sadd.s32 $0x88, s3;
	s6 =	simm.s32 @!p1 $0x1082;
	[sflag:s4] =	ssyncset.s32 $0xFFFFF086  }
0x25: {  	[simem:s6], [sflag:s4] =	dma.local [hbm:s3], $0xF7A  }
0x26: {  	[smem:$0x3F99] =	sst s1;
	(tag) =	ssettag s2;
	_ =	strace s9  }
0x27: {  	s1 =	sld [smem:$0x3FA9]  }
0x28: {  	s2 =	sld [smem:$0x3FAA]  }
0x29: {  	s4 =	sld [smem:$0x3FAC]  }
0x2a: {  	p0 =	seq.s32 s5, $0x0;
	s5 =	sld [smem:$0x3FAD]  }
0x2b: {  	s6 =	sld [smem:$0x3FAE]  }
0x2c: {  	s7 =	sld [smem:$0x3FAF]  }
0x2d: {  	s3 =	simm.s32 $0x108;
	s8 =	sld [smem:$0x3FB0]  }
0x2e: {  	s3 =	simm.s32 @!p0 $0x1082;
	s9 =	sld [smem:$0x3FB1]  }
0x2f: {  	lr =	sadd.s32 s0, s3;
	s0 =	sld [smem:$0x3FA8]  }
0x30: {  	s3 =	sld [smem:$0x3FAB]  }
0x31: {  	[smem:$0x3FB4] =	sst s10  }
0x32: {  	s10 =	sld [smem:$0x3FB2];
	_ =	sdelay $0x3  }
0x33: {  	p0 =	seq.s32 s10, $0x1;
	s10 =	sld [smem:$0x3FB4];
	_ =	sdelay $0x3  }
0x34: {  	[smem:$0x3FB4] =	sst s10  }
0x35: {  	s10 =	sld [smem:$0x3FB3];
	_ =	sdelay $0x3  }
0x36: {  	p1 =	seq.s32 s10, $0x1;
	s10 =	sld [smem:$0x3FB4];
	_ =	sdelay $0x3  }
0x37: {  	[smem:$0x3FB4] =	sst s10  }
0x38: {  	s10 =	sld [smem:$0x3FB5]  }
0x39: {  	_ = 	snop;
	(pc) =	sbr.ind lr, $3  }
0x3a: {  	_ = 	snop  }
0x3b: {  	_ = 	snop  }
0x3c: {  	p2 =	seq.s32 s10, $0x1;
	s10 =	sld [smem:$0x3FB4]  }
0x3d: {  	_ =	shalt  }
0x3e: {  	_ =	shalt  }
0x3f: {  	_ =	shalt  }
0x40: {  	_ =	shalt  }
0x41: {  	_ =	shalt  }
0x42: {  	_ =	shalt  }
0x43: {  	_ =	shalt  }
0x44: {  	_ =	shalt  }
0x45: {  	_ =	shalt  }
0x46: {  	_ =	shalt  }
0x47: {  	_ =	shalt  }
0x48: {  	_ =	shalt  }
0x49: {  	_ =	shalt  }
0x4a: {  	_ =	shalt  }
0x4b: {  	_ =	shalt  }
0x4c: {  	_ =	shalt  }
0x4d: {  	_ =	shalt  }
0x4e: {  	_ =	shalt  }
0x4f: {  	_ =	shalt  }
0x50: {  	_ =	shalt  }
0x51: {  	_ =	shalt  }
0x52: {  	_ =	shalt  }
0x53: {  	_ =	shalt  }
0x54: {  	_ =	shalt  }
0x55: {  	_ =	shalt  }
0x56: {  	_ =	shalt  }
0x57: {  	_ =	shalt  }
0x58: {  	_ =	shalt  }
0x59: {  	_ =	shalt  }
0x5a: {  	_ =	shalt  }
0x5b: {  	_ =	shalt  }
0x5c: {  	_ =	shalt  }
0x5d: {  	_ =	shalt  }
0x5e: {  	_ =	shalt  }
0x5f: {  	_ =	shalt  }
0x60: {  	_ =	shalt  }
0x61: {  	_ =	shalt  }
0x62: {  	_ =	shalt  }
0x63: {  	_ =	shalt  }
0x64: {  	_ =	shalt  }
0x65: {  	_ =	shalt  }
0x66: {  	_ =	shalt  }
0x67: {  	_ =	shalt  }
0x68: {  	_ =	shalt  }
0x69: {  	_ =	shalt  }
0x6a: {  	_ =	shalt  }
0x6b: {  	_ =	shalt  }
0x6c: {  	_ =	shalt  }
0x6d: {  	_ =	shalt  }
0x6e: {  	_ =	shalt  }
0x6f: {  	_ =	shalt  }
0x70: {  	_ =	shalt  }
0x71: {  	_ =	shalt  }
0x72: {  	_ =	shalt  }
0x73: {  	_ =	shalt  }
0x74: {  	_ =	shalt  }
0x75: {  	_ =	shalt  }
0x76: {  	_ =	shalt  }
0x77: {  	_ =	shalt  }
0x78: {  	_ =	shalt  }
0x79: {  	_ =	shalt  }
0x7a: {  	_ =	shalt  }
0x7b: {  	_ =	shalt  }
0x7c: {  	_ =	shalt  }
0x7d: {  	_ =	shalt  }
0x7e: {  	_ =	shalt  }
0x7f: {  	_ =	shalt  }
0x80: {  	_ =	shalt  }
0x81: {  	_ =	shalt  }
0x82: {  	_ =	shalt  }
0x83: {  	_ =	shalt  }
0x84: {  	_ =	shalt  }
0x85: {  	_ =	shalt  }
0x86: {  	_ =	shalt  }
0x87: {  	_ =	shalt  }
.Lfunc_end0:
.L_simem_size_0:
called_computation.2_lowered:
.L_overlay_start_0:
0x88: {  	s2 =	sld [smem:$0x3FD9]  }
0x89: {  	s3 =	sld [smem:$0x3FFE];
	_ =	sdelay $0x1  }
0x8a: {  	s1 =	srdreg.scid  }
0x8b: {  	s0 =	sand.u32 $0x1, s1  }
0x8c: {  	s17 =	sshll.u32 s0, $0xA;
	s2 =	sadd.s32 s3, s2  }
0x8d: {  	s2 =	sadd.s32 s2, s17  }
0x8e: {  	[smem:$0x3FC0] =	sst s2  }
0x8f: {  	_ = 	snop  }
0x90: {  	s2 =	sld [smem:$0x3FD0];
	(tm) =	ssettm $0x1  }
0x91: {  	s18 =	sld [smem:$0x3FFB];
	_ =	sdelay $0x3  }
0x92: {  	_ =	strace s18  }
0x93: {  	s3 =	sld [smem:$0x3FFC];
	_ =	sdelay $0x3  }
0x94: {  	_ =	strace s3  }
0x95: {  	s3 =	sld [smem:$0x3FFD];
	_ =	sdelay $0x3  }
0x96: {  	_ =	strace s3  }
0x97: {  	_ =	strace $0x8FFFFFFF  }
0x98: {  	s19 =	sld [smem:$0x3FDB];
	_ =	sdelay $0x1  }
0x99: {  	s4 =	simm.s32 $_scs_section_size  }
0x9a: {  	s5 =	simm.s32 $_size__tile_overlayer_lowered;
	s6 =	simm.s32 $_tile_overlayer_lowered  }
0x9b: {  	s22 =	simm.s32 $0x1BFF;
	s21 =	sshll.u32 s6, $0x1;
	s3 =	sadd.s32 s4, s19  }
0x9c: {  	s7 =	simm.s32 $0x0;
	s20 =	sshll.u32 s5, $0x1;
	s5 =	sadd.s32 s21, s3  }
0x9d: {  	[timem:s7], [sflag:s22] =	dma.local [hbm:s5], s20  }
0x9e: {  	_ =	swait.ge [sflag:s22], s20  }
0x9f: {  	s4 =	ssub.s32 $0x0, s20;
	[sflag:s22] =	ssyncset.done $0x0  }
0xa0: {  	[sflag:s22] =	ssyncadd.s32 s4;
	_ =	sdelay $0x1  }
0xa1: {  	s23 =	simm.s32 $0x1B8B  }
0xa2: {  	_ =	swait.ge [sflag:s23], $0x1  }
0xa3: {  	[sflag:s23] =	ssyncset.done $0x0  }
0xa4: {  	s25 =	simm.s32 $0x1B8E;
	s24 =	sld [smem:$0x3FFE];
	[sflag:s23] =	ssyncadd.s32 $0xFFFFFFFF  }
0xa5: {  	s26 =	simm.s32 $execute0_lowered;
	[smem:$0x3FD2] =	sst s25  }
0xa6: {  	s5 =	sshll.u32 s26, $0x1;
	_ =	strace $0x8000004C;
	[dreg:$0x1] =	wrdreg $0xFFFFFFFF  }
0xa7: {  	s28 =	simm.s32 $_size_execute0_lowered;
	s3 =	sadd.s32 s3, s5;
	[dreg:$0x0] =	wrdreg $0x0  }
0xa8: {  	s5 =	sshll.u32 s28, $0x1;
	[dreg:$0x2] =	wrdreg s3  }
0xa9: {  	[dreg:$0x3] =	wrdreg s5  }
0xaa: {  	[dreg:$0x4] =	wrdreg $0xC0  }
0xab: {  	_ =	task [dreg:s7], $0x5FFFF  }
0xac: {  	[dreg:$0x1] =	wrdreg $0xFFFFFFFF  }
0xad: {  	[dreg:$0x0] =	wrdreg $0x60  }
0xae: {  	[dreg:$0x2] =	wrdreg s24  }
0xaf: {  	[dreg:$0x3] =	wrdreg s2  }
0xb0: {  	[dreg:$0x4] =	wrdreg $0xA4000  }
0xb1: {  	[dreg:$0x5] =	wrdreg $0x9  }
0xb2: {  	_ =	task.clear_ibuf [dreg:s7], $0x6FFFF;
	_ =	strace $0x9000004C  }
0xb3: {  	s29 =	simm.s32 $0x9;
	_ =	strace $0x8000004E  }
0xb4: {  	_ =	swait.ge [sflag:s29], $0x1  }
0xb5: {  	[sflag:s29] =	ssyncadd.s32 $0xFFFFFFFF  }
0xb6: {  	_ =	strace $0x9000004E  }
0xb7: {  	_ =	sfence  }
0xb8: {  	s30 =	sld [smem:$0x0];
	_ =	sdelay $0x2  }
0xb9: {  	s31 =	sshll.u32 s1, $0xD;
	s1 =	sshrl.u32 s1, $0x2  }
0xba: {  	s3 =	sand.u32 $0x4000, s31;
	s1 =	sadd.s32 s1, s30  }
0xbb: {  	s0 =	sor.u32 s3, s0;
	s1 =	sshll.u32 s1, $0x11  }
0xbc: {  	s0 =	sor.u32 s1, s0  }
0xbd: {  	s0 =	sadd.s32 $0x8F2B, s0  }
0xbe: {  	[sflag:s0] =	ssyncadd.remote.s32 $0x1  }
0xbf: {  	_ =	sfence.sel $0xFFFF  }
0xc0: {  	[dreg:$0x0] =	wrdreg $0xFFFFFFFF;
	(pc) =	sbr.abs _section_cstart, $3  }
0xc1: {  	[dreg:$0x1] =	wrdreg $0xFFFFFFFF  }
0xc2: {  	_ =	task.clear_ibuf [dreg:s7], $0x2FFFF;
	_ =	strace $0x9FFFFFFF  }
0xc3: {  	(tm) =	ssettm $0x7FFFFFFF  }
tec
execute0_lowered:
.L_overlay_start_1:
0x0: {  	(tag) =	ssettag $0x1  }
0x1: {  	s0 =	rddreg [dreg:$0x0]  }
0x2: {  	s2 =	rddreg [dreg:$0x1];
	s1 =	srdreg.scid  }
0x3: {  	s3 =	rddreg [dreg:$0x2];
	s12 =	stileid.u32  }
0x4: {  	s4 =	simm.s32 $0x0;
	s28 =	simm.s32 $0x180;
	s29 =	simm.s32 $0x380  }
0x5: {  	s30 =	simm.s32 $0x7C00;
	s31 =	simm.s32 $0x2;
	s6 =	smul.u32 $0x14000, s12  }
0x6: {  	s1 =	sand.u32 $0x1, s1;
	[smem:$0x7FF] =	sst s4;
	s25 =	smul.u32 $0x50000, s12  }
0x7: {  	s8 =	sadd.s32 $0x15E00, s0;
	s11 =	smul.u32 $0x2710, s12;
	s13 =	sshll.u32 s12, $0x6  }
0x8: {  	s5 =	smul.u32 $0x140000, s1;
	_ =	strace $0x8000004D;
	[dreg:$0xa] =	wrdreg s8  }
0x9: {  	s26 =	ssub.s32 $0x2, s1;
	s9 =	sshll.u32 s1, $0x4;
	s1 =	smul.u32 $0x27100, s1  }
0xa: {  	s10 =	sshrl.u32 s26, $0x1;
	s9 =	sor.u32 s12, s9;
	s7 =	sadd.s32 s6, s5  }
0xb: {  	s5 =	sadd.s32 $0xC000, s0;
	s6 =	sadd.s32 $0x2200, s0;
	s8 =	ssub.s32 s26, s10  }
0xc: {  	s9 =	smul.u32 $0x2710, s9;
	s1 =	sadd.s32 s11, s1;
	s11 =	sor.u32 $0x1C09, s13  }
0xd: {  	s10 =	simm.s32 $0x8;
	s13 =	simm.s32 $0x0;
	s7 =	sshrl.u32 s7, $0x3  }
0xe: {  	s14 =	sadd.s32 $0x50, s1;
	s18 =	sadd.s32 $0xF0, s1;
	s22 =	sadd.s32 $0xA0, s1  }
0xf: {  	s8 =	smax.u32 s8, $0x1;
	s1 =	sadd.s32 $0x140, s1;
	[dreg:$0xb] =	wrdreg s11  }
0x10: {  	s0 =	sadd.s32 s7, s0;
	s9 =	sshrl.u32 s9, $0x3;
	[dreg:$0xf] =	wrdreg s8  }
0x11: {  	s7 =	sshrl.u32 s25, $0x2;
	[dreg:$0x10] =	wrdreg s1;
	s15 =	sadd.s32 s5, s9  }
0x12: {  	s16 =	sshrl.u32 s14, $0x3;
	s9 =	sadd.s32 s6, s9;
	[dreg:$0xc] =	wrdreg s15  }
0x13: {  	s20 =	sshrl.u32 s18, $0x3;
	s0 =	sadd.s32 $0x18600, s0;
	[dreg:$0xd] =	wrdreg s9  }
0x14: {  	s24 =	sshrl.u32 s22, $0x3;
	s17 =	sadd.s32 s16, s6;
	[dreg:$0xe] =	wrdreg s0  }
0x15: {  	s18 =	simm.s32 $0x400;
	s19 =	sadd.s32 s16, s5;
	[dreg:$0x4] =	wrdreg s17  }
0x16: {  	s22 =	simm.s32 $0x280;
	s21 =	sadd.s32 s20, s6;
	[dreg:$0x5] =	wrdreg s19  }
0x17: {  	s1 =	simm.s32 $0x4;
	s23 =	sadd.s32 s20, s5;
	[dreg:$0x6] =	wrdreg s21  }
0x18: {  	s7 =	sadd.s32 s7, s3;
	s25 =	sadd.s32 s24, s6;
	[dreg:$0x7] =	wrdreg s23  }
0x19: {  	s26 =	sadd.s32 s24, s5;
	s16 =	simm.s32 $0x200;
	[dreg:$0x8] =	wrdreg s25  }
0x1a: {  	s20 =	simm.s32 $0x5;
	s24 =	simm.s32 $0x100;
	[dreg:$0x9] =	wrdreg s26  }
0x1b: {  	s12 =	sshrl.u32 s7, $0x3;
	s15 =	simm.s32 $0x9;
	s17 =	simm.s32 $0x50  }
0x1c: {  	s19 =	simm.s32 $0x1;
	s21 =	simm.s32 $0x80;
	s23 =	simm.s32 $0x2C00  }
0x1d: {  	s25 =	simm.s32 $0x300;
	s26 =	simm.s32 $0x5400;
	s0 =	simm.s32 $0x3  }
0x1e: {  	s7 =	simm.s32 $0x6;
	s9 =	simm.s32 $0x7;
	[dreg:$0x11] =	wrdreg s12  }
.LBB2_1:
0x1f: {  	[dreg:$0x12] =	wrdreg s13  }
0x20: {  	s8 =	rddreg [dreg:$0xa]  }
0x21: {  	[spmem:s12], [sflag:s11] =	dma.local [hbm:s8], $0x2800  }
0x22: {  	_ =	swait.ge [sflag:s15], $0x2800  }
0x23: {  	[sflag:s15] =	ssyncset.done $0x0  }
0x24: {  	[sflag:s15] =	ssyncadd.s32 $0xFFFFD800  }
0x25: {  	[bflag:$0x0] =	sbarrier.arrive $0xFFFF  }
0x26: {  	s12 =	rddreg [dreg:$0xc]  }
0x27: {  	[tilespmem:s4], [sflag:$0x9] =	stream.linear.gather [hbm4b:s12+s4], $0x50, $0x38;
	[tilespmem:$0x1E400] =	vst v63  }
0x28: {  	_ =	swait.ge [sflag:s15], $0x50  }
0x29: {  	[sflag:s15] =	ssyncset.done $0x0  }
0x2a: {  	s13 =	rddreg [dreg:$0xd];
	[sflag:s15] =	ssyncadd.s32 $0xFFFFFFB0  }
0x2b: {  	[tilespmem:s16], [sflag:$0x9] =	stream.linear.gather [hbm4b:s13+s4], $0x50, $0x38;
	[tilespmem:$0x1E400] =	vst v63  }
0x2c: {  	_ =	swait.ge [sflag:s15], $0x50  }
0x2d: {  	[sflag:s15] =	ssyncset.done $0x0  }
0x2e: {  	[sflag:s15] =	ssyncadd.s32 $0xFFFFFFB0  }
0x2f: {  	[tilespmem:s18], [sflag:$0x1] =	stream.indirect.gather [hbm4b:s2+s17], $0x80, s4, s17, $0xb8;
	[tilespmem:$0x1E400] =	vst v63  }
0x30: {  	_ =	swait.ge [sflag:s19], $0x2800  }
0x31: {  	[sflag:s19] =	ssyncset.done $0x0  }
0x32: {  	[sflag:s19] =	ssyncadd.s32 $0xFFFFD800  }
0x33: {  	[spmem:s3] =	stream.indirect.scatter.add.f32 [tilespmem:s18], [sflag:$0x5], $0x80, s16, s17, $0xb8;
	[tilespmem:$0x1E400] =	vst v63  }
0x34: {  	_ =	swait.ge [sflag:s20], $0x2800  }
0x35: {  	s14 =	rddreg [dreg:$0x5];
	[sflag:s20] =	ssyncset.done $0x0  }
0x36: {  	[sflag:s20] =	ssyncadd.s32 $0xFFFFD800;
	s8 =	sadd.s32 $0x0, s14  }
0x37: {  	[tilespmem:s4], [sflag:$0x9] =	stream.linear.gather [hbm4b:s8+s4], $0x50, $0x38;
	[tilespmem:$0x1E400] =	vst v63  }
0x38: {  	_ =	swait.ge [sflag:s15], $0x50  }
0x39: {  	s11 =	rddreg [dreg:$0x4];
	[sflag:s15] =	ssyncset.done $0x0  }
0x3a: {  	[sflag:s15] =	ssyncadd.s32 $0xFFFFFFB0;
	s8 =	sadd.s32 $0x0, s11  }
0x3b: {  	[tilespmem:s16], [sflag:$0x9] =	stream.linear.gather [hbm4b:s8+s4], $0x50, $0x38;
	[tilespmem:$0x1E400] =	vst v63  }
0x3c: {  	_ =	swait.ge [sflag:s15], $0x50  }
0x3d: {  	[sflag:s15] =	ssyncset.done $0x0  }
0x3e: {  	s12 =	rddreg [dreg:$0x9];
	[sflag:s15] =	ssyncadd.s32 $0xFFFFFFB0  }
0x3f: {  	[tilespmem:s18], [sflag:$0x1] =	stream.indirect.gather [hbm4b:s2+s17], $0x80, s4, s17, $0xb8;
	[tilespmem:$0x1E400] =	vst v63  }
0x40: {  	s8 =	sadd.s32 $0x0, s12  }
0x41: {  	[tilespmem:s21], [sflag:$0x9] =	stream.linear.gather [hbm4b:s8+s4], $0x50, $0x38;
	[tilespmem:$0x1E400] =	vst v63  }
0x42: {  	_ =	swait.ge [sflag:s15], $0x50  }
0x43: {  	s13 =	rddreg [dreg:$0x8];
	[sflag:s15] =	ssyncset.done $0x0  }
0x44: {  	[sflag:s15] =	ssyncadd.s32 $0xFFFFFFB0;
	s8 =	sadd.s32 $0x0, s13  }
0x45: {  	[tilespmem:s22], [sflag:$0x9] =	stream.linear.gather [hbm4b:s8+s4], $0x50, $0x38;
	[tilespmem:$0x1E400] =	vst v63  }
0x46: {  	_ =	swait.ge [sflag:s15], $0x50  }
0x47: {  	[sflag:s15] =	ssyncset.done $0x0  }
0x48: {  	s14 =	rddreg [dreg:$0x7];
	[sflag:s15] =	ssyncadd.s32 $0xFFFFFFB0  }
0x49: {  	[tilespmem:s23], [sflag:$0x2] =	stream.indirect.gather [hbm4b:s2+s17], $0x80, s21, s17, $0xb8;
	[tilespmem:$0x1E400] =	vst v63  }
0x4a: {  	s8 =	sadd.s32 $0x0, s14  }
0x4b: {  	[tilespmem:s24], [sflag:$0x9] =	stream.linear.gather [hbm4b:s8+s4], $0x50, $0x38;
	[tilespmem:$0x1E400] =	vst v63  }
0x4c: {  	_ =	swait.ge [sflag:s15], $0x50  }
0x4d: {  	s11 =	rddreg [dreg:$0x6];
	[sflag:s15] =	ssyncset.done $0x0  }
0x4e: {  	[sflag:s15] =	ssyncadd.s32 $0xFFFFFFB0;
	s8 =	sadd.s32 $0x0, s11  }
0x4f: {  	[tilespmem:s25], [sflag:$0x9] =	stream.linear.gather [hbm4b:s8+s4], $0x50, $0x38;
	[tilespmem:$0x1E400] =	vst v63  }
0x50: {  	_ =	swait.ge [sflag:s15], $0x50  }
0x51: {  	[sflag:s15] =	ssyncset.done $0x0;
	s13 =	rddreg [dreg:$0x10]  }
0x52: {  	[sflag:s15] =	ssyncadd.s32 $0xFFFFFFB0;
	s12 =	sshrl.u32 s13, $0x3  }
0x53: {  	[tilespmem:s26], [sflag:$0x3] =	stream.indirect.gather [hbm4b:s2+s17], $0x80, s24, s17, $0xb8;
	[tilespmem:$0x1E400] =	vst v63  }
0x54: {  	s14 =	sadd.s32 s5, s12  }
0x55: {  	[tilespmem:s28], [sflag:$0x9] =	stream.linear.gather [hbm4b:s14+s4], $0x50, $0x38;
	[tilespmem:$0x1E400] =	vst v63  }
0x56: {  	_ =	swait.ge [sflag:s15], $0x50  }
0x57: {  	[sflag:s15] =	ssyncset.done $0x0  }
0x58: {  	s8 =	sadd.s32 s6, s12;
	[sflag:s15] =	ssyncadd.s32 $0xFFFFFFB0  }
0x59: {  	[tilespmem:s29], [sflag:$0x9] =	stream.linear.gather [hbm4b:s8+s4], $0x50, $0x38;
	[tilespmem:$0x1E400] =	vst v63  }
0x5a: {  	_ =	swait.ge [sflag:s15], $0x50  }
0x5b: {  	[sflag:s15] =	ssyncset.done $0x0  }
0x5c: {  	[sflag:s15] =	ssyncadd.s32 $0xFFFFFFB0  }
0x5d: {  	[tilespmem:s30], [sflag:$0x4] =	stream.indirect.gather [hbm4b:s2+s17], $0x80, s28, s17, $0xb8;
	[tilespmem:$0x1E400] =	vst v63  }
0x5e: {  	_ =	swait.ge [sflag:s19], $0x2800  }
0x5f: {  	[sflag:s19] =	ssyncset.done $0x0  }
0x60: {  	[sflag:s19] =	ssyncadd.s32 $0xFFFFD800  }
0x61: {  	[spmem:s3] =	stream.indirect.scatter.add.f32 [tilespmem:s18], [sflag:$0x5], $0x80, s16, s17, $0xb8;
	[tilespmem:$0x1E400] =	vst v63  }
0x62: {  	_ =	swait.ge [sflag:s31], $0x2800  }
0x63: {  	[sflag:s31] =	ssyncset.done $0x0  }
0x64: {  	[sflag:s31] =	ssyncadd.s32 $0xFFFFD800  }
0x65: {  	[spmem:s3] =	stream.indirect.scatter.add.f32 [tilespmem:s23], [sflag:$0x6], $0x80, s22, s17, $0xb8;
	[tilespmem:$0x1E400] =	vst v63  }
0x66: {  	_ =	swait.ge [sflag:s0], $0x2800  }
0x67: {  	[sflag:s0] =	ssyncset.done $0x0  }
0x68: {  	[sflag:s0] =	ssyncadd.s32 $0xFFFFD800  }
0x69: {  	[spmem:s3] =	stream.indirect.scatter.add.f32 [tilespmem:s26], [sflag:$0x7], $0x80, s25, s17, $0xb8;
	[tilespmem:$0x1E400] =	vst v63  }
0x6a: {  	_ =	swait.ge [sflag:s1], $0x2800  }
0x6b: {  	[sflag:s1] =	ssyncset.done $0x0  }
0x6c: {  	[sflag:s1] =	ssyncadd.s32 $0xFFFFD800  }
0x6d: {  	[spmem:s3] =	stream.indirect.scatter.add.f32 [tilespmem:s30], [sflag:$0x8], $0x80, s29, s17, $0xb8;
	[tilespmem:$0x1E400] =	vst v63  }
0x6e: {  	_ =	swait.ge [sflag:s20], $0x2800  }
0x6f: {  	[sflag:s20] =	ssyncset.done $0x0  }
0x70: {  	[sflag:s20] =	ssyncadd.s32 $0xFFFFD800  }
0x71: {  	_ =	swait.ge [sflag:s7], $0x2800  }
0x72: {  	[sflag:s7] =	ssyncset.done $0x0  }
0x73: {  	[sflag:s7] =	ssyncadd.s32 $0xFFFFD800  }
0x74: {  	_ =	swait.ge [sflag:s9], $0x2800  }
0x75: {  	[sflag:s9] =	ssyncset.done $0x0  }
0x76: {  	[sflag:s9] =	ssyncadd.s32 $0xFFFFD800  }
0x77: {  	s12 =	simm.s32 $0x28;
	_ =	swait.ge [sflag:s10], $0x2800  }
0x78: {  	s14 =	simm.s32 $0x50;
	s11 =	rddreg [dreg:$0x5];
	[sflag:s10] =	ssyncset.done $0x0  }
.LBB2_2:
0x79: {  	[sflag:s10] =	ssyncadd.s32 $0xFFFFD800;
	s11 =	sadd.s32 s12, s11  }
0x7a: {  	[tilespmem:s4], [sflag:$0x9] =	stream.linear.gather [hbm4b:s11+s4], $0x50, $0x38;
	[tilespmem:$0x1E400] =	vst v63  }
0x7b: {  	_ =	swait.ge [sflag:s15], $0x50  }
0x7c: {  	s11 =	rddreg [dreg:$0x4];
	[sflag:s15] =	ssyncset.done $0x0  }
0x7d: {  	[sflag:s15] =	ssyncadd.s32 $0xFFFFFFB0;
	s11 =	sadd.s32 s12, s11  }
0x7e: {  	[tilespmem:s16], [sflag:$0x9] =	stream.linear.gather [hbm4b:s11+s4], $0x50, $0x38;
	[tilespmem:$0x1E400] =	vst v63  }
0x7f: {  	_ =	swait.ge [sflag:s15], $0x50  }
0x80: {  	[sflag:s15] =	ssyncset.done $0x0  }
0x81: {  	s11 =	rddreg [dreg:$0x9];
	[sflag:s15] =	ssyncadd.s32 $0xFFFFFFB0  }
0x82: {  	[tilespmem:s18], [sflag:$0x1] =	stream.indirect.gather [hbm4b:s2+s17], $0x80, s4, s17, $0xb8;
	[tilespmem:$0x1E400] =	vst v63  }
0x83: {  	s11 =	sadd.s32 s12, s11  }
0x84: {  	[tilespmem:s21], [sflag:$0x9] =	stream.linear.gather [hbm4b:s11+s4], $0x50, $0x38;
	[tilespmem:$0x1E400] =	vst v63  }
0x85: {  	_ =	swait.ge [sflag:s15], $0x50  }
0x86: {  	s11 =	rddreg [dreg:$0x8];
	[sflag:s15] =	ssyncset.done $0x0  }
0x87: {  	[sflag:s15] =	ssyncadd.s32 $0xFFFFFFB0;
	s11 =	sadd.s32 s12, s11  }
0x88: {  	[tilespmem:s22], [sflag:$0x9] =	stream.linear.gather [hbm4b:s11+s4], $0x50, $0x38;
	[tilespmem:$0x1E400] =	vst v63  }
0x89: {  	_ =	swait.ge [sflag:s15], $0x50  }
0x8a: {  	[sflag:s15] =	ssyncset.done $0x0  }
0x8b: {  	s11 =	rddreg [dreg:$0x7];
	[sflag:s15] =	ssyncadd.s32 $0xFFFFFFB0  }
0x8c: {  	[tilespmem:s23], [sflag:$0x2] =	stream.indirect.gather [hbm4b:s2+s17], $0x80, s21, s17, $0xb8;
	[tilespmem:$0x1E400] =	vst v63  }
0x8d: {  	s11 =	sadd.s32 s12, s11  }
0x8e: {  	[tilespmem:s24], [sflag:$0x9] =	stream.linear.gather [hbm4b:s11+s4], $0x50, $0x38;
	[tilespmem:$0x1E400] =	vst v63  }
0x8f: {  	_ =	swait.ge [sflag:s15], $0x50  }
0x90: {  	s11 =	rddreg [dreg:$0x6];
	[sflag:s15] =	ssyncset.done $0x0  }
0x91: {  	[sflag:s15] =	ssyncadd.s32 $0xFFFFFFB0;
	s11 =	sadd.s32 s12, s11  }
0x92: {  	[tilespmem:s25], [sflag:$0x9] =	stream.linear.gather [hbm4b:s11+s4], $0x50, $0x38;
	[tilespmem:$0x1E400] =	vst v63  }
0x93: {  	_ =	swait.ge [sflag:s15], $0x50  }
0x94: {  	s13 =	sadd.s32 $0x140, s13;
	s8 =	smov.u32 s14;
	[sflag:s15] =	ssyncset.done $0x0  }
0x95: {  	s12 =	smov.u32 s8;
	s8 =	sshrl.u32 s13, $0x3;
	[sflag:s15] =	ssyncadd.s32 $0xFFFFFFB0  }
0x96: {  	[tilespmem:s26], [sflag:$0x3] =	stream.indirect.gather [hbm4b:s2+s17], $0x80, s24, s17, $0xb8;
	[tilespmem:$0x1E400] =	vst v63  }
0x97: {  	s11 =	sadd.s32 s5, s8  }
0x98: {  	[tilespmem:s28], [sflag:$0x9] =	stream.linear.gather [hbm4b:s11+s4], $0x50, $0x38;
	[tilespmem:$0x1E400] =	vst v63  }
0x99: {  	_ =	swait.ge [sflag:s15], $0x50  }
0x9a: {  	[sflag:s15] =	ssyncset.done $0x0  }
0x9b: {  	s8 =	sadd.s32 s6, s8;
	[sflag:s15] =	ssyncadd.s32 $0xFFFFFFB0  }
0x9c: {  	[tilespmem:s29], [sflag:$0x9] =	stream.linear.gather [hbm4b:s8+s4], $0x50, $0x38;
	[tilespmem:$0x1E400] =	vst v63  }
0x9d: {  	_ =	swait.ge [sflag:s15], $0x50  }
0x9e: {  	[sflag:s15] =	ssyncset.done $0x0  }
0x9f: {  	[sflag:s15] =	ssyncadd.s32 $0xFFFFFFB0  }
0xa0: {  	[tilespmem:s30], [sflag:$0x4] =	stream.indirect.gather [hbm4b:s2+s17], $0x80, s28, s17, $0xb8;
	[tilespmem:$0x1E400] =	vst v63  }
0xa1: {  	_ =	swait.ge [sflag:s19], $0x2800  }
0xa2: {  	[sflag:s19] =	ssyncset.done $0x0  }
0xa3: {  	[sflag:s19] =	ssyncadd.s32 $0xFFFFD800  }
0xa4: {  	[spmem:s3] =	stream.indirect.scatter.add.f32 [tilespmem:s18], [sflag:$0x5], $0x80, s16, s17, $0xb8;
	[tilespmem:$0x1E400] =	vst v63  }
0xa5: {  	_ =	swait.ge [sflag:s31], $0x2800  }
0xa6: {  	[sflag:s31] =	ssyncset.done $0x0  }
0xa7: {  	[sflag:s31] =	ssyncadd.s32 $0xFFFFD800  }
0xa8: {  	[spmem:s3] =	stream.indirect.scatter.add.f32 [tilespmem:s23], [sflag:$0x6], $0x80, s22, s17, $0xb8;
	[tilespmem:$0x1E400] =	vst v63  }
0xa9: {  	_ =	swait.ge [sflag:s0], $0x2800  }
0xaa: {  	[sflag:s0] =	ssyncset.done $0x0  }
0xab: {  	[sflag:s0] =	ssyncadd.s32 $0xFFFFD800  }
0xac: {  	[spmem:s3] =	stream.indirect.scatter.add.f32 [tilespmem:s26], [sflag:$0x7], $0x80, s25, s17, $0xb8;
	[tilespmem:$0x1E400] =	vst v63  }
0xad: {  	_ =	swait.ge [sflag:s1], $0x2800  }
0xae: {  	[sflag:s1] =	ssyncset.done $0x0  }
0xaf: {  	[sflag:s1] =	ssyncadd.s32 $0xFFFFD800  }
0xb0: {  	[spmem:s3] =	stream.indirect.scatter.add.f32 [tilespmem:s30], [sflag:$0x8], $0x80, s29, s17, $0xb8;
	[tilespmem:$0x1E400] =	vst v63  }
0xb1: {  	_ =	swait.ge [sflag:s20], $0x2800  }
0xb2: {  	[sflag:s20] =	ssyncset.done $0x0  }
0xb3: {  	[sflag:s20] =	ssyncadd.s32 $0xFFFFD800  }
0xb4: {  	_ =	swait.ge [sflag:s7], $0x2800  }
0xb5: {  	[sflag:s7] =	ssyncset.done $0x0  }
0xb6: {  	p0 =	sne.s32 s14, $0x4B0;
	[sflag:s7] =	ssyncadd.s32 $0xFFFFD800  }
.Ltmp0:
0xb7: {  	_ =	swait.ge [sflag:s9], $0x2800;
	(pc) =	sbr.rel @p0 .LBB2_2-.Ltmp0, $4  }
0xb8: {  	[sflag:s9] =	ssyncset.done $0x0  }
0xb9: {  	[sflag:s9] =	ssyncadd.s32 $0xFFFFD800  }
0xba: {  	_ =	swait.ge [sflag:s10], $0x2800  }
0xbb: {  	s14 =	sadd.s32 $0x28, s14;
	s11 =	rddreg [dreg:$0x5];
	[sflag:s10] =	ssyncset.done $0x0  }
0xbc: {  	[sflag:s10] =	ssyncadd.s32 $0xFFFFD800;
	s8 =	sadd.s32 s12, s11  }
0xbd: {  	[tilespmem:s4], [sflag:$0x9] =	stream.linear.gather [hbm4b:s8+s4], $0x50, $0x38;
	[tilespmem:$0x1E400] =	vst v63  }
0xbe: {  	_ =	swait.ge [sflag:s15], $0x50  }
0xbf: {  	s11 =	rddreg [dreg:$0x4];
	[sflag:s15] =	ssyncset.done $0x0  }
0xc0: {  	[sflag:s15] =	ssyncadd.s32 $0xFFFFFFB0;
	s8 =	sadd.s32 s12, s11  }
0xc1: {  	[tilespmem:s16], [sflag:$0x9] =	stream.linear.gather [hbm4b:s8+s4], $0x50, $0x38;
	[tilespmem:$0x1E400] =	vst v63  }
0xc2: {  	_ =	swait.ge [sflag:s15], $0x50  }
0xc3: {  	[sflag:s15] =	ssyncset.done $0x0  }
0xc4: {  	s14 =	rddreg [dreg:$0x9];
	[sflag:s15] =	ssyncadd.s32 $0xFFFFFFB0  }
0xc5: {  	[tilespmem:s18], [sflag:$0x1] =	stream.indirect.gather [hbm4b:s2+s17], $0x80, s4, s17, $0xb8;
	[tilespmem:$0x1E400] =	vst v63  }
0xc6: {  	s8 =	sadd.s32 s12, s14  }
0xc7: {  	[tilespmem:s21], [sflag:$0x9] =	stream.linear.gather [hbm4b:s8+s4], $0x50, $0x38;
	[tilespmem:$0x1E400] =	vst v63  }
0xc8: {  	_ =	swait.ge [sflag:s15], $0x50  }
0xc9: {  	s11 =	rddreg [dreg:$0x8];
	[sflag:s15] =	ssyncset.done $0x0  }
0xca: {  	[sflag:s15] =	ssyncadd.s32 $0xFFFFFFB0;
	s8 =	sadd.s32 s12, s11  }
0xcb: {  	[tilespmem:s22], [sflag:$0x9] =	stream.linear.gather [hbm4b:s8+s4], $0x50, $0x38;
	[tilespmem:$0x1E400] =	vst v63  }
0xcc: {  	_ =	swait.ge [sflag:s15], $0x50  }
0xcd: {  	[sflag:s15] =	ssyncset.done $0x0  }
0xce: {  	s14 =	rddreg [dreg:$0x7];
	[sflag:s15] =	ssyncadd.s32 $0xFFFFFFB0  }
0xcf: {  	[tilespmem:s23], [sflag:$0x2] =	stream.indirect.gather [hbm4b:s2+s17], $0x80, s21, s17, $0xb8;
	[tilespmem:$0x1E400] =	vst v63  }
0xd0: {  	s8 =	sadd.s32 s12, s14  }
0xd1: {  	[tilespmem:s24], [sflag:$0x9] =	stream.linear.gather [hbm4b:s8+s4], $0x50, $0x38;
	[tilespmem:$0x1E400] =	vst v63  }
0xd2: {  	_ =	swait.ge [sflag:s15], $0x50  }
0xd3: {  	s11 =	rddreg [dreg:$0x6];
	[sflag:s15] =	ssyncset.done $0x0  }
0xd4: {  	s8 =	sadd.s32 s12, s11;
	[sflag:s15] =	ssyncadd.s32 $0xFFFFFFB0  }
0xd5: {  	[tilespmem:s25], [sflag:$0x9] =	stream.linear.gather [hbm4b:s8+s4], $0x50, $0x38;
	[tilespmem:$0x1E400] =	vst v63  }
0xd6: {  	_ =	swait.ge [sflag:s15], $0x50  }
0xd7: {  	s12 =	sadd.s32 $0x140, s13;
	[sflag:s15] =	ssyncset.done $0x0  }
0xd8: {  	s8 =	sshrl.u32 s12, $0x3;
	[sflag:s15] =	ssyncadd.s32 $0xFFFFFFB0  }
0xd9: {  	[tilespmem:s26], [sflag:$0x3] =	stream.indirect.gather [hbm4b:s2+s17], $0x80, s24, s17, $0xb8;
	[tilespmem:$0x1E400] =	vst v63  }
0xda: {  	s13 =	sadd.s32 s5, s8  }
0xdb: {  	[tilespmem:s28], [sflag:$0x9] =	stream.linear.gather [hbm4b:s13+s4], $0x50, $0x38;
	[tilespmem:$0x1E400] =	vst v63  }
0xdc: {  	_ =	swait.ge [sflag:s15], $0x50  }
0xdd: {  	[sflag:s15] =	ssyncset.done $0x0  }
0xde: {  	s8 =	sadd.s32 s6, s8;
	[sflag:s15] =	ssyncadd.s32 $0xFFFFFFB0  }
0xdf: {  	[tilespmem:s29], [sflag:$0x9] =	stream.linear.gather [hbm4b:s8+s4], $0x50, $0x38;
	[tilespmem:$0x1E400] =	vst v63  }
0xe0: {  	_ =	swait.ge [sflag:s15], $0x50  }
0xe1: {  	[sflag:s15] =	ssyncset.done $0x0  }
0xe2: {  	[sflag:s15] =	ssyncadd.s32 $0xFFFFFFB0  }
0xe3: {  	[tilespmem:s30], [sflag:$0x4] =	stream.indirect.gather [hbm4b:s2+s17], $0x80, s28, s17, $0xb8;
	[tilespmem:$0x1E400] =	vst v63  }
0xe4: {  	_ =	swait.ge [sflag:s19], $0x2800  }
0xe5: {  	[sflag:s19] =	ssyncset.done $0x0  }
0xe6: {  	[sflag:s19] =	ssyncadd.s32 $0xFFFFD800  }
0xe7: {  	[spmem:s3] =	stream.indirect.scatter.add.f32 [tilespmem:s18], [sflag:$0x5], $0x80, s16, s17, $0xb8;
	[tilespmem:$0x1E400] =	vst v63  }
0xe8: {  	_ =	swait.ge [sflag:s31], $0x2800  }
0xe9: {  	[sflag:s31] =	ssyncset.done $0x0  }
0xea: {  	[sflag:s31] =	ssyncadd.s32 $0xFFFFD800  }
0xeb: {  	[spmem:s3] =	stream.indirect.scatter.add.f32 [tilespmem:s23], [sflag:$0x6], $0x80, s22, s17, $0xb8;
	[tilespmem:$0x1E400] =	vst v63  }
0xec: {  	_ =	swait.ge [sflag:s0], $0x2800  }
0xed: {  	[sflag:s0] =	ssyncset.done $0x0  }
0xee: {  	[sflag:s0] =	ssyncadd.s32 $0xFFFFD800  }
0xef: {  	[spmem:s3] =	stream.indirect.scatter.add.f32 [tilespmem:s26], [sflag:$0x7], $0x80, s25, s17, $0xb8;
	[tilespmem:$0x1E400] =	vst v63  }
0xf0: {  	_ =	swait.ge [sflag:s1], $0x2800  }
0xf1: {  	[sflag:s1] =	ssyncset.done $0x0  }
0xf2: {  	[sflag:s1] =	ssyncadd.s32 $0xFFFFD800  }
0xf3: {  	[spmem:s3] =	stream.indirect.scatter.add.f32 [tilespmem:s30], [sflag:$0x8], $0x80, s29, s17, $0xb8;
	[tilespmem:$0x1E400] =	vst v63  }
0xf4: {  	_ =	swait.ge [sflag:s20], $0x2800  }
0xf5: {  	[sflag:s20] =	ssyncset.done $0x0  }
0xf6: {  	[sflag:s20] =	ssyncadd.s32 $0xFFFFD800  }
0xf7: {  	_ =	swait.ge [sflag:s7], $0x2800  }
0xf8: {  	[sflag:s7] =	ssyncset.done $0x0  }
0xf9: {  	[sflag:s7] =	ssyncadd.s32 $0xFFFFD800  }
0xfa: {  	_ =	swait.ge [sflag:s9], $0x2800  }
0xfb: {  	[sflag:s9] =	ssyncset.done $0x0  }
0xfc: {  	[sflag:s9] =	ssyncadd.s32 $0xFFFFD800  }
0xfd: {  	_ =	swait.ge [sflag:s10], $0x2800  }
0xfe: {  	[sflag:s10] =	ssyncset.done $0x0  }
0xff: {  	[sflag:s10] =	ssyncadd.s32 $0xFFFFD800  }
0x100: {  	[bflag:$0x0] =	sbarrier.arrive $0xFFFF  }
0x101: {  	s11 =	rddreg [dreg:$0xb]  }
0x102: {  	s14 =	rddreg [dreg:$0xe]  }
0x103: {  	s12 =	rddreg [dreg:$0x11]  }
0x104: {  	[hbm:s14], [sflag:s11] =	dma.local [spmem:s12], $0x2800  }
0x105: {  	_ =	swait.ge [sflag:s15], $0x2800  }
0x106: {  	s8 =	rddreg [dreg:$0x12]  }
0x107: {  	s14 =	rddreg [dreg:$0xf];
	s13 =	sadd.s32 $0x1, s8  }
0x108: {  	p0 =	sne.s32 s13, s14  }
.Ltmp1:
0x109: {  	_ = 	snop;
	(pc) =	sbr.rel @p0 .LBB2_1-.Ltmp1, $3  }
0x10a: {  	_ =	sdelay $0x1  }
0x10b: {  	[sflag:s15] =	ssyncset.done $0x0  }
0x10c: {  	[sflag:s15] =	ssyncadd.s32 $0xFFFFD800  }
0x10d: {  	_ =	sfence.sel $0x180000  }
0x10e: {  	[bflag:$0x0] =	sbarrier.arrive $0xFFFF  }
0x10f: {  	_ =	strace $0x9000004D  }
0x110: {  	s0 =	stileid.u32;
	[bflag:$0x2] =	sbarrier.arrive $0xFFFF  }
0x111: {  	p0 =	sne.s32 s0, $0x0;
	s0 =	rddreg [dreg:$0x3]  }
0x112: {  	s0 =	sadd.s32 @!p0 $0x100000, s0  }
0x113: {  	[sflag:s0] =	ssyncadd.tile.s32 @!p0 $0x1;
	_ =	shalt  }
.Lfunc_end2:
_tile_overlayer_lowered:
.L_overlay_start_2:
0x114: {  	(tag) =	ssettag $0x2  }
0x115: {  	s0 =	rddreg [dreg:$0x0];
	s2 =	stileid.u32  }
0x116: {  	s1 =	rddreg [dreg:$0x1];
	p0 =	sne.s32 s2, $0x0  }
0x117: {  	s3 =	rddreg [dreg:$0x2];
	[bflag:$0x3] =	sbarrier.arrive $0xFFFF;
	s2 =	simm.s32 @!p0 $0x1C09  }
0x118: {  	[timem:s3], [sflag:s2] =	dma.local @!p0 [hbm:s0], s1  }
0x119: {  	s0 =	simm.s32 @!p0 $0x9  }
0x11a: {  	_ =	swait.ge @!p0 [sflag:s0], s1  }
0x11b: {  	s1 =	ssub.s32 @!p0 $0x0, s1;
	[sflag:s0] =	ssyncset.done @!p0 $0x0  }
0x11c: {  	[sflag:s0] =	ssyncadd.s32 @!p0 s1  }
0x11d: {  	[bflag:$0x3] =	sbarrier.arrive $0xFFFF  }
0x11e: {  	_ =	shalt  }

// kernel: kernel.7.cloned.1.call-start
scs
__scs_entry_jumppad:
0x0: {  	(pc) =	sbr.rel $0x88, $3  }
0x1: {  	(tag) =	ssettag $0x0;
	lr =	simm.s32 $0x1  }
0x2: {  	[smem:$0x3F99] =	sst lr;
	_ =	strace $0xD0000000  }
0x3: {  	_ = 	snop  }
0x4: {  	_ = 	snop  }
0x5: {  	_ = 	snop  }
0x6: {  	_ = 	snop  }
0x7: {  	_ = 	snop  }
__scs_overlays_trampoline_lowered:
0x8: {  	[smem:$0x3FA8] =	sst s0  }
0x9: {  	[smem:$0x3FA9] =	sst s1  }
0xa: {  	[smem:$0x3FAA] =	sst s2  }
0xb: {  	[smem:$0x3FAB] =	sst s3  }
0xc: {  	[smem:$0x3FAC] =	sst s4  }
0xd: {  	[smem:$0x3FAD] =	sst s5  }
0xe: {  	[smem:$0x3FAE] =	sst s6  }
0xf: {  	[smem:$0x3FAF] =	sst s7  }
0x10: {  	[smem:$0x3FB0] =	sst s8  }
0x11: {  	[smem:$0x3FB1] =	sst s9;
	s0 =	simm.s32 @!p0 $0x0  }
0x12: {  	s1 =	sld [smem:$0x3F97];
	s0 =	simm.s32 @p0 $0x1  }
0x13: {  	[smem:$0x3FB2] =	sst s0;
	s0 =	simm.s32 @!p1 $0x0  }
0x14: {  	s2 =	sld [smem:$0x3F96];
	s0 =	simm.s32 @p1 $0x1  }
0x15: {  	[smem:$0x3FB3] =	sst s0;
	s0 =	simm.s32 @!p2 $0x0  }
0x16: {  	s3 =	sld [smem:$0x3FDB];
	s0 =	simm.s32 @p2 $0x1  }
0x17: {  	s4 =	simm.s32 $0x1BF5;
	[smem:$0x3FB5] =	sst s0  }
0x18: {  	s0 =	sld [smem:$0x3F98];
	_ =	swait.ge [sflag:s4], $0x0  }
0x19: {  	s7 =	sld [smem:$0x3F99]  }
0x1a: {  	s8 =	sadd.s32 $0xFFFFE003, lr  }
0x1b: {  	s9 =	sadd.s32 $0xFFFFFEF7, lr;
	s5 =	simm.s32 $0xFFFFFFFF;
	p2 =	slt.u32 s8, $0xFFFFF086  }
0x1c: {  	p1 =	slt.u32 s9, $0xF7A;
	s5 =	simm.s32 @!p2 $0x0  }
0x1d: {  	s5 =	simm.s32 @p1 $0x1;
	p0 =	seq.s32 s7, s2  }
0x1e: {  	s7 =	smul.u32 @!p0 $0xF7A, s2;
	p2 =	seq.s32 @!p0 s5, $0x0  }
0x1f: {  	s9 =	smul.u32 $0xF7A, s1;
	s8 =	simm.s32 @!p0 $0x1BF5;
	p2 =	por !p2, p0  }
0x20: {  	[sflag:s8] =	ssyncset.s32 @!p0 $0xFFFFF086;
	s6 =	sadd.s32 @!p0 s3, s7;
	s7 =	simm.s32 @!p0 $0x108  }
0x21: {  	s3 =	sadd.s32 s3, s9;
	s6 =	sadd.s32 @!p0 $0x88, s6;
	s7 =	simm.s32 @p2 $0x1082  }
0x22: {  	[simem:s7], [sflag:s8] =	dma.local @!p0 [hbm:s6], $0xF7A  }
0x23: {  	s9 =	sor.u32 $0xD0000000, s2;
	s6 =	simm.s32 $0x108;
	_ =	swait.ge @!p0 [sflag:s8], $0x0  }
0x24: {  	s3 =	sadd.s32 $0x88, s3;
	s6 =	simm.s32 @!p1 $0x1082;
	[sflag:s4] =	ssyncset.s32 $0xFFFFF086  }
0x25: {  	[simem:s6], [sflag:s4] =	dma.local [hbm:s3], $0xF7A  }
0x26: {  	[smem:$0x3F99] =	sst s1;
	(tag) =	ssettag s2;
	_ =	strace s9  }
0x27: {  	s1 =	sld [smem:$0x3FA9]  }
0x28: {  	s2 =	sld [smem:$0x3FAA]  }
0x29: {  	s4 =	sld [smem:$0x3FAC]  }
0x2a: {  	p0 =	seq.s32 s5, $0x0;
	s5 =	sld [smem:$0x3FAD]  }
0x2b: {  	s6 =	sld [smem:$0x3FAE]  }
0x2c: {  	s7 =	sld [smem:$0x3FAF]  }
0x2d: {  	s3 =	simm.s32 $0x108;
	s8 =	sld [smem:$0x3FB0]  }
0x2e: {  	s3 =	simm.s32 @!p0 $0x1082;
	s9 =	sld [smem:$0x3FB1]  }
0x2f: {  	lr =	sadd.s32 s0, s3;
	s0 =	sld [smem:$0x3FA8]  }
0x30: {  	s3 =	sld [smem:$0x3FAB]  }
0x31: {  	[smem:$0x3FB4] =	sst s10  }
0x32: {  	s10 =	sld [smem:$0x3FB2];
	_ =	sdelay $0x3  }
0x33: {  	p0 =	seq.s32 s10, $0x1;
	s10 =	sld [smem:$0x3FB4];
	_ =	sdelay $0x3  }
0x34: {  	[smem:$0x3FB4] =	sst s10  }
0x35: {  	s10 =	sld [smem:$0x3FB3];
	_ =	sdelay $0x3  }
0x36: {  	p1 =	seq.s32 s10, $0x1;
	s10 =	sld [smem:$0x3FB4];
	_ =	sdelay $0x3  }
0x37: {  	[smem:$0x3FB4] =	sst s10  }
0x38: {  	s10 =	sld [smem:$0x3FB5]  }
0x39: {  	_ = 	snop;
	(pc) =	sbr.ind lr, $3  }
0x3a: {  	_ = 	snop  }
0x3b: {  	_ = 	snop  }
0x3c: {  	p2 =	seq.s32 s10, $0x1;
	s10 =	sld [smem:$0x3FB4]  }
0x3d: {  	_ =	shalt  }
0x3e: {  	_ =	shalt  }
0x3f: {  	_ =	shalt  }
0x40: {  	_ =	shalt  }
0x41: {  	_ =	shalt  }
0x42: {  	_ =	shalt  }
0x43: {  	_ =	shalt  }
0x44: {  	_ =	shalt  }
0x45: {  	_ =	shalt  }
0x46: {  	_ =	shalt  }
0x47: {  	_ =	shalt  }
0x48: {  	_ =	shalt  }
0x49: {  	_ =	shalt  }
0x4a: {  	_ =	shalt  }
0x4b: {  	_ =	shalt  }
0x4c: {  	_ =	shalt  }
0x4d: {  	_ =	shalt  }
0x4e: {  	_ =	shalt  }
0x4f: {  	_ =	shalt  }
0x50: {  	_ =	shalt  }
0x51: {  	_ =	shalt  }
0x52: {  	_ =	shalt  }
0x53: {  	_ =	shalt  }
0x54: {  	_ =	shalt  }
0x55: {  	_ =	shalt  }
0x56: {  	_ =	shalt  }
0x57: {  	_ =	shalt  }
0x58: {  	_ =	shalt  }
0x59: {  	_ =	shalt  }
0x5a: {  	_ =	shalt  }
0x5b: {  	_ =	shalt  }
0x5c: {  	_ =	shalt  }
0x5d: {  	_ =	shalt  }
0x5e: {  	_ =	shalt  }
0x5f: {  	_ =	shalt  }
0x60: {  	_ =	shalt  }
0x61: {  	_ =	shalt  }
0x62: {  	_ =	shalt  }
0x63: {  	_ =	shalt  }
0x64: {  	_ =	shalt  }
0x65: {  	_ =	shalt  }
0x66: {  	_ =	shalt  }
0x67: {  	_ =	shalt  }
0x68: {  	_ =	shalt  }
0x69: {  	_ =	shalt  }
0x6a: {  	_ =	shalt  }
0x6b: {  	_ =	shalt  }
0x6c: {  	_ =	shalt  }
0x6d: {  	_ =	shalt  }
0x6e: {  	_ =	shalt  }
0x6f: {  	_ =	shalt  }
0x70: {  	_ =	shalt  }
0x71: {  	_ =	shalt  }
0x72: {  	_ =	shalt  }
0x73: {  	_ =	shalt  }
0x74: {  	_ =	shalt  }
0x75: {  	_ =	shalt  }
0x76: {  	_ =	shalt  }
0x77: {  	_ =	shalt  }
0x78: {  	_ =	shalt  }
0x79: {  	_ =	shalt  }
0x7a: {  	_ =	shalt  }
0x7b: {  	_ =	shalt  }
0x7c: {  	_ =	shalt  }
0x7d: {  	_ =	shalt  }
0x7e: {  	_ =	shalt  }
0x7f: {  	_ =	shalt  }
0x80: {  	_ =	shalt  }
0x81: {  	_ =	shalt  }
0x82: {  	_ =	shalt  }
0x83: {  	_ =	shalt  }
0x84: {  	_ =	shalt  }
0x85: {  	_ =	shalt  }
0x86: {  	_ =	shalt  }
0x87: {  	_ =	shalt  }
.Lfunc_end0:
.L_simem_size_0:
called_computation_lowered:
.L_overlay_start_0:
0x88: {  	s2 =	sld [smem:$0x3FD9]  }
0x89: {  	s3 =	sld [smem:$0x3FFE];
	_ =	sdelay $0x1  }
0x8a: {  	s1 =	srdreg.scid  }
0x8b: {  	s0 =	sand.u32 $0x1, s1  }
0x8c: {  	s17 =	sshll.u32 s0, $0xA;
	s2 =	sadd.s32 s3, s2  }
0x8d: {  	s2 =	sadd.s32 s2, s17  }
0x8e: {  	[smem:$0x3FC0] =	sst s2  }
0x8f: {  	_ = 	snop  }
0x90: {  	s18 =	sld [smem:$0x3FD0];
	(tm) =	ssettm $0x1  }
0x91: {  	s19 =	sld [smem:$0x3FFB];
	_ =	sdelay $0x3  }
0x92: {  	_ =	strace s19  }
0x93: {  	s2 =	sld [smem:$0x3FFC];
	_ =	sdelay $0x3  }
0x94: {  	_ =	strace s2  }
0x95: {  	s2 =	sld [smem:$0x3FFD];
	_ =	sdelay $0x3  }
0x96: {  	_ =	strace s2  }
0x97: {  	_ =	strace $0x8FFFFFFF  }
0x98: {  	s20 =	sld [smem:$0x3FDB];
	_ =	sdelay $0x1  }
0x99: {  	s4 =	simm.s32 $_scs_section_size  }
0x9a: {  	s5 =	simm.s32 $_size__tile_overlayer_lowered;
	s6 =	simm.s32 $_tile_overlayer_lowered  }
0x9b: {  	s7 =	simm.s32 $0x1BFF;
	s21 =	sshll.u32 s6, $0x1;
	s4 =	sadd.s32 s4, s20  }
0x9c: {  	s22 =	simm.s32 $0x0;
	s5 =	sshll.u32 s5, $0x1;
	s6 =	sadd.s32 s21, s4  }
0x9d: {  	[timem:s22], [sflag:s7] =	dma.local [hbm:s6], s5  }
0x9e: {  	_ =	swait.ge [sflag:s7], s5  }
0x9f: {  	s5 =	ssub.s32 $0x0, s5;
	[sflag:s7] =	ssyncset.done $0x0  }
0xa0: {  	[sflag:s7] =	ssyncadd.s32 s5;
	_ =	sdelay $0x1  }
0xa1: {  	s23 =	simm.s32 $0x1B8B  }
0xa2: {  	_ =	swait.ge [sflag:s23], $0x1  }
0xa3: {  	[sflag:s23] =	ssyncset.done $0x0  }
0xa4: {  	[sflag:s23] =	ssyncadd.s32 $0xFFFFFFFF  }
0xa5: {  	s5 =	sld [smem:$0x0]  }
0xa6: {  	s6 =	sand.u32 $0xFFFFFFFE, s1  }
0xa7: {  	p0 =	sne.s32 s1, s6  }
0xa8: {  	s6 =	sshll.u32 @p0 s6, $0xE  }
0xa9: {  	s6 =	sadd.s32 @p0 $0x11B8D, s6;
	s7 =	sshll.u32 @p0 s5, $0x11  }
0xaa: {  	s6 =	sor.u32 @p0 s7, s6  }
0xab: {  	[sflag:s6] =	ssyncadd.remote.s32 @p0 $0x1;
	_ =	sdelay $0x1  }
0xac: {  	s6 =	simm.s32 @p0 $0x1B8D  }
0xad: {  	_ =	swait.eq @p0 [sflag:s6], $0x1  }
0xae: {  	[sflag:s6] =	ssyncadd.s32 @p0 $0xFFFFFFFF  }
0xaf: {  	s7 =	sshll.u32 @!p0 s1, $0xE  }
0xb0: {  	s7 =	sor.u32 @!p0 $0x4000, s7;
	s6 =	simm.s32 @!p0 $0x1B8D  }
0xb1: {  	s5 =	sshll.u32 @!p0 s5, $0x11;
	s7 =	sadd.s32 @!p0 $0x11B8D, s7;
	_ =	swait.eq @!p0 [sflag:s6], $0x1  }
0xb2: {  	s5 =	sor.u32 @!p0 s5, s7;
	[sflag:s6] =	ssyncadd.s32 @!p0 $0xFFFFFFFF  }
0xb3: {  	s25 =	simm.s32 $0x1B8E;
	s24 =	sld [smem:$0x3FFE];
	[sflag:s5] =	ssyncadd.remote.s32 @!p0 $0x1  }
0xb4: {  	s26 =	simm.s32 $execute0_lowered;
	[smem:$0x3FD2] =	sst s25  }
0xb5: {  	s6 =	sshll.u32 s26, $0x1;
	_ =	strace $0x80000049;
	[dreg:$0x1] =	wrdreg $0xFFFFFFFF  }
0xb6: {  	s28 =	simm.s32 $_size_execute0_lowered;
	s4 =	sadd.s32 s4, s6;
	[dreg:$0x0] =	wrdreg $0x0  }
0xb7: {  	s6 =	sshll.u32 s28, $0x1;
	[dreg:$0x2] =	wrdreg s4  }
0xb8: {  	[dreg:$0x3] =	wrdreg s6  }
0xb9: {  	[dreg:$0x4] =	wrdreg $0xC0  }
0xba: {  	_ =	task [dreg:s22], $0x5FFFF  }
0xbb: {  	[dreg:$0x1] =	wrdreg $0xFFFFFFFF  }
0xbc: {  	[dreg:$0x0] =	wrdreg $0x60  }
0xbd: {  	[dreg:$0x2] =	wrdreg s24  }
0xbe: {  	[dreg:$0x3] =	wrdreg s18  }
0xbf: {  	[dreg:$0x4] =	wrdreg $0x2A000  }
0xc0: {  	[dreg:$0x5] =	wrdreg $0x9  }
0xc1: {  	_ =	task.clear_ibuf [dreg:s22], $0x6FFFF;
	_ =	strace $0x90000049  }
0xc2: {  	s29 =	simm.s32 $0x9;
	_ =	strace $0x8000004B  }
0xc3: {  	_ =	swait.ge [sflag:s29], $0x1  }
0xc4: {  	[sflag:s29] =	ssyncadd.s32 $0xFFFFFFFF  }
0xc5: {  	_ =	strace $0x9000004B  }
0xc6: {  	_ =	sfence  }
0xc7: {  	s30 =	sld [smem:$0x0];
	_ =	sdelay $0x2  }
0xc8: {  	s31 =	sshll.u32 s1, $0xD;
	s1 =	sshrl.u32 s1, $0x2  }
0xc9: {  	s4 =	sand.u32 $0x4000, s31;
	s1 =	sadd.s32 s1, s30  }
0xca: {  	s0 =	sor.u32 s4, s0;
	s1 =	sshll.u32 s1, $0x11  }
0xcb: {  	s0 =	sor.u32 s1, s0  }
0xcc: {  	s0 =	sadd.s32 $0x8F2B, s0  }
0xcd: {  	[sflag:s0] =	ssyncadd.remote.s32 $0x1  }
0xce: {  	_ =	sfence.sel $0xFFFF  }
0xcf: {  	[dreg:$0x0] =	wrdreg $0xFFFFFFFF;
	(pc) =	sbr.abs _section_cstart, $3  }
0xd0: {  	[dreg:$0x1] =	wrdreg $0xFFFFFFFF  }
0xd1: {  	_ =	task.clear_ibuf [dreg:s22], $0x2FFFF;
	_ =	strace $0x9FFFFFFF  }
0xd2: {  	(tm) =	ssettm $0x7FFFFFFF  }
0xd3: {  	_ =	shalt  }
tec
execute0_lowered:
.L_overlay_start_1:
0x0: {  	(tag) =	ssettag $0x1  }
0x1: {  	s7 =	rddreg [dreg:$0x0]  }
0x2: {  	s1 =	rddreg [dreg:$0x1]  }
0x3: {  	s2 =	rddreg [dreg:$0x2];
	s4 =	simm.s32 $0x0;
	s3 =	srdreg.scid  }
0x4: {  	s0 =	stileid.u32;
	s17 =	simm.s32 $0x200;
	s18 =	simm.s32 $0x50  }
0x5: {  	s19 =	simm.s32 $0x1;
	s20 =	simm.s32 $0x80;
	s21 =	simm.s32 $0x100  }
0x6: {  	s22 =	simm.s32 $0x180;
	[smem:$0x7FF] =	sst s4;
	s10 =	smul.u32 $0x14000, s0  }
0x7: {  	s8 =	sand.u32 $0x1, s3;
	s5 =	sadd.s32 $0x2200, s7;
	s24 =	smul.u32 $0x50000, s0  }
0x8: {  	s6 =	sadd.s32 $0x15E00, s7;
	s28 =	smul.u32 $0x2710, s0;
	s29 =	sshll.u32 s0, $0x6  }
0x9: {  	s9 =	smul.u32 $0x140000, s8;
	_ =	strace $0x8000004A;
	s11 =	sshll.u32 s8, $0x4  }
0xa: {  	s12 =	ssub.s32 $0x2, s8;
	s13 =	smul.u32 $0x27100, s8;
	s23 =	sor.u32 s0, s11  }
0xb: {  	s25 =	sshrl.u32 s12, $0x1;
	s26 =	sshrl.u32 s24, $0x2;
	s24 =	simm.s32 $0x3  }
0xc: {  	s9 =	sadd.s32 s10, s9;
	s10 =	smul.u32 $0x2710, s23;
	s12 =	ssub.s32 s12, s25  }
0xd: {  	s15 =	sadd.s32 s26, s2;
	s13 =	sadd.s32 s28, s13;
	s23 =	simm.s32 $0x2  }
0xe: {  	s25 =	simm.s32 $0x4;
	s26 =	simm.s32 $0x0;
	s9 =	sshrl.u32 s9, $0x3  }
0xf: {  	s11 =	sadd.s32 $0x50, s13;
	s31 =	sadd.s32 $0xF0, s13;
	s14 =	sadd.s32 $0xA0, s13  }
0x10: {  	s15 =	sshrl.u32 s15, $0x3;
	s9 =	sadd.s32 s9, s7;
	s30 =	sshrl.u32 s10, $0x3  }
0x11: {  	s7 =	sor.u32 $0x1C05, s29;
	s10 =	smax.u32 s12, $0x1;
	s11 =	sshrl.u32 s11, $0x3  }
0x12: {  	s16 =	sshrl.u32 s31, $0x3;
	s14 =	sshrl.u32 s14, $0x3;
	s12 =	sadd.s32 $0x140, s13  }
0x13: {  	s8 =	sadd.s32 s5, s30;
	s9 =	sadd.s32 $0x68600, s9;
	s11 =	sadd.s32 s11, s5  }
0x14: {  	s13 =	sadd.s32 s16, s5;
	s14 =	sadd.s32 s14, s5;
	s16 =	simm.s32 $0x5  }
.LBB2_1:
0x15: {  	[spmem:s15], [sflag:s7] =	dma.local [hbm:s6], $0x2800  }
0x16: {  	_ =	swait.ge [sflag:s16], $0x2800  }
0x17: {  	[sflag:s16] =	ssyncset.done $0x0  }
0x18: {  	[sflag:s16] =	ssyncadd.s32 $0xFFFFD800  }
0x19: {  	[tilespmem:s17], [sflag:$0x5] =	stream.linear.gather [hbm4b:s1+s4], $0x2800, $0x38;
	[tilespmem:$0x16A00] =	vst v63  }
0x1a: {  	_ =	swait.ge [sflag:s16], $0x2800  }
0x1b: {  	[sflag:s16] =	ssyncset.done $0x0  }
0x1c: {  	[sflag:s16] =	ssyncadd.s32 $0xFFFFD800  }
0x1d: {  	[bflag:$0x0] =	sbarrier.arrive $0xFFFF  }
0x1e: {  	[tilespmem:s4], [sflag:$0x5] =	stream.linear.gather [hbm4b:s8+s4], $0x50, $0x38;
	[tilespmem:$0x16A00] =	vst v63  }
0x1f: {  	_ =	swait.ge [sflag:s16], $0x50  }
0x20: {  	[sflag:s16] =	ssyncset.done $0x0  }
0x21: {  	[sflag:s16] =	ssyncadd.s32 $0xFFFFFFB0  }
0x22: {  	[spmem:s2] =	stream.indirect.scatter.add.f32 [tilespmem:s17], [sflag:$0x1], $0x80, s4, s18, $0xb8;
	[tilespmem:$0x16A00] =	vst v63  }
0x23: {  	_ =	swait.ge [sflag:s19], $0x2800  }
0x24: {  	[sflag:s19] =	ssyncset.done $0x0  }
0x25: {  	s28 =	sadd.s32 $0x0, s11;
	[sflag:s19] =	ssyncadd.s32 $0xFFFFD800  }
0x26: {  	[tilespmem:s4], [sflag:$0x5] =	stream.linear.gather [hbm4b:s28+s4], $0x50, $0x38;
	[tilespmem:$0x16A00] =	vst v63  }
0x27: {  	_ =	swait.ge [sflag:s16], $0x50  }
0x28: {  	[sflag:s16] =	ssyncset.done $0x0  }
0x29: {  	s28 =	sadd.s32 $0x0, s14;
	[sflag:s16] =	ssyncadd.s32 $0xFFFFFFB0  }
0x2a: {  	[tilespmem:s20], [sflag:$0x5] =	stream.linear.gather [hbm4b:s28+s4], $0x50, $0x38;
	[tilespmem:$0x16A00] =	vst v63  }
0x2b: {  	_ =	swait.ge [sflag:s16], $0x50  }
0x2c: {  	[sflag:s16] =	ssyncset.done $0x0  }
0x2d: {  	s28 =	sadd.s32 $0x0, s13;
	[sflag:s16] =	ssyncadd.s32 $0xFFFFFFB0  }
0x2e: {  	[tilespmem:s21], [sflag:$0x5] =	stream.linear.gather [hbm4b:s28+s4], $0x50, $0x38;
	[tilespmem:$0x16A00] =	vst v63  }
0x2f: {  	_ =	swait.ge [sflag:s16], $0x50  }
0x30: {  	s28 =	sshrl.u32 s12, $0x3;
	[sflag:s16] =	ssyncset.done $0x0  }
0x31: {  	s28 =	sadd.s32 s5, s28;
	[sflag:s16] =	ssyncadd.s32 $0xFFFFFFB0  }
0x32: {  	[tilespmem:s22], [sflag:$0x5] =	stream.linear.gather [hbm4b:s28+s4], $0x50, $0x38;
	[tilespmem:$0x16A00] =	vst v63  }
0x33: {  	_ =	swait.ge [sflag:s16], $0x50  }
0x34: {  	[sflag:s16] =	ssyncset.done $0x0  }
0x35: {  	[sflag:s16] =	ssyncadd.s32 $0xFFFFFFB0  }
0x36: {  	[spmem:s2] =	stream.indirect.scatter.add.f32 [tilespmem:s17], [sflag:$0x1], $0x80, s4, s18, $0xb8;
	[tilespmem:$0x16A00] =	vst v63  }
0x37: {  	_ = 	snop  }
0x38: {  	[spmem:s2] =	stream.indirect.scatter.add.f32 [tilespmem:s17], [sflag:$0x2], $0x80, s20, s18, $0xb8;
	[tilespmem:$0x16A00] =	vst v63  }
0x39: {  	_ = 	snop  }
0x3a: {  	[spmem:s2] =	stream.indirect.scatter.add.f32 [tilespmem:s17], [sflag:$0x3], $0x80, s21, s18, $0xb8;
	[tilespmem:$0x16A00] =	vst v63  }
0x3b: {  	_ = 	snop  }
0x3c: {  	[spmem:s2] =	stream.indirect.scatter.add.f32 [tilespmem:s17], [sflag:$0x4], $0x80, s22, s18, $0xb8;
	[tilespmem:$0x16A00] =	vst v63  }
0x3d: {  	_ =	swait.ge [sflag:s19], $0x2800  }
0x3e: {  	[sflag:s19] =	ssyncset.done $0x0  }
0x3f: {  	[sflag:s19] =	ssyncadd.s32 $0xFFFFD800  }
0x40: {  	_ =	swait.ge [sflag:s23], $0x2800  }
0x41: {  	[sflag:s23] =	ssyncset.done $0x0  }
0x42: {  	[sflag:s23] =	ssyncadd.s32 $0xFFFFD800  }
0x43: {  	_ =	swait.ge [sflag:s24], $0x2800  }
0x44: {  	[sflag:s24] =	ssyncset.done $0x0  }
0x45: {  	[sflag:s24] =	ssyncadd.s32 $0xFFFFD800  }
0x46: {  	s29 =	simm.s32 $0x28;
	_ =	swait.ge [sflag:s25], $0x2800  }
0x47: {  	s31 =	simm.s32 $0x50;
	s28 =	sadd.s32 $0x140, s12;
	[sflag:s25] =	ssyncset.done $0x0  }
.LBB2_2:
0x48: {  	s0 =	sadd.s32 s29, s11  }
0x49: {  	[sflag:s25] =	ssyncadd.s32 $0xFFFFD800;
	s3 =	smov.u32 s31;
	s30 =	sadd.s32 $0x28, s31  }
0x4a: {  	[tilespmem:s4], [sflag:$0x5] =	stream.linear.gather [hbm4b:s0+s4], $0x50, $0x38;
	[tilespmem:$0x16A00] =	vst v63  }
0x4b: {  	p0 =	sne.s32 s31, $0x4B0;
	_ =	swait.ge [sflag:s16], $0x50  }
0x4c: {  	[sflag:s16] =	ssyncset.done $0x0  }
0x4d: {  	s0 =	sadd.s32 s29, s14;
	[sflag:s16] =	ssyncadd.s32 $0xFFFFFFB0  }
0x4e: {  	[tilespmem:s20], [sflag:$0x5] =	stream.linear.gather [hbm4b:s0+s4], $0x50, $0x38;
	[tilespmem:$0x16A00] =	vst v63  }
0x4f: {  	_ =	swait.ge [sflag:s16], $0x50  }
0x50: {  	[sflag:s16] =	ssyncset.done $0x0  }
0x51: {  	s0 =	sadd.s32 s29, s13;
	s29 =	smov.u32 s3;
	[sflag:s16] =	ssyncadd.s32 $0xFFFFFFB0  }
0x52: {  	[tilespmem:s21], [sflag:$0x5] =	stream.linear.gather [hbm4b:s0+s4], $0x50, $0x38;
	[tilespmem:$0x16A00] =	vst v63  }
0x53: {  	_ =	swait.ge [sflag:s16], $0x50  }
0x54: {  	s0 =	sshrl.u32 s28, $0x3;
	[sflag:s16] =	ssyncset.done $0x0  }
0x55: {  	s0 =	sadd.s32 s5, s0;
	[sflag:s16] =	ssyncadd.s32 $0xFFFFFFB0  }
0x56: {  	[tilespmem:s22], [sflag:$0x5] =	stream.linear.gather [hbm4b:s0+s4], $0x50, $0x38;
	[tilespmem:$0x16A00] =	vst v63  }
0x57: {  	_ =	swait.ge [sflag:s16], $0x50  }
0x58: {  	[sflag:s16] =	ssyncset.done $0x0  }
0x59: {  	[sflag:s16] =	ssyncadd.s32 $0xFFFFFFB0  }
0x5a: {  	[spmem:s2] =	stream.indirect.scatter.add.f32 [tilespmem:s17], [sflag:$0x1], $0x80, s4, s18, $0xb8;
	[tilespmem:$0x16A00] =	vst v63  }
0x5b: {  	_ = 	snop  }
0x5c: {  	[spmem:s2] =	stream.indirect.scatter.add.f32 [tilespmem:s17], [sflag:$0x2], $0x80, s20, s18, $0xb8;
	[tilespmem:$0x16A00] =	vst v63  }
0x5d: {  	_ = 	snop  }
0x5e: {  	[spmem:s2] =	stream.indirect.scatter.add.f32 [tilespmem:s17], [sflag:$0x3], $0x80, s21, s18, $0xb8;
	[tilespmem:$0x16A00] =	vst v63  }
0x5f: {  	_ = 	snop  }
0x60: {  	[spmem:s2] =	stream.indirect.scatter.add.f32 [tilespmem:s17], [sflag:$0x4], $0x80, s22, s18, $0xb8;
	[tilespmem:$0x16A00] =	vst v63  }
0x61: {  	_ =	swait.ge [sflag:s19], $0x2800  }
0x62: {  	[sflag:s19] =	ssyncset.done $0x0  }
0x63: {  	[sflag:s19] =	ssyncadd.s32 $0xFFFFD800  }
0x64: {  	_ =	swait.ge [sflag:s23], $0x2800  }
0x65: {  	[sflag:s23] =	ssyncset.done $0x0  }
0x66: {  	[sflag:s23] =	ssyncadd.s32 $0xFFFFD800  }
.Ltmp0:
0x67: {  	_ =	swait.ge [sflag:s24], $0x2800;
	(pc) =	sbr.rel @p0 .LBB2_2-.Ltmp0, $4  }
0x68: {  	[sflag:s24] =	ssyncset.done $0x0  }
0x69: {  	[sflag:s24] =	ssyncadd.s32 $0xFFFFD800  }
0x6a: {  	_ =	swait.ge [sflag:s25], $0x2800  }
0x6b: {  	s31 =	smov.u32 s30;
	s28 =	sadd.s32 $0x140, s28;
	[sflag:s25] =	ssyncset.done $0x0  }
0x6c: {  	s0 =	sadd.s32 s29, s11;
	[sflag:s25] =	ssyncadd.s32 $0xFFFFD800  }
0x6d: {  	[tilespmem:s4], [sflag:$0x5] =	stream.linear.gather [hbm4b:s0+s4], $0x50, $0x38;
	[tilespmem:$0x16A00] =	vst v63  }
0x6e: {  	_ =	swait.ge [sflag:s16], $0x50  }
0x6f: {  	[sflag:s16] =	ssyncset.done $0x0  }
0x70: {  	s3 =	sadd.s32 s29, s14;
	[sflag:s16] =	ssyncadd.s32 $0xFFFFFFB0  }
0x71: {  	[tilespmem:s20], [sflag:$0x5] =	stream.linear.gather [hbm4b:s3+s4], $0x50, $0x38;
	[tilespmem:$0x16A00] =	vst v63  }
0x72: {  	_ =	swait.ge [sflag:s16], $0x50  }
0x73: {  	[sflag:s16] =	ssyncset.done $0x0  }
0x74: {  	s30 =	sadd.s32 s29, s13;
	[sflag:s16] =	ssyncadd.s32 $0xFFFFFFB0  }
0x75: {  	[tilespmem:s21], [sflag:$0x5] =	stream.linear.gather [hbm4b:s30+s4], $0x50, $0x38;
	[tilespmem:$0x16A00] =	vst v63  }
0x76: {  	_ =	swait.ge [sflag:s16], $0x50  }
0x77: {  	s31 =	sshrl.u32 s28, $0x3;
	[sflag:s16] =	ssyncset.done $0x0  }
0x78: {  	s0 =	sadd.s32 s5, s31;
	[sflag:s16] =	ssyncadd.s32 $0xFFFFFFB0  }
0x79: {  	[tilespmem:s22], [sflag:$0x5] =	stream.linear.gather [hbm4b:s0+s4], $0x50, $0x38;
	[tilespmem:$0x16A00] =	vst v63  }
0x7a: {  	_ =	swait.ge [sflag:s16], $0x50  }
0x7b: {  	[sflag:s16] =	ssyncset.done $0x0  }
0x7c: {  	[sflag:s16] =	ssyncadd.s32 $0xFFFFFFB0  }
0x7d: {  	[spmem:s2] =	stream.indirect.scatter.add.f32 [tilespmem:s17], [sflag:$0x1], $0x80, s4, s18, $0xb8;
	[tilespmem:$0x16A00] =	vst v63  }
0x7e: {  	_ = 	snop  }
0x7f: {  	[spmem:s2] =	stream.indirect.scatter.add.f32 [tilespmem:s17], [sflag:$0x2], $0x80, s20, s18, $0xb8;
	[tilespmem:$0x16A00] =	vst v63  }
0x80: {  	_ = 	snop  }
0x81: {  	[spmem:s2] =	stream.indirect.scatter.add.f32 [tilespmem:s17], [sflag:$0x3], $0x80, s21, s18, $0xb8;
	[tilespmem:$0x16A00] =	vst v63  }
0x82: {  	_ = 	snop  }
0x83: {  	[spmem:s2] =	stream.indirect.scatter.add.f32 [tilespmem:s17], [sflag:$0x4], $0x80, s22, s18, $0xb8;
	[tilespmem:$0x16A00] =	vst v63  }
0x84: {  	_ =	swait.ge [sflag:s19], $0x2800  }
0x85: {  	[sflag:s19] =	ssyncset.done $0x0  }
0x86: {  	[sflag:s19] =	ssyncadd.s32 $0xFFFFD800  }
0x87: {  	_ =	swait.ge [sflag:s23], $0x2800  }
0x88: {  	[sflag:s23] =	ssyncset.done $0x0  }
0x89: {  	[sflag:s23] =	ssyncadd.s32 $0xFFFFD800  }
0x8a: {  	_ =	swait.ge [sflag:s24], $0x2800  }
0x8b: {  	[sflag:s24] =	ssyncset.done $0x0  }
0x8c: {  	[sflag:s24] =	ssyncadd.s32 $0xFFFFD800  }
0x8d: {  	_ =	swait.ge [sflag:s25], $0x2800  }
0x8e: {  	s26 =	sadd.s32 $0x1, s26;
	[sflag:s25] =	ssyncset.done $0x0  }
0x8f: {  	p0 =	sne.s32 s26, s10;
	[sflag:s25] =	ssyncadd.s32 $0xFFFFD800  }
.Ltmp1:
0x90: {  	[bflag:$0x0] =	sbarrier.arrive $0xFFFF;
	(pc) =	sbr.rel @p0 .LBB2_1-.Ltmp1, $4  }
0x91: {  	[hbm:s9], [sflag:s7] =	dma.local [spmem:s15], $0x2800  }
0x92: {  	_ =	swait.ge [sflag:s16], $0x2800  }
0x93: {  	[sflag:s16] =	ssyncset.done $0x0  }
0x94: {  	[sflag:s16] =	ssyncadd.s32 $0xFFFFD800  }
0x95: {  	_ =	sfence.sel $0x180000  }
0x96: {  	[bflag:$0x0] =	sbarrier.arrive $0xFFFF  }
0x97: {  	_ =	strace $0x9000004A  }
0x98: {  	s0 =	stileid.u32;
	[bflag:$0x2] =	sbarrier.arrive $0xFFFF  }
0x99: {  	p0 =	sne.s32 s0, $0x0;
	s0 =	rddreg [dreg:$0x3]  }
0x9a: {  	s0 =	sadd.s32 @!p0 $0x100000, s0  }
0x9b: {  	[sflag:s0] =	ssyncadd.tile.s32 @!p0 $0x1;
	_ =	shalt  }
.Lfunc_end2:
_tile_overlayer_lowered:
.L_overlay_start_2:
0x9c: {  	(tag) =	ssettag $0x2  }
0x9d: {  	s0 =	rddreg [dreg:$0x0];
	s2 =	stileid.u32  }
0x9e: {  	s1 =	rddreg [dreg:$0x1];
	p0 =	sne.s32 s2, $0x0  }
0x9f: {  	s3 =	rddreg [dreg:$0x2];
	[bflag:$0x3] =	sbarrier.arrive $0xFFFF;
	s2 =	simm.s32 @!p0 $0x1C05  }
0xa0: {  	[timem:s3], [sflag:s2] =	dma.local @!p0 [hbm:s0], s1  }
0xa1: {  	s0 =	simm.s32 @!p0 $0x5  }
0xa2: {  	_ =	swait.ge @!p0 [sflag:s0], s1  }
0xa3: {  	s1 =	ssub.s32 @!p0 $0x0, s1;
	[sflag:s0] =	ssyncset.done @!p0 $0x0  }
0xa4: {  	[sflag:s0] =	ssyncadd.s32 @!p0 s1  }
0xa5: {  	[bflag:$0x3] =	sbarrier.arrive $0xFFFF  }
0xa6: {  	_ =	shalt  }

</sc_bundles>
